<compile_context>
chip_gen: v7x
topology: tpu7x:2x2x1
jax: 0.10.2.dev20260603
libtpu: 0.0.44.dev20260713+nightly
codegen_flags: <defaults>
</compile_context>

<pallas_src>
import functools

import jax
import jax.numpy as jnp
from jax import lax
from jax.experimental import pallas as pl
from jax.experimental.pallas import tpu as pltpu
from jax.experimental.pallas import tpu_sc as plsc

_N, _E, _D, _G = 10000, 320000, 128, 80
_NC, _NS = 2, 16
_NW = _NC * _NS
_CHUNK = 128
_CH = 84
_EPT = _CH * _CHUNK
_OWN = 320
_NPAD = _NW * _OWN
_RPT = _NPAD // _NS


def _sc_segsum_body(h_hbm, src_hbm, dst_hbm, zeros_hbm, out_hbm,
                    idx_s, idx_d, rows, acc, sem):
    c = lax.axis_index("c")
    s = lax.axis_index("s")
    wid = s * _NC + c
    pltpu.sync_copy(src_hbm.at[wid], idx_s)
    pltpu.sync_copy(dst_hbm.at[wid], idx_d)
    pltpu.sync_copy(zeros_hbm.at[pl.ds(s * _RPT, _RPT)],
                    acc.at[pl.ds(s * _RPT, _RPT)])
    plsc.subcore_barrier()

    def chunk(j, carry):
        pltpu.async_copy(h_hbm.at[idx_s.at[j]], rows, sem).wait()
        pltpu.sync_copy(rows, acc.at[idx_d.at[j]], add=True)
        return carry

    lax.fori_loop(0, _CH, chunk, 0)
    plsc.subcore_barrier()
    pltpu.sync_copy(acc.at[pl.ds(s * _RPT, _RPT)],
                    out_hbm.at[c, pl.ds(s * _RPT, _RPT)])


@functools.lru_cache(maxsize=None)
def _get_sc_segsum():
    return pl.kernel(
        _sc_segsum_body,
        out_type=jax.ShapeDtypeStruct((_NC, _NPAD, _D), jnp.float32),
        mesh=plsc.VectorSubcoreMesh(core_axis_name="c", subcore_axis_name="s",
                                    num_cores=_NC, num_subcores=_NS),
        scratch_types=[
            pltpu.VMEM((_CH, _CHUNK), jnp.int32),
            pltpu.VMEM((_CH, _CHUNK), jnp.int32),
            pltpu.VMEM((_CHUNK, _D), jnp.float32),
            pltpu.VMEM_SHARED((_NPAD, _D), jnp.float32),
            pltpu.SemaphoreType.DMA,
        ],
    )


def _dot(a, b):
    return jnp.dot(a, b, preferred_element_type=jnp.float32)


def _hp_dot(a, b):
    return jnp.dot(a, b, preferred_element_type=jnp.float32,
                   precision=lax.Precision.HIGHEST)


def _tc_layer_body(h_ref, agg_ref, w1_ref, b1_ref, w2_ref, b2_ref,
                   g_ref, bb_ref, o_ref):
    z = h_ref[...] + agg_ref[0, :_N, :] + agg_ref[1, :_N, :]
    t = jnp.maximum(_dot(z, w1_ref[...]) + b1_ref[...], 0.0)
    r = jnp.maximum(_dot(t, w2_ref[...]) + b2_ref[...], 0.0)
    m = jnp.mean(r, axis=0, keepdims=True)
    v = jnp.mean(r * r, axis=0, keepdims=True) - m * m
    o_ref[...] = (r - m) / jnp.sqrt(v + 1e-5) * g_ref[...] + bb_ref[...]


def _tc_layer(*args):
    return pl.pallas_call(
        _tc_layer_body,
        out_shape=jax.ShapeDtypeStruct((_N, _D), jnp.float32),
    )(*args)


def _tc_final_body(h_ref, x1_ref, x2_ref, x3_ref, x4_ref, batch_ref,
                   w1_ref, w2_ref, w3_ref, wxd_ref, bxd_ref,
                   wf1_ref, bf1_ref, wf2_ref, bf2_ref, wo_ref, bo_ref,
                   out_ref, pooled_ref):
    ys = x4_ref[...] + _dot(x3_ref[...], w3_ref[...])
    ys = ys + _dot(x2_ref[...], w2_ref[...])
    ys = ys + _dot(x1_ref[...], w1_ref[...])
    ys = ys + h_ref[...]
    gids = lax.broadcasted_iota(jnp.int32, (_G, _N), 0)
    mask = (gids == batch_ref[...]).astype(jnp.float32)
    pooled = _hp_dot(mask, ys)
    pooled_ref[...] = pooled
    xd = jnp.maximum(_dot(pooled, wxd_ref[...]) + bxd_ref[...], 0.0)
    xc = jnp.maximum(_dot(xd, wf1_ref[...]) + bf1_ref[...], 0.0)
    xc = jnp.maximum(_dot(xc, wf2_ref[...]) + bf2_ref[...], 0.0)
    out_ref[...] = _dot(xc, wo_ref[...]) + bo_ref[...]


def kernel(x, edge_index, batch, conv_w1, conv_b1, conv_w2, conv_b2,
           bn_g, bn_b, weight1, weight2, weight3, w_fc_xd, b_fc_xd,
           w_fc1, b_fc1, w_fc2, b_fc2, w_out, b_out):
    src = edge_index[0]
    dst = edge_index[1]
    perm = jnp.argsort(dst, stable=True)
    src_s = src[perm]
    dst_s = dst[perm]
    bounds = jnp.arange(33, dtype=jnp.int32) * _OWN
    starts = jnp.searchsorted(dst_s, bounds).astype(jnp.int32)
    base = starts[:32][:, None] + jnp.arange(_EPT, dtype=jnp.int32)[None, :]
    valid = base < starts[1:][:, None]
    bc = jnp.clip(base, 0, _E - 1)
    ar2 = jnp.arange(_NW * _EPT, dtype=jnp.int32).reshape(_NW, _EPT)
    src_t = jnp.where(valid, src_s[bc], (ar2 * 37) % _N)
    dst_t = jnp.where(valid, dst_s[bc], _N + (ar2 % (_NPAD - _N)))
    src_t = src_t.reshape(_NW, _CH, _CHUNK)
    dst_t = dst_t.reshape(_NW, _CH, _CHUNK)
    zeros = jnp.zeros((_NPAD, _D), jnp.float32)

    h = x
    outs = []
    for i in range(5):
        agg = _get_sc_segsum()(h, src_t, dst_t, zeros)
        h = _tc_layer(h, agg, conv_w1[i], conv_b1[i].reshape(1, _D),
                      conv_w2[i], conv_b2[i].reshape(1, _D),
                      bn_g[i].reshape(1, _D), bn_b[i].reshape(1, _D))
        outs.append(h)
    h0, x1, x2, x3, x4 = outs

    out, pooled = pl.pallas_call(
        _tc_final_body,
        out_shape=[jax.ShapeDtypeStruct((_G, 1), jnp.float32),
                   jax.ShapeDtypeStruct((_G, _D), jnp.float32)],
    )(h0, x1, x2, x3, x4, batch.reshape(1, _N),
      weight1, weight2, weight3, w_fc_xd, b_fc_xd.reshape(1, _D),
      w_fc1, b_fc1.reshape(1, 1024), w_fc2, b_fc2.reshape(1, 256),
      w_out, b_out.reshape(1, 1))
    return (out, pooled.reshape(_G, 1, _D))

# --- scband reference (transcript-rebuilt; emitter-appended) ---
"""Pipeline reference for scband-ginconv-net-83425444758050 (READ-ONLY COPY).

The authoritative reference and input builder live on the scoring server;
editing this copy changes nothing except your own understanding.
"""

import jax, jax.numpy as jnp
import numpy as np

N = 10000
E = 320000
D = 128
G = 80

def setup_inputs(seed: int = 0) -> dict:
    key = jax.random.key(seed)
    ks = jax.random.split(key, 24)
    s = 1.0 / np.sqrt(D)
    inp = {}
    inp['x'] = jax.random.normal(ks[0], (N, D), dtype=jnp.float32)
    inp['edge_index'] = jax.random.randint(ks[1], (2, E), 0, N, dtype=jnp.int32)
    inp['batch'] = jnp.sort(jax.random.randint(ks[2], (N,), 0, G, dtype=jnp.int32))
    inp['conv_w1'] = jax.random.uniform(ks[3], (5, D, D), jnp.float32, -s, s)
    inp['conv_b1'] = jax.random.uniform(ks[4], (5, D), jnp.float32, -s, s)
    inp['conv_w2'] = jax.random.uniform(ks[5], (5, D, D), jnp.float32, -s, s)
    inp['conv_b2'] = jax.random.uniform(ks[6], (5, D), jnp.float32, -s, s)
    inp['bn_g'] = jnp.ones((5, D), jnp.float32)
    inp['bn_b'] = jnp.zeros((5, D), jnp.float32)
    inp['weight1'] = jax.random.uniform(ks[7], (D, D), jnp.float32, -s, s)
    inp['weight2'] = jax.random.uniform(ks[8], (D, D), jnp.float32, -s, s)
    inp['weight3'] = jax.random.uniform(ks[9], (D, D), jnp.float32, -s, s)
    inp['w_fc_xd'] = jax.random.uniform(ks[10], (D, D), jnp.float32, -s, s)
    inp['b_fc_xd'] = jax.random.uniform(ks[11], (D,), jnp.float32, -s, s)
    inp['w_fc1'] = jax.random.uniform(ks[12], (D, 1024), jnp.float32, -s, s)
    inp['b_fc1'] = jax.random.uniform(ks[13], (1024,), jnp.float32, -s, s)
    s2 = 1.0 / np.sqrt(1024)
    inp['w_fc2'] = jax.random.uniform(ks[14], (1024, 256), jnp.float32, -s2, s2)
    inp['b_fc2'] = jax.random.uniform(ks[15], (256,), jnp.float32, -s2, s2)
    s3 = 1.0 / np.sqrt(256)
    inp['w_out'] = jax.random.uniform(ks[16], (256, 1), jnp.float32, -s3, s3)
    inp['b_out'] = jax.random.uniform(ks[17], (1,), jnp.float32, -s3, s3)
    return inp

def _bn(h, g, b):
    m = jnp.mean(h, axis=0)
    v = jnp.var(h, axis=0)
    return (h - m) / jnp.sqrt(v + 1e-5) * g + b

def _gin(h, src, dst, w1, b1, w2, b2):
    agg = jax.ops.segment_sum(h[src], dst, num_segments=h.shape[0])
    z = h + agg
    z = jnp.maximum(z @ w1 + b1, 0.0)
    return z @ w2 + b2

def reference(x, edge_index, batch, conv_w1, conv_b1, conv_w2, conv_b2, bn_g, bn_b, weight1, weight2, weight3, w_fc_xd, b_fc_xd, w_fc1, b_fc1, w_fc2, b_fc2, w_out, b_out):
    src, dst = edge_index[0], edge_index[1]
    h = jnp.maximum(_gin(x, src, dst, conv_w1[0], conv_b1[0], conv_w2[0], conv_b2[0]), 0.0)
    h = _bn(h, bn_g[0], bn_b[0])
    x1 = jnp.maximum(_gin(h, src, dst, conv_w1[1], conv_b1[1], conv_w2[1], conv_b2[1]), 0.0)
    x1 = _bn(x1, bn_g[1], bn_b[1])
    x2 = jnp.maximum(_gin(x1, src, dst, conv_w1[2], conv_b1[2], conv_w2[2], conv_b2[2]), 0.0)
    x2 = _bn(x2, bn_g[2], bn_b[2])
    x3 = jnp.maximum(_gin(x2, src, dst, conv_w1[3], conv_b1[3], conv_w2[3], conv_b2[3]), 0.0)
    x3 = _bn(x3, bn_g[3], bn_b[3])
    x4 = jnp.maximum(_gin(x3, src, dst, conv_w1[4], conv_b1[4], conv_w2[4], conv_b2[4]), 0.0)
    x4 = _bn(x4, bn_g[4], bn_b[4])
    x1m = x1 @ weight1
    x2m = x2 @ weight2
    x3m = x3 @ weight3
    pooled = jax.ops.segment_sum(x4 + x3m + x2m + x1m + h, batch, num_segments=G)
    x_protein = pooled.reshape(G, 1, D)
    xd = jnp.maximum(pooled @ w_fc_xd + b_fc_xd, 0.0)
    xc = jnp.maximum(xd @ w_fc1 + b_fc1, 0.0)
    xc = jnp.maximum(xc @ w_fc2 + b_fc2, 0.0)
    out = xc @ w_out + b_out
    return (out, x_protein)

if __name__ == "__main__":
    import jax
    _d = setup_inputs()
    print(jax.jit(kernel)(*tuple(_d.values())))

</pallas_src>

<mosaic_0001>
#map = affine_map<(d0, d1) -> (0, 0)>
#map1 = affine_map<(d0, d1) -> (0, 0, 0)>
module attributes {stable_mosaic.version = 14 : i64} {
  func.func @_sc_segsum_body(%arg0: i32, %arg1: i32, %arg2: memref<10000x128xf32, #tpu.memory_space<hbm>>, %arg3: memref<32x84x128xi32, #tpu.memory_space<hbm>>, %arg4: memref<32x84x128xi32, #tpu.memory_space<hbm>>, %arg5: memref<10240x128xf32, #tpu.memory_space<hbm>>, %arg6: memref<2x10240x128xf32, #tpu.memory_space<hbm>>, %arg7: memref<84x128xi32, #tpu.memory_space<vmem>>, %arg8: memref<84x128xi32, #tpu.memory_space<vmem>>, %arg9: memref<128x128xf32, #tpu.memory_space<vmem>>, %arg10: memref<10240x128xf32, #tpu.memory_space<vmem_shared>>, %arg11: memref<!tpu.dma_semaphore, #tpu.memory_space<semaphore_mem>>) attributes {dimension_semantics = [#tpu.dimension_semantics<core_parallel>, #tpu.dimension_semantics<subcore_parallel>], iteration_bounds = array<i64: 2, 16>, scalar_prefetch = 0 : i64, scratch_operands = 5 : i64, tpu.core_type = #tpu.core_type<sc_vector_subcore>, window_params = [{transform_indices = #map}, {transform_indices = #map1}, {transform_indices = #map1}, {transform_indices = #map}, {transform_indices = #map1}]} {
    %mul3A = arith.constant 2 : i32
    %mul3A_0 = arith.muli %arg1, %mul3A : i32
    %add3A = arith.addi %mul3A_0, %arg0 : i32
    "tpu.region"() ({
      %run_scoped3A = tpu.sem_alloc : memref<!tpu.dma_semaphore, #tpu.memory_space<semaphore_mem>>
      %dma_start3A = arith.constant 0 : i32
      %dma_start3A_15 = arith.constant 0 : i32
      %dma_start3A_16 = tpu.memref_slice %arg3[%add3A, %dma_start3A, %dma_start3A_15] : memref<32x84x128xi32, #tpu.memory_space<hbm>> -> memref<1x84x128xi32, #tpu.memory_space<hbm>>
      %dma_start3A_17 = tpu.memref_squeeze %dma_start3A_16 : memref<1x84x128xi32, #tpu.memory_space<hbm>> -> memref<84x128xi32, #tpu.memory_space<hbm>>
      %dma_start3A_18 = arith.constant 0 : i32
      %dma_start3A_19 = arith.constant 0 : i32
      %dma_start3A_20 = tpu.memref_slice %arg3[%add3A, %dma_start3A_18, %dma_start3A_19] : memref<32x84x128xi32, #tpu.memory_space<hbm>> -> memref<1x84x128xi32, #tpu.memory_space<hbm>>
      %dma_start3A_21 = tpu.memref_squeeze %dma_start3A_20 : memref<1x84x128xi32, #tpu.memory_space<hbm>> -> memref<84x128xi32, #tpu.memory_space<hbm>>
      tpu.enqueue_dma source(%dma_start3A_21 : memref<84x128xi32, #tpu.memory_space<hbm>>) target(%arg7 : memref<84x128xi32, #tpu.memory_space<vmem>>) target_semaphore(%run_scoped3A : memref<!tpu.dma_semaphore, #tpu.memory_space<semaphore_mem>>)
      %dma_wait3A = arith.constant 0 : i32
      %dma_wait3A_22 = arith.constant 0 : i32
      %dma_wait3A_23 = tpu.memref_slice %arg3[%add3A, %dma_wait3A, %dma_wait3A_22] : memref<32x84x128xi32, #tpu.memory_space<hbm>> -> memref<1x84x128xi32, #tpu.memory_space<hbm>>
      %dma_wait3A_24 = tpu.memref_squeeze %dma_wait3A_23 : memref<1x84x128xi32, #tpu.memory_space<hbm>> -> memref<84x128xi32, #tpu.memory_space<hbm>>
      %dma_wait3A_25 = arith.constant 0 : i32
      %dma_wait3A_26 = arith.constant 0 : i32
      %dma_wait3A_27 = tpu.memref_slice %arg3[%add3A, %dma_wait3A_25, %dma_wait3A_26] : memref<32x84x128xi32, #tpu.memory_space<hbm>> -> memref<1x84x128xi32, #tpu.memory_space<hbm>>
      %dma_wait3A_28 = tpu.memref_squeeze %dma_wait3A_27 : memref<1x84x128xi32, #tpu.memory_space<hbm>> -> memref<84x128xi32, #tpu.memory_space<hbm>>
      tpu.wait_dma2 semaphore(%run_scoped3A : memref<!tpu.dma_semaphore, #tpu.memory_space<semaphore_mem>>) src(%dma_wait3A_28 : memref<84x128xi32, #tpu.memory_space<hbm>>) dst(%arg7 : memref<84x128xi32, #tpu.memory_space<vmem>>)
      tpu.yield
    }) : () -> ()
    "tpu.region"() ({
      %run_scoped3A = tpu.sem_alloc : memref<!tpu.dma_semaphore, #tpu.memory_space<semaphore_mem>>
      %dma_start3A = arith.constant 0 : i32
      %dma_start3A_15 = arith.constant 0 : i32
      %dma_start3A_16 = tpu.memref_slice %arg4[%add3A, %dma_start3A, %dma_start3A_15] : memref<32x84x128xi32, #tpu.memory_space<hbm>> -> memref<1x84x128xi32, #tpu.memory_space<hbm>>
      %dma_start3A_17 = tpu.memref_squeeze %dma_start3A_16 : memref<1x84x128xi32, #tpu.memory_space<hbm>> -> memref<84x128xi32, #tpu.memory_space<hbm>>
      %dma_start3A_18 = arith.constant 0 : i32
      %dma_start3A_19 = arith.constant 0 : i32
      %dma_start3A_20 = tpu.memref_slice %arg4[%add3A, %dma_start3A_18, %dma_start3A_19] : memref<32x84x128xi32, #tpu.memory_space<hbm>> -> memref<1x84x128xi32, #tpu.memory_space<hbm>>
      %dma_start3A_21 = tpu.memref_squeeze %dma_start3A_20 : memref<1x84x128xi32, #tpu.memory_space<hbm>> -> memref<84x128xi32, #tpu.memory_space<hbm>>
      tpu.enqueue_dma source(%dma_start3A_21 : memref<84x128xi32, #tpu.memory_space<hbm>>) target(%arg8 : memref<84x128xi32, #tpu.memory_space<vmem>>) target_semaphore(%run_scoped3A : memref<!tpu.dma_semaphore, #tpu.memory_space<semaphore_mem>>)
      %dma_wait3A = arith.constant 0 : i32
      %dma_wait3A_22 = arith.constant 0 : i32
      %dma_wait3A_23 = tpu.memref_slice %arg4[%add3A, %dma_wait3A, %dma_wait3A_22] : memref<32x84x128xi32, #tpu.memory_space<hbm>> -> memref<1x84x128xi32, #tpu.memory_space<hbm>>
      %dma_wait3A_24 = tpu.memref_squeeze %dma_wait3A_23 : memref<1x84x128xi32, #tpu.memory_space<hbm>> -> memref<84x128xi32, #tpu.memory_space<hbm>>
      %dma_wait3A_25 = arith.constant 0 : i32
      %dma_wait3A_26 = arith.constant 0 : i32
      %dma_wait3A_27 = tpu.memref_slice %arg4[%add3A, %dma_wait3A_25, %dma_wait3A_26] : memref<32x84x128xi32, #tpu.memory_space<hbm>> -> memref<1x84x128xi32, #tpu.memory_space<hbm>>
      %dma_wait3A_28 = tpu.memref_squeeze %dma_wait3A_27 : memref<1x84x128xi32, #tpu.memory_space<hbm>> -> memref<84x128xi32, #tpu.memory_space<hbm>>
      tpu.wait_dma2 semaphore(%run_scoped3A : memref<!tpu.dma_semaphore, #tpu.memory_space<semaphore_mem>>) src(%dma_wait3A_28 : memref<84x128xi32, #tpu.memory_space<hbm>>) dst(%arg8 : memref<84x128xi32, #tpu.memory_space<vmem>>)
      tpu.yield
    }) : () -> ()
    %mul3A_1 = arith.constant 640 : i32
    %mul3A_2 = arith.muli %arg1, %mul3A_1 : i32
    %mul3A_3 = arith.constant 640 : i32
    %mul3A_4 = arith.muli %arg1, %mul3A_3 : i32
    "tpu.region"() ({
      %run_scoped3A = tpu.sem_alloc : memref<!tpu.dma_semaphore, #tpu.memory_space<semaphore_mem>>
      %dma_start3A = arith.constant 0 : i32
      %dma_start3A_15 = tpu.memref_slice %arg10[%mul3A_4, %dma_start3A] : memref<10240x128xf32, #tpu.memory_space<vmem_shared>> -> memref<640x128xf32, #tpu.memory_space<vmem_shared>>
      %dma_start3A_16 = arith.constant 0 : i32
      %dma_start3A_17 = tpu.memref_slice %arg5[%mul3A_2, %dma_start3A_16] : memref<10240x128xf32, #tpu.memory_space<hbm>> -> memref<640x128xf32, #tpu.memory_space<hbm>>
      tpu.enqueue_dma source(%dma_start3A_17 : memref<640x128xf32, #tpu.memory_space<hbm>>) target(%dma_start3A_15 : memref<640x128xf32, #tpu.memory_space<vmem_shared>>) target_semaphore(%run_scoped3A : memref<!tpu.dma_semaphore, #tpu.memory_space<semaphore_mem>>)
      %dma_wait3A = arith.constant 0 : i32
      %dma_wait3A_18 = tpu.memref_slice %arg10[%mul3A_4, %dma_wait3A] : memref<10240x128xf32, #tpu.memory_space<vmem_shared>> -> memref<640x128xf32, #tpu.memory_space<vmem_shared>>
      %dma_wait3A_19 = arith.constant 0 : i32
      %dma_wait3A_20 = tpu.memref_slice %arg5[%mul3A_2, %dma_wait3A_19] : memref<10240x128xf32, #tpu.memory_space<hbm>> -> memref<640x128xf32, #tpu.memory_space<hbm>>
      tpu.wait_dma2 semaphore(%run_scoped3A : memref<!tpu.dma_semaphore, #tpu.memory_space<semaphore_mem>>) src(%dma_wait3A_20 : memref<640x128xf32, #tpu.memory_space<hbm>>) dst(%dma_wait3A_18 : memref<640x128xf32, #tpu.memory_space<vmem_shared>>)
      tpu.yield
    }) : () -> ()
    %barrier3A = arith.constant 0 : index
    tpu.barrier barrier_id(%barrier3A)
    %scan3A = arith.constant 0 : i32
    %scan3A_5 = arith.constant 0 : i32
    %scan3A_6 = arith.constant 84 : i32
    %scan3A_7 = arith.addi %scan3A_5, %scan3A_6 : i32
    %scan3A_8 = arith.constant 1 : i32
    scf.for %scan3A_15 = %scan3A_5 to %scan3A_7 step %scan3A_8  : i32 {
      %dma_start3A = arith.constant 0 : i32
      %dma_start3A_16 = tpu.memref_slice %arg7[%scan3A_15, %dma_start3A] : memref<84x128xi32, #tpu.memory_space<vmem>> -> memref<1x128xi32, #tpu.memory_space<vmem>>
      %dma_start3A_17 = tpu.memref_squeeze %dma_start3A_16 : memref<1x128xi32, #tpu.memory_space<vmem>> -> memref<128xi32, #tpu.memory_space<vmem>>
      %dma_start3A_18 = arith.constant 0 : i32
      %dma_start3A_19 = arith.constant 0 : i32
      %dma_start3A_20 = tpu.memref_slice %arg2[%dma_start3A_18, %dma_start3A_19] : memref<10000x128xf32, #tpu.memory_space<hbm>> -> memref<10000x128xf32, #tpu.memory_space<hbm>>
      tpu.enqueue_indirect_dma source(%dma_start3A_20 : memref<10000x128xf32, #tpu.memory_space<hbm>>) target(%arg9 : memref<128x128xf32, #tpu.memory_space<vmem>>) offsets(%dma_start3A_17 : memref<128xi32, #tpu.memory_space<vmem>>) semaphore(%arg11 : memref<!tpu.dma_semaphore, #tpu.memory_space<semaphore_mem>>)
      %dma_wait3A = arith.constant 0 : i32
      %dma_wait3A_21 = tpu.memref_slice %arg7[%scan3A_15, %dma_wait3A] : memref<84x128xi32, #tpu.memory_space<vmem>> -> memref<1x128xi32, #tpu.memory_space<vmem>>
      %dma_wait3A_22 = tpu.memref_squeeze %dma_wait3A_21 : memref<1x128xi32, #tpu.memory_space<vmem>> -> memref<128xi32, #tpu.memory_space<vmem>>
      %dma_wait3A_23 = arith.constant 0 : i32
      %dma_wait3A_24 = arith.constant 0 : i32
      %dma_wait3A_25 = tpu.memref_slice %arg2[%dma_wait3A_23, %dma_wait3A_24] : memref<10000x128xf32, #tpu.memory_space<hbm>> -> memref<10000x128xf32, #tpu.memory_space<hbm>>
      tpu.wait_indirect_dma semaphore(%arg11 : memref<!tpu.dma_semaphore, #tpu.memory_space<semaphore_mem>>) src(%dma_wait3A_25 : memref<10000x128xf32, #tpu.memory_space<hbm>>) dst(%arg9 : memref<128x128xf32, #tpu.memory_space<vmem>>)
      "tpu.region"() ({
        %run_scoped3A = tpu.sem_alloc : memref<!tpu.dma_semaphore, #tpu.memory_space<semaphore_mem>>
        %dma_start3A_26 = arith.constant 0 : i32
        %dma_start3A_27 = tpu.memref_slice %arg8[%scan3A_15, %dma_start3A_26] : memref<84x128xi32, #tpu.memory_space<vmem>> -> memref<1x128xi32, #tpu.memory_space<vmem>>
        %dma_start3A_28 = tpu.memref_squeeze %dma_start3A_27 : memref<1x128xi32, #tpu.memory_space<vmem>> -> memref<128xi32, #tpu.memory_space<vmem>>
        %dma_start3A_29 = arith.constant 0 : i32
        %dma_start3A_30 = arith.constant 0 : i32
        %dma_start3A_31 = tpu.memref_slice %arg10[%dma_start3A_29, %dma_start3A_30] : memref<10240x128xf32, #tpu.memory_space<vmem_shared>> -> memref<10240x128xf32, #tpu.memory_space<vmem_shared>>
        tpu.enqueue_indirect_dma source(%arg9 : memref<128x128xf32, #tpu.memory_space<vmem>>) target(%dma_start3A_31 : memref<10240x128xf32, #tpu.memory_space<vmem_shared>>) offsets(%dma_start3A_28 : memref<128xi32, #tpu.memory_space<vmem>>) semaphore(%run_scoped3A : memref<!tpu.dma_semaphore, #tpu.memory_space<semaphore_mem>>) {add = true}
        %dma_wait3A_32 = arith.constant 0 : i32
        %dma_wait3A_33 = tpu.memref_slice %arg8[%scan3A_15, %dma_wait3A_32] : memref<84x128xi32, #tpu.memory_space<vmem>> -> memref<1x128xi32, #tpu.memory_space<vmem>>
        %dma_wait3A_34 = tpu.memref_squeeze %dma_wait3A_33 : memref<1x128xi32, #tpu.memory_space<vmem>> -> memref<128xi32, #tpu.memory_space<vmem>>
        %dma_wait3A_35 = arith.constant 0 : i32
        %dma_wait3A_36 = arith.constant 0 : i32
        %dma_wait3A_37 = tpu.memref_slice %arg10[%dma_wait3A_35, %dma_wait3A_36] : memref<10240x128xf32, #tpu.memory_space<vmem_shared>> -> memref<10240x128xf32, #tpu.memory_space<vmem_shared>>
        tpu.wait_indirect_dma semaphore(%run_scoped3A : memref<!tpu.dma_semaphore, #tpu.memory_space<semaphore_mem>>) src(%arg9 : memref<128x128xf32, #tpu.memory_space<vmem>>) dst(%dma_wait3A_37 : memref<10240x128xf32, #tpu.memory_space<vmem_shared>>)
        tpu.yield
      }) : () -> ()
    }
    %scan3A_9 = arith.constant 84 : i32
    %barrier3A_10 = arith.constant 0 : index
    tpu.barrier barrier_id(%barrier3A_10)
    %mul3A_11 = arith.constant 640 : i32
    %mul3A_12 = arith.muli %arg1, %mul3A_11 : i32
    %mul3A_13 = arith.constant 640 : i32
    %mul3A_14 = arith.muli %arg1, %mul3A_13 : i32
    "tpu.region"() ({
      %run_scoped3A = tpu.sem_alloc : memref<!tpu.dma_semaphore, #tpu.memory_space<semaphore_mem>>
      %dma_start3A = arith.constant 0 : i32
      %dma_start3A_15 = tpu.memref_slice %arg6[%arg0, %mul3A_14, %dma_start3A] : memref<2x10240x128xf32, #tpu.memory_space<hbm>> -> memref<1x640x128xf32, #tpu.memory_space<hbm>>
      %dma_start3A_16 = tpu.memref_squeeze %dma_start3A_15 : memref<1x640x128xf32, #tpu.memory_space<hbm>> -> memref<640x128xf32, #tpu.memory_space<hbm>>
      %dma_start3A_17 = arith.constant 0 : i32
      %dma_start3A_18 = tpu.memref_slice %arg10[%mul3A_12, %dma_start3A_17] : memref<10240x128xf32, #tpu.memory_space<vmem_shared>> -> memref<640x128xf32, #tpu.memory_space<vmem_shared>>
      tpu.enqueue_dma source(%dma_start3A_18 : memref<640x128xf32, #tpu.memory_space<vmem_shared>>) target(%dma_start3A_16 : memref<640x128xf32, #tpu.memory_space<hbm>>) target_semaphore(%run_scoped3A : memref<!tpu.dma_semaphore, #tpu.memory_space<semaphore_mem>>)
      %dma_wait3A = arith.constant 0 : i32
      %dma_wait3A_19 = tpu.memref_slice %arg6[%arg0, %mul3A_14, %dma_wait3A] : memref<2x10240x128xf32, #tpu.memory_space<hbm>> -> memref<1x640x128xf32, #tpu.memory_space<hbm>>
      %dma_wait3A_20 = tpu.memref_squeeze %dma_wait3A_19 : memref<1x640x128xf32, #tpu.memory_space<hbm>> -> memref<640x128xf32, #tpu.memory_space<hbm>>
      %dma_wait3A_21 = arith.constant 0 : i32
      %dma_wait3A_22 = tpu.memref_slice %arg10[%mul3A_12, %dma_wait3A_21] : memref<10240x128xf32, #tpu.memory_space<vmem_shared>> -> memref<640x128xf32, #tpu.memory_space<vmem_shared>>
      tpu.wait_dma2 semaphore(%run_scoped3A : memref<!tpu.dma_semaphore, #tpu.memory_space<semaphore_mem>>) src(%dma_wait3A_22 : memref<640x128xf32, #tpu.memory_space<vmem_shared>>) dst(%dma_wait3A_20 : memref<640x128xf32, #tpu.memory_space<hbm>>)
      tpu.yield
    }) : () -> ()
    return
  }
}

#map = affine_map<(d0, d1) -> (0, 0)>
#map1 = affine_map<(d0, d1) -> (0, 0, 0)>
module attributes {stable_mosaic.version = 14 : i64} {
  func.func @_sc_segsum_body(%arg0: i32, %arg1: i32, %arg2: memref<10000x128xf32, #tpu.memory_space<hbm>>, %arg3: memref<32x84x128xi32, #tpu.memory_space<hbm>>, %arg4: memref<32x84x128xi32, #tpu.memory_space<hbm>>, %arg5: memref<10240x128xf32, #tpu.memory_space<hbm>>, %arg6: memref<2x10240x128xf32, #tpu.memory_space<hbm>>, %arg7: memref<84x128xi32, #tpu.memory_space<vmem>>, %arg8: memref<84x128xi32, #tpu.memory_space<vmem>>, %arg9: memref<128x128xf32, #tpu.memory_space<vmem>>, %arg10: memref<10240x128xf32, #tpu.memory_space<vmem_shared>>, %arg11: memref<!tpu.dma_semaphore, #tpu.memory_space<semaphore_mem>>) attributes {dimension_semantics = [#tpu.dimension_semantics<core_parallel>, #tpu.dimension_semantics<subcore_parallel>], iteration_bounds = array<i64: 2, 16>, scalar_prefetch = 0 : i64, scratch_operands = 5 : i64, tpu.core_type = #tpu.core_type<sc_vector_subcore>, window_params = [{transform_indices = #map}, {transform_indices = #map1}, {transform_indices = #map1}, {transform_indices = #map}, {transform_indices = #map1}]} {
    %mul3A = arith.constant 2 : i32
    %mul3A_0 = arith.muli %arg1, %mul3A : i32
    %add3A = arith.addi %mul3A_0, %arg0 : i32
    "tpu.region"() ({
      %run_scoped3A = tpu.sem_alloc : memref<!tpu.dma_semaphore, #tpu.memory_space<semaphore_mem>>
      %dma_start3A = arith.constant 0 : i32
      %dma_start3A_15 = arith.constant 0 : i32
      %dma_start3A_16 = tpu.memref_slice %arg3[%add3A, %dma_start3A, %dma_start3A_15] : memref<32x84x128xi32, #tpu.memory_space<hbm>> -> memref<1x84x128xi32, #tpu.memory_space<hbm>>
      %dma_start3A_17 = tpu.memref_squeeze %dma_start3A_16 : memref<1x84x128xi32, #tpu.memory_space<hbm>> -> memref<84x128xi32, #tpu.memory_space<hbm>>
      %dma_start3A_18 = arith.constant 0 : i32
      %dma_start3A_19 = arith.constant 0 : i32
      %dma_start3A_20 = tpu.memref_slice %arg3[%add3A, %dma_start3A_18, %dma_start3A_19] : memref<32x84x128xi32, #tpu.memory_space<hbm>> -> memref<1x84x128xi32, #tpu.memory_space<hbm>>
      %dma_start3A_21 = tpu.memref_squeeze %dma_start3A_20 : memref<1x84x128xi32, #tpu.memory_space<hbm>> -> memref<84x128xi32, #tpu.memory_space<hbm>>
      tpu.enqueue_dma source(%dma_start3A_21 : memref<84x128xi32, #tpu.memory_space<hbm>>) target(%arg7 : memref<84x128xi32, #tpu.memory_space<vmem>>) target_semaphore(%run_scoped3A : memref<!tpu.dma_semaphore, #tpu.memory_space<semaphore_mem>>)
      %dma_wait3A = arith.constant 0 : i32
      %dma_wait3A_22 = arith.constant 0 : i32
      %dma_wait3A_23 = tpu.memref_slice %arg3[%add3A, %dma_wait3A, %dma_wait3A_22] : memref<32x84x128xi32, #tpu.memory_space<hbm>> -> memref<1x84x128xi32, #tpu.memory_space<hbm>>
      %dma_wait3A_24 = tpu.memref_squeeze %dma_wait3A_23 : memref<1x84x128xi32, #tpu.memory_space<hbm>> -> memref<84x128xi32, #tpu.memory_space<hbm>>
      %dma_wait3A_25 = arith.constant 0 : i32
      %dma_wait3A_26 = arith.constant 0 : i32
      %dma_wait3A_27 = tpu.memref_slice %arg3[%add3A, %dma_wait3A_25, %dma_wait3A_26] : memref<32x84x128xi32, #tpu.memory_space<hbm>> -> memref<1x84x128xi32, #tpu.memory_space<hbm>>
      %dma_wait3A_28 = tpu.memref_squeeze %dma_wait3A_27 : memref<1x84x128xi32, #tpu.memory_space<hbm>> -> memref<84x128xi32, #tpu.memory_space<hbm>>
      tpu.wait_dma2 semaphore(%run_scoped3A : memref<!tpu.dma_semaphore, #tpu.memory_space<semaphore_mem>>) src(%dma_wait3A_28 : memref<84x128xi32, #tpu.memory_space<hbm>>) dst(%arg7 : memref<84x128xi32, #tpu.memory_space<vmem>>)
      tpu.yield
    }) : () -> ()
    "tpu.region"() ({
      %run_scoped3A = tpu.sem_alloc : memref<!tpu.dma_semaphore, #tpu.memory_space<semaphore_mem>>
      %dma_start3A = arith.constant 0 : i32
      %dma_start3A_15 = arith.constant 0 : i32
      %dma_start3A_16 = tpu.memref_slice %arg4[%add3A, %dma_start3A, %dma_start3A_15] : memref<32x84x128xi32, #tpu.memory_space<hbm>> -> memref<1x84x128xi32, #tpu.memory_space<hbm>>
      %dma_start3A_17 = tpu.memref_squeeze %dma_start3A_16 : memref<1x84x128xi32, #tpu.memory_space<hbm>> -> memref<84x128xi32, #tpu.memory_space<hbm>>
      %dma_start3A_18 = arith.constant 0 : i32
      %dma_start3A_19 = arith.constant 0 : i32
      %dma_start3A_20 = tpu.memref_slice %arg4[%add3A, %dma_start3A_18, %dma_start3A_19] : memref<32x84x128xi32, #tpu.memory_space<hbm>> -> memref<1x84x128xi32, #tpu.memory_space<hbm>>
      %dma_start3A_21 = tpu.memref_squeeze %dma_start3A_20 : memref<1x84x128xi32, #tpu.memory_space<hbm>> -> memref<84x128xi32, #tpu.memory_space<hbm>>
      tpu.enqueue_dma source(%dma_start3A_21 : memref<84x128xi32, #tpu.memory_space<hbm>>) target(%arg8 : memref<84x128xi32, #tpu.memory_space<vmem>>) target_semaphore(%run_scoped3A : memref<!tpu.dma_semaphore, #tpu.memory_space<semaphore_mem>>)
      %dma_wait3A = arith.constant 0 : i32
      %dma_wait3A_22 = arith.constant 0 : i32
      %dma_wait3A_23 = tpu.memref_slice %arg4[%add3A, %dma_wait3A, %dma_wait3A_22] : memref<32x84x128xi32, #tpu.memory_space<hbm>> -> memref<1x84x128xi32, #tpu.memory_space<hbm>>
      %dma_wait3A_24 = tpu.memref_squeeze %dma_wait3A_23 : memref<1x84x128xi32, #tpu.memory_space<hbm>> -> memref<84x128xi32, #tpu.memory_space<hbm>>
      %dma_wait3A_25 = arith.constant 0 : i32
      %dma_wait3A_26 = arith.constant 0 : i32
      %dma_wait3A_27 = tpu.memref_slice %arg4[%add3A, %dma_wait3A_25, %dma_wait3A_26] : memref<32x84x128xi32, #tpu.memory_space<hbm>> -> memref<1x84x128xi32, #tpu.memory_space<hbm>>
      %dma_wait3A_28 = tpu.memref_squeeze %dma_wait3A_27 : memref<1x84x128xi32, #tpu.memory_space<hbm>> -> memref<84x128xi32, #tpu.memory_space<hbm>>
      tpu.wait_dma2 semaphore(%run_scoped3A : memref<!tpu.dma_semaphore, #tpu.memory_space<semaphore_mem>>) src(%dma_wait3A_28 : memref<84x128xi32, #tpu.memory_space<hbm>>) dst(%arg8 : memref<84x128xi32, #tpu.memory_space<vmem>>)
      tpu.yield
    }) : () -> ()
    %mul3A_1 = arith.constant 640 : i32
    %mul3A_2 = arith.muli %arg1, %mul3A_1 : i32
    %mul3A_3 = arith.constant 640 : i32
    %mul3A_4 = arith.muli %arg1, %mul3A_3 : i32
    "tpu.region"() ({
      %run_scoped3A = tpu.sem_alloc : memref<!tpu.dma_semaphore, #tpu.memory_space<semaphore_mem>>
      %dma_start3A = arith.constant 0 : i32
      %dma_start3A_15 = tpu.memref_slice %arg10[%mul3A_4, %dma_start3A] : memref<10240x128xf32, #tpu.memory_space<vmem_shared>> -> memref<640x128xf32, #tpu.memory_space<vmem_shared>>
      %dma_start3A_16 = arith.constant 0 : i32
      %dma_start3A_17 = tpu.memref_slice %arg5[%mul3A_2, %dma_start3A_16] : memref<10240x128xf32, #tpu.memory_space<hbm>> -> memref<640x128xf32, #tpu.memory_space<hbm>>
      tpu.enqueue_dma source(%dma_start3A_17 : memref<640x128xf32, #tpu.memory_space<hbm>>) target(%dma_start3A_15 : memref<640x128xf32, #tpu.memory_space<vmem_shared>>) target_semaphore(%run_scoped3A : memref<!tpu.dma_semaphore, #tpu.memory_space<semaphore_mem>>)
      %dma_wait3A = arith.constant 0 : i32
      %dma_wait3A_18 = tpu.memref_slice %arg10[%mul3A_4, %dma_wait3A] : memref<10240x128xf32, #tpu.memory_space<vmem_shared>> -> memref<640x128xf32, #tpu.memory_space<vmem_shared>>
      %dma_wait3A_19 = arith.constant 0 : i32
      %dma_wait3A_20 = tpu.memref_slice %arg5[%mul3A_2, %dma_wait3A_19] : memref<10240x128xf32, #tpu.memory_space<hbm>> -> memref<640x128xf32, #tpu.memory_space<hbm>>
      tpu.wait_dma2 semaphore(%run_scoped3A : memref<!tpu.dma_semaphore, #tpu.memory_space<semaphore_mem>>) src(%dma_wait3A_20 : memref<640x128xf32, #tpu.memory_space<hbm>>) dst(%dma_wait3A_18 : memref<640x128xf32, #tpu.memory_space<vmem_shared>>)
      tpu.yield
    }) : () -> ()
    %barrier3A = arith.constant 0 : index
    tpu.barrier barrier_id(%barrier3A)
    %scan3A = arith.constant 0 : i32
    %scan3A_5 = arith.constant 0 : i32
    %scan3A_6 = arith.constant 84 : i32
    %scan3A_7 = arith.addi %scan3A_5, %scan3A_6 : i32
    %scan3A_8 = arith.constant 1 : i32
    scf.for %scan3A_15 = %scan3A_5 to %scan3A_7 step %scan3A_8  : i32 {
      %dma_start3A = arith.constant 0 : i32
      %dma_start3A_16 = tpu.memref_slice %arg7[%scan3A_15, %dma_start3A] : memref<84x128xi32, #tpu.memory_space<vmem>> -> memref<1x128xi32, #tpu.memory_space<vmem>>
      %dma_start3A_17 = tpu.memref_squeeze %dma_start3A_16 : memref<1x128xi32, #tpu.memory_space<vmem>> -> memref<128xi32, #tpu.memory_space<vmem>>
      %dma_start3A_18 = arith.constant 0 : i32
      %dma_start3A_19 = arith.constant 0 : i32
      %dma_start3A_20 = tpu.memref_slice %arg2[%dma_start3A_18, %dma_start3A_19] : memref<10000x128xf32, #tpu.memory_space<hbm>> -> memref<10000x128xf32, #tpu.memory_space<hbm>>
      tpu.enqueue_indirect_dma source(%dma_start3A_20 : memref<10000x128xf32, #tpu.memory_space<hbm>>) target(%arg9 : memref<128x128xf32, #tpu.memory_space<vmem>>) offsets(%dma_start3A_17 : memref<128xi32, #tpu.memory_space<vmem>>) semaphore(%arg11 : memref<!tpu.dma_semaphore, #tpu.memory_space<semaphore_mem>>)
      %dma_wait3A = arith.constant 0 : i32
      %dma_wait3A_21 = tpu.memref_slice %arg7[%scan3A_15, %dma_wait3A] : memref<84x128xi32, #tpu.memory_space<vmem>> -> memref<1x128xi32, #tpu.memory_space<vmem>>
      %dma_wait3A_22 = tpu.memref_squeeze %dma_wait3A_21 : memref<1x128xi32, #tpu.memory_space<vmem>> -> memref<128xi32, #tpu.memory_space<vmem>>
      %dma_wait3A_23 = arith.constant 0 : i32
      %dma_wait3A_24 = arith.constant 0 : i32
      %dma_wait3A_25 = tpu.memref_slice %arg2[%dma_wait3A_23, %dma_wait3A_24] : memref<10000x128xf32, #tpu.memory_space<hbm>> -> memref<10000x128xf32, #tpu.memory_space<hbm>>
      tpu.wait_indirect_dma semaphore(%arg11 : memref<!tpu.dma_semaphore, #tpu.memory_space<semaphore_mem>>) src(%dma_wait3A_25 : memref<10000x128xf32, #tpu.memory_space<hbm>>) dst(%arg9 : memref<128x128xf32, #tpu.memory_space<vmem>>)
      "tpu.region"() ({
        %run_scoped3A = tpu.sem_alloc : memref<!tpu.dma_semaphore, #tpu.memory_space<semaphore_mem>>
        %dma_start3A_26 = arith.constant 0 : i32
        %dma_start3A_27 = tpu.memref_slice %arg8[%scan3A_15, %dma_start3A_26] : memref<84x128xi32, #tpu.memory_space<vmem>> -> memref<1x128xi32, #tpu.memory_space<vmem>>
        %dma_start3A_28 = tpu.memref_squeeze %dma_start3A_27 : memref<1x128xi32, #tpu.memory_space<vmem>> -> memref<128xi32, #tpu.memory_space<vmem>>
        %dma_start3A_29 = arith.constant 0 : i32
        %dma_start3A_30 = arith.constant 0 : i32
        %dma_start3A_31 = tpu.memref_slice %arg10[%dma_start3A_29, %dma_start3A_30] : memref<10240x128xf32, #tpu.memory_space<vmem_shared>> -> memref<10240x128xf32, #tpu.memory_space<vmem_shared>>
        tpu.enqueue_indirect_dma source(%arg9 : memref<128x128xf32, #tpu.memory_space<vmem>>) target(%dma_start3A_31 : memref<10240x128xf32, #tpu.memory_space<vmem_shared>>) offsets(%dma_start3A_28 : memref<128xi32, #tpu.memory_space<vmem>>) semaphore(%run_scoped3A : memref<!tpu.dma_semaphore, #tpu.memory_space<semaphore_mem>>) {add = true}
        %dma_wait3A_32 = arith.constant 0 : i32
        %dma_wait3A_33 = tpu.memref_slice %arg8[%scan3A_15, %dma_wait3A_32] : memref<84x128xi32, #tpu.memory_space<vmem>> -> memref<1x128xi32, #tpu.memory_space<vmem>>
        %dma_wait3A_34 = tpu.memref_squeeze %dma_wait3A_33 : memref<1x128xi32, #tpu.memory_space<vmem>> -> memref<128xi32, #tpu.memory_space<vmem>>
        %dma_wait3A_35 = arith.constant 0 : i32
        %dma_wait3A_36 = arith.constant 0 : i32
        %dma_wait3A_37 = tpu.memref_slice %arg10[%dma_wait3A_35, %dma_wait3A_36] : memref<10240x128xf32, #tpu.memory_space<vmem_shared>> -> memref<10240x128xf32, #tpu.memory_space<vmem_shared>>
        tpu.wait_indirect_dma semaphore(%run_scoped3A : memref<!tpu.dma_semaphore, #tpu.memory_space<semaphore_mem>>) src(%arg9 : memref<128x128xf32, #tpu.memory_space<vmem>>) dst(%dma_wait3A_37 : memref<10240x128xf32, #tpu.memory_space<vmem_shared>>)
        tpu.yield
      }) : () -> ()
    }
    %scan3A_9 = arith.constant 84 : i32
    %barrier3A_10 = arith.constant 0 : index
    tpu.barrier barrier_id(%barrier3A_10)
    %mul3A_11 = arith.constant 640 : i32
    %mul3A_12 = arith.muli %arg1, %mul3A_11 : i32
    %mul3A_13 = arith.constant 640 : i32
    %mul3A_14 = arith.muli %arg1, %mul3A_13 : i32
    "tpu.region"() ({
      %run_scoped3A = tpu.sem_alloc : memref<!tpu.dma_semaphore, #tpu.memory_space<semaphore_mem>>
      %dma_start3A = arith.constant 0 : i32
      %dma_start3A_15 = tpu.memref_slice %arg6[%arg0, %mul3A_14, %dma_start3A] : memref<2x10240x128xf32, #tpu.memory_space<hbm>> -> memref<1x640x128xf32, #tpu.memory_space<hbm>>
      %dma_start3A_16 = tpu.memref_squeeze %dma_start3A_15 : memref<1x640x128xf32, #tpu.memory_space<hbm>> -> memref<640x128xf32, #tpu.memory_space<hbm>>
      %dma_start3A_17 = arith.constant 0 : i32
      %dma_start3A_18 = tpu.memref_slice %arg10[%mul3A_12, %dma_start3A_17] : memref<10240x128xf32, #tpu.memory_space<vmem_shared>> -> memref<640x128xf32, #tpu.memory_space<vmem_shared>>
      tpu.enqueue_dma source(%dma_start3A_18 : memref<640x128xf32, #tpu.memory_space<vmem_shared>>) target(%dma_start3A_16 : memref<640x128xf32, #tpu.memory_space<hbm>>) target_semaphore(%run_scoped3A : memref<!tpu.dma_semaphore, #tpu.memory_space<semaphore_mem>>)
      %dma_wait3A = arith.constant 0 : i32
      %dma_wait3A_19 = tpu.memref_slice %arg6[%arg0, %mul3A_14, %dma_wait3A] : memref<2x10240x128xf32, #tpu.memory_space<hbm>> -> memref<1x640x128xf32, #tpu.memory_space<hbm>>
      %dma_wait3A_20 = tpu.memref_squeeze %dma_wait3A_19 : memref<1x640x128xf32, #tpu.memory_space<hbm>> -> memref<640x128xf32, #tpu.memory_space<hbm>>
      %dma_wait3A_21 = arith.constant 0 : i32
      %dma_wait3A_22 = tpu.memref_slice %arg10[%mul3A_12, %dma_wait3A_21] : memref<10240x128xf32, #tpu.memory_space<vmem_shared>> -> memref<640x128xf32, #tpu.memory_space<vmem_shared>>
      tpu.wait_dma2 semaphore(%run_scoped3A : memref<!tpu.dma_semaphore, #tpu.memory_space<semaphore_mem>>) src(%dma_wait3A_22 : memref<640x128xf32, #tpu.memory_space<vmem_shared>>) dst(%dma_wait3A_20 : memref<640x128xf32, #tpu.memory_space<hbm>>)
      tpu.yield
    }) : () -> ()
    return
  }
}

#map = affine_map<(d0, d1) -> (0, 0)>
#map1 = affine_map<(d0, d1) -> (0, 0, 0)>
module attributes {stable_mosaic.version = 14 : i64} {
  func.func @_sc_segsum_body(%arg0: i32, %arg1: i32, %arg2: memref<10000x128xf32, #tpu.memory_space<hbm>>, %arg3: memref<32x84x128xi32, #tpu.memory_space<hbm>>, %arg4: memref<32x84x128xi32, #tpu.memory_space<hbm>>, %arg5: memref<10240x128xf32, #tpu.memory_space<hbm>>, %arg6: memref<2x10240x128xf32, #tpu.memory_space<hbm>>, %arg7: memref<84x128xi32, #tpu.memory_space<vmem>>, %arg8: memref<84x128xi32, #tpu.memory_space<vmem>>, %arg9: memref<128x128xf32, #tpu.memory_space<vmem>>, %arg10: memref<10240x128xf32, #tpu.memory_space<vmem_shared>>, %arg11: memref<!tpu.dma_semaphore, #tpu.memory_space<semaphore_mem>>) attributes {dimension_semantics = [#tpu.dimension_semantics<core_parallel>, #tpu.dimension_semantics<subcore_parallel>], iteration_bounds = array<i64: 2, 16>, scalar_prefetch = 0 : i64, scratch_operands = 5 : i64, tpu.core_type = #tpu.core_type<sc_vector_subcore>, window_params = [{transform_indices = #map}, {transform_indices = #map1}, {transform_indices = #map1}, {transform_indices = #map}, {transform_indices = #map1}]} {
    %mul3A = arith.constant 2 : i32
    %mul3A_0 = arith.muli %arg1, %mul3A : i32
    %add3A = arith.addi %mul3A_0, %arg0 : i32
    "tpu.region"() ({
      %run_scoped3A = tpu.sem_alloc : memref<!tpu.dma_semaphore, #tpu.memory_space<semaphore_mem>>
      %dma_start3A = arith.constant 0 : i32
      %dma_start3A_15 = arith.constant 0 : i32
      %dma_start3A_16 = tpu.memref_slice %arg3[%add3A, %dma_start3A, %dma_start3A_15] : memref<32x84x128xi32, #tpu.memory_space<hbm>> -> memref<1x84x128xi32, #tpu.memory_space<hbm>>
      %dma_start3A_17 = tpu.memref_squeeze %dma_start3A_16 : memref<1x84x128xi32, #tpu.memory_space<hbm>> -> memref<84x128xi32, #tpu.memory_space<hbm>>
      %dma_start3A_18 = arith.constant 0 : i32
      %dma_start3A_19 = arith.constant 0 : i32
      %dma_start3A_20 = tpu.memref_slice %arg3[%add3A, %dma_start3A_18, %dma_start3A_19] : memref<32x84x128xi32, #tpu.memory_space<hbm>> -> memref<1x84x128xi32, #tpu.memory_space<hbm>>
      %dma_start3A_21 = tpu.memref_squeeze %dma_start3A_20 : memref<1x84x128xi32, #tpu.memory_space<hbm>> -> memref<84x128xi32, #tpu.memory_space<hbm>>
      tpu.enqueue_dma source(%dma_start3A_21 : memref<84x128xi32, #tpu.memory_space<hbm>>) target(%arg7 : memref<84x128xi32, #tpu.memory_space<vmem>>) target_semaphore(%run_scoped3A : memref<!tpu.dma_semaphore, #tpu.memory_space<semaphore_mem>>)
      %dma_wait3A = arith.constant 0 : i32
      %dma_wait3A_22 = arith.constant 0 : i32
      %dma_wait3A_23 = tpu.memref_slice %arg3[%add3A, %dma_wait3A, %dma_wait3A_22] : memref<32x84x128xi32, #tpu.memory_space<hbm>> -> memref<1x84x128xi32, #tpu.memory_space<hbm>>
      %dma_wait3A_24 = tpu.memref_squeeze %dma_wait3A_23 : memref<1x84x128xi32, #tpu.memory_space<hbm>> -> memref<84x128xi32, #tpu.memory_space<hbm>>
      %dma_wait3A_25 = arith.constant 0 : i32
      %dma_wait3A_26 = arith.constant 0 : i32
      %dma_wait3A_27 = tpu.memref_slice %arg3[%add3A, %dma_wait3A_25, %dma_wait3A_26] : memref<32x84x128xi32, #tpu.memory_space<hbm>> -> memref<1x84x128xi32, #tpu.memory_space<hbm>>
      %dma_wait3A_28 = tpu.memref_squeeze %dma_wait3A_27 : memref<1x84x128xi32, #tpu.memory_space<hbm>> -> memref<84x128xi32, #tpu.memory_space<hbm>>
      tpu.wait_dma2 semaphore(%run_scoped3A : memref<!tpu.dma_semaphore, #tpu.memory_space<semaphore_mem>>) src(%dma_wait3A_28 : memref<84x128xi32, #tpu.memory_space<hbm>>) dst(%arg7 : memref<84x128xi32, #tpu.memory_space<vmem>>)
      tpu.yield
    }) : () -> ()
    "tpu.region"() ({
      %run_scoped3A = tpu.sem_alloc : memref<!tpu.dma_semaphore, #tpu.memory_space<semaphore_mem>>
      %dma_start3A = arith.constant 0 : i32
      %dma_start3A_15 = arith.constant 0 : i32
      %dma_start3A_16 = tpu.memref_slice %arg4[%add3A, %dma_start3A, %dma_start3A_15] : memref<32x84x128xi32, #tpu.memory_space<hbm>> -> memref<1x84x128xi32, #tpu.memory_space<hbm>>
      %dma_start3A_17 = tpu.memref_squeeze %dma_start3A_16 : memref<1x84x128xi32, #tpu.memory_space<hbm>> -> memref<84x128xi32, #tpu.memory_space<hbm>>
      %dma_start3A_18 = arith.constant 0 : i32
      %dma_start3A_19 = arith.constant 0 : i32
      %dma_start3A_20 = tpu.memref_slice %arg4[%add3A, %dma_start3A_18, %dma_start3A_19] : memref<32x84x128xi32, #tpu.memory_space<hbm>> -> memref<1x84x128xi32, #tpu.memory_space<hbm>>
      %dma_start3A_21 = tpu.memref_squeeze %dma_start3A_20 : memref<1x84x128xi32, #tpu.memory_space<hbm>> -> memref<84x128xi32, #tpu.memory_space<hbm>>
      tpu.enqueue_dma source(%dma_start3A_21 : memref<84x128xi32, #tpu.memory_space<hbm>>) target(%arg8 : memref<84x128xi32, #tpu.memory_space<vmem>>) target_semaphore(%run_scoped3A : memref<!tpu.dma_semaphore, #tpu.memory_space<semaphore_mem>>)
      %dma_wait3A = arith.constant 0 : i32
      %dma_wait3A_22 = arith.constant 0 : i32
      %dma_wait3A_23 = tpu.memref_slice %arg4[%add3A, %dma_wait3A, %dma_wait3A_22] : memref<32x84x128xi32, #tpu.memory_space<hbm>> -> memref<1x84x128xi32, #tpu.memory_space<hbm>>
      %dma_wait3A_24 = tpu.memref_squeeze %dma_wait3A_23 : memref<1x84x128xi32, #tpu.memory_space<hbm>> -> memref<84x128xi32, #tpu.memory_space<hbm>>
      %dma_wait3A_25 = arith.constant 0 : i32
      %dma_wait3A_26 = arith.constant 0 : i32
      %dma_wait3A_27 = tpu.memref_slice %arg4[%add3A, %dma_wait3A_25, %dma_wait3A_26] : memref<32x84x128xi32, #tpu.memory_space<hbm>> -> memref<1x84x128xi32, #tpu.memory_space<hbm>>
      %dma_wait3A_28 = tpu.memref_squeeze %dma_wait3A_27 : memref<1x84x128xi32, #tpu.memory_space<hbm>> -> memref<84x128xi32, #tpu.memory_space<hbm>>
      tpu.wait_dma2 semaphore(%run_scoped3A : memref<!tpu.dma_semaphore, #tpu.memory_space<semaphore_mem>>) src(%dma_wait3A_28 : memref<84x128xi32, #tpu.memory_space<hbm>>) dst(%arg8 : memref<84x128xi32, #tpu.memory_space<vmem>>)
      tpu.yield
    }) : () -> ()
    %mul3A_1 = arith.constant 640 : i32
    %mul3A_2 = arith.muli %arg1, %mul3A_1 : i32
    %mul3A_3 = arith.constant 640 : i32
    %mul3A_4 = arith.muli %arg1, %mul3A_3 : i32
    "tpu.region"() ({
      %run_scoped3A = tpu.sem_alloc : memref<!tpu.dma_semaphore, #tpu.memory_space<semaphore_mem>>
      %dma_start3A = arith.constant 0 : i32
      %dma_start3A_15 = tpu.memref_slice %arg10[%mul3A_4, %dma_start3A] : memref<10240x128xf32, #tpu.memory_space<vmem_shared>> -> memref<640x128xf32, #tpu.memory_space<vmem_shared>>
      %dma_start3A_16 = arith.constant 0 : i32
      %dma_start3A_17 = tpu.memref_slice %arg5[%mul3A_2, %dma_start3A_16] : memref<10240x128xf32, #tpu.memory_space<hbm>> -> memref<640x128xf32, #tpu.memory_space<hbm>>
      tpu.enqueue_dma source(%dma_start3A_17 : memref<640x128xf32, #tpu.memory_space<hbm>>) target(%dma_start3A_15 : memref<640x128xf32, #tpu.memory_space<vmem_shared>>) target_semaphore(%run_scoped3A : memref<!tpu.dma_semaphore, #tpu.memory_space<semaphore_mem>>)
      %dma_wait3A = arith.constant 0 : i32
      %dma_wait3A_18 = tpu.memref_slice %arg10[%mul3A_4, %dma_wait3A] : memref<10240x128xf32, #tpu.memory_space<vmem_shared>> -> memref<640x128xf32, #tpu.memory_space<vmem_shared>>
      %dma_wait3A_19 = arith.constant 0 : i32
      %dma_wait3A_20 = tpu.memref_slice %arg5[%mul3A_2, %dma_wait3A_19] : memref<10240x128xf32, #tpu.memory_space<hbm>> -> memref<640x128xf32, #tpu.memory_space<hbm>>
      tpu.wait_dma2 semaphore(%run_scoped3A : memref<!tpu.dma_semaphore, #tpu.memory_space<semaphore_mem>>) src(%dma_wait3A_20 : memref<640x128xf32, #tpu.memory_space<hbm>>) dst(%dma_wait3A_18 : memref<640x128xf32, #tpu.memory_space<vmem_shared>>)
      tpu.yield
    }) : () -> ()
    %barrier3A = arith.constant 0 : index
    tpu.barrier barrier_id(%barrier3A)
    %scan3A = arith.constant 0 : i32
    %scan3A_5 = arith.constant 0 : i32
    %scan3A_6 = arith.constant 84 : i32
    %scan3A_7 = arith.addi %scan3A_5, %scan3A_6 : i32
    %scan3A_8 = arith.constant 1 : i32
    scf.for %scan3A_15 = %scan3A_5 to %scan3A_7 step %scan3A_8  : i32 {
      %dma_start3A = arith.constant 0 : i32
      %dma_start3A_16 = tpu.memref_slice %arg7[%scan3A_15, %dma_start3A] : memref<84x128xi32, #tpu.memory_space<vmem>> -> memref<1x128xi32, #tpu.memory_space<vmem>>
      %dma_start3A_17 = tpu.memref_squeeze %dma_start3A_16 : memref<1x128xi32, #tpu.memory_space<vmem>> -> memref<128xi32, #tpu.memory_space<vmem>>
      %dma_start3A_18 = arith.constant 0 : i32
      %dma_start3A_19 = arith.constant 0 : i32
      %dma_start3A_20 = tpu.memref_slice %arg2[%dma_start3A_18, %dma_start3A_19] : memref<10000x128xf32, #tpu.memory_space<hbm>> -> memref<10000x128xf32, #tpu.memory_space<hbm>>
      tpu.enqueue_indirect_dma source(%dma_start3A_20 : memref<10000x128xf32, #tpu.memory_space<hbm>>) target(%arg9 : memref<128x128xf32, #tpu.memory_space<vmem>>) offsets(%dma_start3A_17 : memref<128xi32, #tpu.memory_space<vmem>>) semaphore(%arg11 : memref<!tpu.dma_semaphore, #tpu.memory_space<semaphore_mem>>)
      %dma_wait3A = arith.constant 0 : i32
      %dma_wait3A_21 = tpu.memref_slice %arg7[%scan3A_15, %dma_wait3A] : memref<84x128xi32, #tpu.memory_space<vmem>> -> memref<1x128xi32, #tpu.memory_space<vmem>>
      %dma_wait3A_22 = tpu.memref_squeeze %dma_wait3A_21 : memref<1x128xi32, #tpu.memory_space<vmem>> -> memref<128xi32, #tpu.memory_space<vmem>>
      %dma_wait3A_23 = arith.constant 0 : i32
      %dma_wait3A_24 = arith.constant 0 : i32
      %dma_wait3A_25 = tpu.memref_slice %arg2[%dma_wait3A_23, %dma_wait3A_24] : memref<10000x128xf32, #tpu.memory_space<hbm>> -> memref<10000x128xf32, #tpu.memory_space<hbm>>
      tpu.wait_indirect_dma semaphore(%arg11 : memref<!tpu.dma_semaphore, #tpu.memory_space<semaphore_mem>>) src(%dma_wait3A_25 : memref<10000x128xf32, #tpu.memory_space<hbm>>) dst(%arg9 : memref<128x128xf32, #tpu.memory_space<vmem>>)
      "tpu.region"() ({
        %run_scoped3A = tpu.sem_alloc : memref<!tpu.dma_semaphore, #tpu.memory_space<semaphore_mem>>
        %dma_start3A_26 = arith.constant 0 : i32
        %dma_start3A_27 = tpu.memref_slice %arg8[%scan3A_15, %dma_start3A_26] : memref<84x128xi32, #tpu.memory_space<vmem>> -> memref<1x128xi32, #tpu.memory_space<vmem>>
        %dma_start3A_28 = tpu.memref_squeeze %dma_start3A_27 : memref<1x128xi32, #tpu.memory_space<vmem>> -> memref<128xi32, #tpu.memory_space<vmem>>
        %dma_start3A_29 = arith.constant 0 : i32
        %dma_start3A_30 = arith.constant 0 : i32
        %dma_start3A_31 = tpu.memref_slice %arg10[%dma_start3A_29, %dma_start3A_30] : memref<10240x128xf32, #tpu.memory_space<vmem_shared>> -> memref<10240x128xf32, #tpu.memory_space<vmem_shared>>
        tpu.enqueue_indirect_dma source(%arg9 : memref<128x128xf32, #tpu.memory_space<vmem>>) target(%dma_start3A_31 : memref<10240x128xf32, #tpu.memory_space<vmem_shared>>) offsets(%dma_start3A_28 : memref<128xi32, #tpu.memory_space<vmem>>) semaphore(%run_scoped3A : memref<!tpu.dma_semaphore, #tpu.memory_space<semaphore_mem>>) {add = true}
        %dma_wait3A_32 = arith.constant 0 : i32
        %dma_wait3A_33 = tpu.memref_slice %arg8[%scan3A_15, %dma_wait3A_32] : memref<84x128xi32, #tpu.memory_space<vmem>> -> memref<1x128xi32, #tpu.memory_space<vmem>>
        %dma_wait3A_34 = tpu.memref_squeeze %dma_wait3A_33 : memref<1x128xi32, #tpu.memory_space<vmem>> -> memref<128xi32, #tpu.memory_space<vmem>>
        %dma_wait3A_35 = arith.constant 0 : i32
        %dma_wait3A_36 = arith.constant 0 : i32
        %dma_wait3A_37 = tpu.memref_slice %arg10[%dma_wait3A_35, %dma_wait3A_36] : memref<10240x128xf32, #tpu.memory_space<vmem_shared>> -> memref<10240x128xf32, #tpu.memory_space<vmem_shared>>
        tpu.wait_indirect_dma semaphore(%run_scoped3A : memref<!tpu.dma_semaphore, #tpu.memory_space<semaphore_mem>>) src(%arg9 : memref<128x128xf32, #tpu.memory_space<vmem>>) dst(%dma_wait3A_37 : memref<10240x128xf32, #tpu.memory_space<vmem_shared>>)
        tpu.yield
      }) : () -> ()
    }
    %scan3A_9 = arith.constant 84 : i32
    %barrier3A_10 = arith.constant 0 : index
    tpu.barrier barrier_id(%barrier3A_10)
    %mul3A_11 = arith.constant 640 : i32
    %mul3A_12 = arith.muli %arg1, %mul3A_11 : i32
    %mul3A_13 = arith.constant 640 : i32
    %mul3A_14 = arith.muli %arg1, %mul3A_13 : i32
    "tpu.region"() ({
      %run_scoped3A = tpu.sem_alloc : memref<!tpu.dma_semaphore, #tpu.memory_space<semaphore_mem>>
      %dma_start3A = arith.constant 0 : i32
      %dma_start3A_15 = tpu.memref_slice %arg6[%arg0, %mul3A_14, %dma_start3A] : memref<2x10240x128xf32, #tpu.memory_space<hbm>> -> memref<1x640x128xf32, #tpu.memory_space<hbm>>
      %dma_start3A_16 = tpu.memref_squeeze %dma_start3A_15 : memref<1x640x128xf32, #tpu.memory_space<hbm>> -> memref<640x128xf32, #tpu.memory_space<hbm>>
      %dma_start3A_17 = arith.constant 0 : i32
      %dma_start3A_18 = tpu.memref_slice %arg10[%mul3A_12, %dma_start3A_17] : memref<10240x128xf32, #tpu.memory_space<vmem_shared>> -> memref<640x128xf32, #tpu.memory_space<vmem_shared>>
      tpu.enqueue_dma source(%dma_start3A_18 : memref<640x128xf32, #tpu.memory_space<vmem_shared>>) target(%dma_start3A_16 : memref<640x128xf32, #tpu.memory_space<hbm>>) target_semaphore(%run_scoped3A : memref<!tpu.dma_semaphore, #tpu.memory_space<semaphore_mem>>)
      %dma_wait3A = arith.constant 0 : i32
      %dma_wait3A_19 = tpu.memref_slice %arg6[%arg0, %mul3A_14, %dma_wait3A] : memref<2x10240x128xf32, #tpu.memory_space<hbm>> -> memref<1x640x128xf32, #tpu.memory_space<hbm>>
      %dma_wait3A_20 = tpu.memref_squeeze %dma_wait3A_19 : memref<1x640x128xf32, #tpu.memory_space<hbm>> -> memref<640x128xf32, #tpu.memory_space<hbm>>
      %dma_wait3A_21 = arith.constant 0 : i32
      %dma_wait3A_22 = tpu.memref_slice %arg10[%mul3A_12, %dma_wait3A_21] : memref<10240x128xf32, #tpu.memory_space<vmem_shared>> -> memref<640x128xf32, #tpu.memory_space<vmem_shared>>
      tpu.wait_dma2 semaphore(%run_scoped3A : memref<!tpu.dma_semaphore, #tpu.memory_space<semaphore_mem>>) src(%dma_wait3A_22 : memref<640x128xf32, #tpu.memory_space<vmem_shared>>) dst(%dma_wait3A_20 : memref<640x128xf32, #tpu.memory_space<hbm>>)
      tpu.yield
    }) : () -> ()
    return
  }
}

#map = affine_map<(d0, d1) -> (0, 0)>
#map1 = affine_map<(d0, d1) -> (0, 0, 0)>
module attributes {stable_mosaic.version = 14 : i64} {
  func.func @_sc_segsum_body(%arg0: i32, %arg1: i32, %arg2: memref<10000x128xf32, #tpu.memory_space<hbm>>, %arg3: memref<32x84x128xi32, #tpu.memory_space<hbm>>, %arg4: memref<32x84x128xi32, #tpu.memory_space<hbm>>, %arg5: memref<10240x128xf32, #tpu.memory_space<hbm>>, %arg6: memref<2x10240x128xf32, #tpu.memory_space<hbm>>, %arg7: memref<84x128xi32, #tpu.memory_space<vmem>>, %arg8: memref<84x128xi32, #tpu.memory_space<vmem>>, %arg9: memref<128x128xf32, #tpu.memory_space<vmem>>, %arg10: memref<10240x128xf32, #tpu.memory_space<vmem_shared>>, %arg11: memref<!tpu.dma_semaphore, #tpu.memory_space<semaphore_mem>>) attributes {dimension_semantics = [#tpu.dimension_semantics<core_parallel>, #tpu.dimension_semantics<subcore_parallel>], iteration_bounds = array<i64: 2, 16>, scalar_prefetch = 0 : i64, scratch_operands = 5 : i64, tpu.core_type = #tpu.core_type<sc_vector_subcore>, window_params = [{transform_indices = #map}, {transform_indices = #map1}, {transform_indices = #map1}, {transform_indices = #map}, {transform_indices = #map1}]} {
    %mul3A = arith.constant 2 : i32
    %mul3A_0 = arith.muli %arg1, %mul3A : i32
    %add3A = arith.addi %mul3A_0, %arg0 : i32
    "tpu.region"() ({
      %run_scoped3A = tpu.sem_alloc : memref<!tpu.dma_semaphore, #tpu.memory_space<semaphore_mem>>
      %dma_start3A = arith.constant 0 : i32
      %dma_start3A_15 = arith.constant 0 : i32
      %dma_start3A_16 = tpu.memref_slice %arg3[%add3A, %dma_start3A, %dma_start3A_15] : memref<32x84x128xi32, #tpu.memory_space<hbm>> -> memref<1x84x128xi32, #tpu.memory_space<hbm>>
      %dma_start3A_17 = tpu.memref_squeeze %dma_start3A_16 : memref<1x84x128xi32, #tpu.memory_space<hbm>> -> memref<84x128xi32, #tpu.memory_space<hbm>>
      %dma_start3A_18 = arith.constant 0 : i32
      %dma_start3A_19 = arith.constant 0 : i32
      %dma_start3A_20 = tpu.memref_slice %arg3[%add3A, %dma_start3A_18, %dma_start3A_19] : memref<32x84x128xi32, #tpu.memory_space<hbm>> -> memref<1x84x128xi32, #tpu.memory_space<hbm>>
      %dma_start3A_21 = tpu.memref_squeeze %dma_start3A_20 : memref<1x84x128xi32, #tpu.memory_space<hbm>> -> memref<84x128xi32, #tpu.memory_space<hbm>>
      tpu.enqueue_dma source(%dma_start3A_21 : memref<84x128xi32, #tpu.memory_space<hbm>>) target(%arg7 : memref<84x128xi32, #tpu.memory_space<vmem>>) target_semaphore(%run_scoped3A : memref<!tpu.dma_semaphore, #tpu.memory_space<semaphore_mem>>)
      %dma_wait3A = arith.constant 0 : i32
      %dma_wait3A_22 = arith.constant 0 : i32
      %dma_wait3A_23 = tpu.memref_slice %arg3[%add3A, %dma_wait3A, %dma_wait3A_22] : memref<32x84x128xi32, #tpu.memory_space<hbm>> -> memref<1x84x128xi32, #tpu.memory_space<hbm>>
      %dma_wait3A_24 = tpu.memref_squeeze %dma_wait3A_23 : memref<1x84x128xi32, #tpu.memory_space<hbm>> -> memref<84x128xi32, #tpu.memory_space<hbm>>
      %dma_wait3A_25 = arith.constant 0 : i32
      %dma_wait3A_26 = arith.constant 0 : i32
      %dma_wait3A_27 = tpu.memref_slice %arg3[%add3A, %dma_wait3A_25, %dma_wait3A_26] : memref<32x84x128xi32, #tpu.memory_space<hbm>> -> memref<1x84x128xi32, #tpu.memory_space<hbm>>
      %dma_wait3A_28 = tpu.memref_squeeze %dma_wait3A_27 : memref<1x84x128xi32, #tpu.memory_space<hbm>> -> memref<84x128xi32, #tpu.memory_space<hbm>>
      tpu.wait_dma2 semaphore(%run_scoped3A : memref<!tpu.dma_semaphore, #tpu.memory_space<semaphore_mem>>) src(%dma_wait3A_28 : memref<84x128xi32, #tpu.memory_space<hbm>>) dst(%arg7 : memref<84x128xi32, #tpu.memory_space<vmem>>)
      tpu.yield
    }) : () -> ()
    "tpu.region"() ({
      %run_scoped3A = tpu.sem_alloc : memref<!tpu.dma_semaphore, #tpu.memory_space<semaphore_mem>>
      %dma_start3A = arith.constant 0 : i32
      %dma_start3A_15 = arith.constant 0 : i32
      %dma_start3A_16 = tpu.memref_slice %arg4[%add3A, %dma_start3A, %dma_start3A_15] : memref<32x84x128xi32, #tpu.memory_space<hbm>> -> memref<1x84x128xi32, #tpu.memory_space<hbm>>
      %dma_start3A_17 = tpu.memref_squeeze %dma_start3A_16 : memref<1x84x128xi32, #tpu.memory_space<hbm>> -> memref<84x128xi32, #tpu.memory_space<hbm>>
      %dma_start3A_18 = arith.constant 0 : i32
      %dma_start3A_19 = arith.constant 0 : i32
      %dma_start3A_20 = tpu.memref_slice %arg4[%add3A, %dma_start3A_18, %dma_start3A_19] : memref<32x84x128xi32, #tpu.memory_space<hbm>> -> memref<1x84x128xi32, #tpu.memory_space<hbm>>
      %dma_start3A_21 = tpu.memref_squeeze %dma_start3A_20 : memref<1x84x128xi32, #tpu.memory_space<hbm>> -> memref<84x128xi32, #tpu.memory_space<hbm>>
      tpu.enqueue_dma source(%dma_start3A_21 : memref<84x128xi32, #tpu.memory_space<hbm>>) target(%arg8 : memref<84x128xi32, #tpu.memory_space<vmem>>) target_semaphore(%run_scoped3A : memref<!tpu.dma_semaphore, #tpu.memory_space<semaphore_mem>>)
      %dma_wait3A = arith.constant 0 : i32
      %dma_wait3A_22 = arith.constant 0 : i32
      %dma_wait3A_23 = tpu.memref_slice %arg4[%add3A, %dma_wait3A, %dma_wait3A_22] : memref<32x84x128xi32, #tpu.memory_space<hbm>> -> memref<1x84x128xi32, #tpu.memory_space<hbm>>
      %dma_wait3A_24 = tpu.memref_squeeze %dma_wait3A_23 : memref<1x84x128xi32, #tpu.memory_space<hbm>> -> memref<84x128xi32, #tpu.memory_space<hbm>>
      %dma_wait3A_25 = arith.constant 0 : i32
      %dma_wait3A_26 = arith.constant 0 : i32
      %dma_wait3A_27 = tpu.memref_slice %arg4[%add3A, %dma_wait3A_25, %dma_wait3A_26] : memref<32x84x128xi32, #tpu.memory_space<hbm>> -> memref<1x84x128xi32, #tpu.memory_space<hbm>>
      %dma_wait3A_28 = tpu.memref_squeeze %dma_wait3A_27 : memref<1x84x128xi32, #tpu.memory_space<hbm>> -> memref<84x128xi32, #tpu.memory_space<hbm>>
      tpu.wait_dma2 semaphore(%run_scoped3A : memref<!tpu.dma_semaphore, #tpu.memory_space<semaphore_mem>>) src(%dma_wait3A_28 : memref<84x128xi32, #tpu.memory_space<hbm>>) dst(%arg8 : memref<84x128xi32, #tpu.memory_space<vmem>>)
      tpu.yield
    }) : () -> ()
    %mul3A_1 = arith.constant 640 : i32
    %mul3A_2 = arith.muli %arg1, %mul3A_1 : i32
    %mul3A_3 = arith.constant 640 : i32
    %mul3A_4 = arith.muli %arg1, %mul3A_3 : i32
    "tpu.region"() ({
      %run_scoped3A = tpu.sem_alloc : memref<!tpu.dma_semaphore, #tpu.memory_space<semaphore_mem>>
      %dma_start3A = arith.constant 0 : i32
      %dma_start3A_15 = tpu.memref_slice %arg10[%mul3A_4, %dma_start3A] : memref<10240x128xf32, #tpu.memory_space<vmem_shared>> -> memref<640x128xf32, #tpu.memory_space<vmem_shared>>
      %dma_start3A_16 = arith.constant 0 : i32
      %dma_start3A_17 = tpu.memref_slice %arg5[%mul3A_2, %dma_start3A_16] : memref<10240x128xf32, #tpu.memory_space<hbm>> -> memref<640x128xf32, #tpu.memory_space<hbm>>
      tpu.enqueue_dma source(%dma_start3A_17 : memref<640x128xf32, #tpu.memory_space<hbm>>) target(%dma_start3A_15 : memref<640x128xf32, #tpu.memory_space<vmem_shared>>) target_semaphore(%run_scoped3A : memref<!tpu.dma_semaphore, #tpu.memory_space<semaphore_mem>>)
      %dma_wait3A = arith.constant 0 : i32
      %dma_wait3A_18 = tpu.memref_slice %arg10[%mul3A_4, %dma_wait3A] : memref<10240x128xf32, #tpu.memory_space<vmem_shared>> -> memref<640x128xf32, #tpu.memory_space<vmem_shared>>
      %dma_wait3A_19 = arith.constant 0 : i32
      %dma_wait3A_20 = tpu.memref_slice %arg5[%mul3A_2, %dma_wait3A_19] : memref<10240x128xf32, #tpu.memory_space<hbm>> -> memref<640x128xf32, #tpu.memory_space<hbm>>
      tpu.wait_dma2 semaphore(%run_scoped3A : memref<!tpu.dma_semaphore, #tpu.memory_space<semaphore_mem>>) src(%dma_wait3A_20 : memref<640x128xf32, #tpu.memory_space<hbm>>) dst(%dma_wait3A_18 : memref<640x128xf32, #tpu.memory_space<vmem_shared>>)
      tpu.yield
    }) : () -> ()
    %barrier3A = arith.constant 0 : index
    tpu.barrier barrier_id(%barrier3A)
    %scan3A = arith.constant 0 : i32
    %scan3A_5 = arith.constant 0 : i32
    %scan3A_6 = arith.constant 84 : i32
    %scan3A_7 = arith.addi %scan3A_5, %scan3A_6 : i32
    %scan3A_8 = arith.constant 1 : i32
    scf.for %scan3A_15 = %scan3A_5 to %scan3A_7 step %scan3A_8  : i32 {
      %dma_start3A = arith.constant 0 : i32
      %dma_start3A_16 = tpu.memref_slice %arg7[%scan3A_15, %dma_start3A] : memref<84x128xi32, #tpu.memory_space<vmem>> -> memref<1x128xi32, #tpu.memory_space<vmem>>
      %dma_start3A_17 = tpu.memref_squeeze %dma_start3A_16 : memref<1x128xi32, #tpu.memory_space<vmem>> -> memref<128xi32, #tpu.memory_space<vmem>>
      %dma_start3A_18 = arith.constant 0 : i32
      %dma_start3A_19 = arith.constant 0 : i32
      %dma_start3A_20 = tpu.memref_slice %arg2[%dma_start3A_18, %dma_start3A_19] : memref<10000x128xf32, #tpu.memory_space<hbm>> -> memref<10000x128xf32, #tpu.memory_space<hbm>>
      tpu.enqueue_indirect_dma source(%dma_start3A_20 : memref<10000x128xf32, #tpu.memory_space<hbm>>) target(%arg9 : memref<128x128xf32, #tpu.memory_space<vmem>>) offsets(%dma_start3A_17 : memref<128xi32, #tpu.memory_space<vmem>>) semaphore(%arg11 : memref<!tpu.dma_semaphore, #tpu.memory_space<semaphore_mem>>)
      %dma_wait3A = arith.constant 0 : i32
      %dma_wait3A_21 = tpu.memref_slice %arg7[%scan3A_15, %dma_wait3A] : memref<84x128xi32, #tpu.memory_space<vmem>> -> memref<1x128xi32, #tpu.memory_space<vmem>>
      %dma_wait3A_22 = tpu.memref_squeeze %dma_wait3A_21 : memref<1x128xi32, #tpu.memory_space<vmem>> -> memref<128xi32, #tpu.memory_space<vmem>>
      %dma_wait3A_23 = arith.constant 0 : i32
      %dma_wait3A_24 = arith.constant 0 : i32
      %dma_wait3A_25 = tpu.memref_slice %arg2[%dma_wait3A_23, %dma_wait3A_24] : memref<10000x128xf32, #tpu.memory_space<hbm>> -> memref<10000x128xf32, #tpu.memory_space<hbm>>
      tpu.wait_indirect_dma semaphore(%arg11 : memref<!tpu.dma_semaphore, #tpu.memory_space<semaphore_mem>>) src(%dma_wait3A_25 : memref<10000x128xf32, #tpu.memory_space<hbm>>) dst(%arg9 : memref<128x128xf32, #tpu.memory_space<vmem>>)
      "tpu.region"() ({
        %run_scoped3A = tpu.sem_alloc : memref<!tpu.dma_semaphore, #tpu.memory_space<semaphore_mem>>
        %dma_start3A_26 = arith.constant 0 : i32
        %dma_start3A_27 = tpu.memref_slice %arg8[%scan3A_15, %dma_start3A_26] : memref<84x128xi32, #tpu.memory_space<vmem>> -> memref<1x128xi32, #tpu.memory_space<vmem>>
        %dma_start3A_28 = tpu.memref_squeeze %dma_start3A_27 : memref<1x128xi32, #tpu.memory_space<vmem>> -> memref<128xi32, #tpu.memory_space<vmem>>
        %dma_start3A_29 = arith.constant 0 : i32
        %dma_start3A_30 = arith.constant 0 : i32
        %dma_start3A_31 = tpu.memref_slice %arg10[%dma_start3A_29, %dma_start3A_30] : memref<10240x128xf32, #tpu.memory_space<vmem_shared>> -> memref<10240x128xf32, #tpu.memory_space<vmem_shared>>
        tpu.enqueue_indirect_dma source(%arg9 : memref<128x128xf32, #tpu.memory_space<vmem>>) target(%dma_start3A_31 : memref<10240x128xf32, #tpu.memory_space<vmem_shared>>) offsets(%dma_start3A_28 : memref<128xi32, #tpu.memory_space<vmem>>) semaphore(%run_scoped3A : memref<!tpu.dma_semaphore, #tpu.memory_space<semaphore_mem>>) {add = true}
        %dma_wait3A_32 = arith.constant 0 : i32
        %dma_wait3A_33 = tpu.memref_slice %arg8[%scan3A_15, %dma_wait3A_32] : memref<84x128xi32, #tpu.memory_space<vmem>> -> memref<1x128xi32, #tpu.memory_space<vmem>>
        %dma_wait3A_34 = tpu.memref_squeeze %dma_wait3A_33 : memref<1x128xi32, #tpu.memory_space<vmem>> -> memref<128xi32, #tpu.memory_space<vmem>>
        %dma_wait3A_35 = arith.constant 0 : i32
        %dma_wait3A_36 = arith.constant 0 : i32
        %dma_wait3A_37 = tpu.memref_slice %arg10[%dma_wait3A_35, %dma_wait3A_36] : memref<10240x128xf32, #tpu.memory_space<vmem_shared>> -> memref<10240x128xf32, #tpu.memory_space<vmem_shared>>
        tpu.wait_indirect_dma semaphore(%run_scoped3A : memref<!tpu.dma_semaphore, #tpu.memory_space<semaphore_mem>>) src(%arg9 : memref<128x128xf32, #tpu.memory_space<vmem>>) dst(%dma_wait3A_37 : memref<10240x128xf32, #tpu.memory_space<vmem_shared>>)
        tpu.yield
      }) : () -> ()
    }
    %scan3A_9 = arith.constant 84 : i32
    %barrier3A_10 = arith.constant 0 : index
    tpu.barrier barrier_id(%barrier3A_10)
    %mul3A_11 = arith.constant 640 : i32
    %mul3A_12 = arith.muli %arg1, %mul3A_11 : i32
    %mul3A_13 = arith.constant 640 : i32
    %mul3A_14 = arith.muli %arg1, %mul3A_13 : i32
    "tpu.region"() ({
      %run_scoped3A = tpu.sem_alloc : memref<!tpu.dma_semaphore, #tpu.memory_space<semaphore_mem>>
      %dma_start3A = arith.constant 0 : i32
      %dma_start3A_15 = tpu.memref_slice %arg6[%arg0, %mul3A_14, %dma_start3A] : memref<2x10240x128xf32, #tpu.memory_space<hbm>> -> memref<1x640x128xf32, #tpu.memory_space<hbm>>
      %dma_start3A_16 = tpu.memref_squeeze %dma_start3A_15 : memref<1x640x128xf32, #tpu.memory_space<hbm>> -> memref<640x128xf32, #tpu.memory_space<hbm>>
      %dma_start3A_17 = arith.constant 0 : i32
      %dma_start3A_18 = tpu.memref_slice %arg10[%mul3A_12, %dma_start3A_17] : memref<10240x128xf32, #tpu.memory_space<vmem_shared>> -> memref<640x128xf32, #tpu.memory_space<vmem_shared>>
      tpu.enqueue_dma source(%dma_start3A_18 : memref<640x128xf32, #tpu.memory_space<vmem_shared>>) target(%dma_start3A_16 : memref<640x128xf32, #tpu.memory_space<hbm>>) target_semaphore(%run_scoped3A : memref<!tpu.dma_semaphore, #tpu.memory_space<semaphore_mem>>)
      %dma_wait3A = arith.constant 0 : i32
      %dma_wait3A_19 = tpu.memref_slice %arg6[%arg0, %mul3A_14, %dma_wait3A] : memref<2x10240x128xf32, #tpu.memory_space<hbm>> -> memref<1x640x128xf32, #tpu.memory_space<hbm>>
      %dma_wait3A_20 = tpu.memref_squeeze %dma_wait3A_19 : memref<1x640x128xf32, #tpu.memory_space<hbm>> -> memref<640x128xf32, #tpu.memory_space<hbm>>
      %dma_wait3A_21 = arith.constant 0 : i32
      %dma_wait3A_22 = tpu.memref_slice %arg10[%mul3A_12, %dma_wait3A_21] : memref<10240x128xf32, #tpu.memory_space<vmem_shared>> -> memref<640x128xf32, #tpu.memory_space<vmem_shared>>
      tpu.wait_dma2 semaphore(%run_scoped3A : memref<!tpu.dma_semaphore, #tpu.memory_space<semaphore_mem>>) src(%dma_wait3A_22 : memref<640x128xf32, #tpu.memory_space<vmem_shared>>) dst(%dma_wait3A_20 : memref<640x128xf32, #tpu.memory_space<hbm>>)
      tpu.yield
    }) : () -> ()
    return
  }
}

#map = affine_map<(d0, d1) -> (0, 0)>
#map1 = affine_map<(d0, d1) -> (0, 0, 0)>
module attributes {stable_mosaic.version = 14 : i64} {
  func.func @_sc_segsum_body(%arg0: i32, %arg1: i32, %arg2: memref<10000x128xf32, #tpu.memory_space<hbm>>, %arg3: memref<32x84x128xi32, #tpu.memory_space<hbm>>, %arg4: memref<32x84x128xi32, #tpu.memory_space<hbm>>, %arg5: memref<10240x128xf32, #tpu.memory_space<hbm>>, %arg6: memref<2x10240x128xf32, #tpu.memory_space<hbm>>, %arg7: memref<84x128xi32, #tpu.memory_space<vmem>>, %arg8: memref<84x128xi32, #tpu.memory_space<vmem>>, %arg9: memref<128x128xf32, #tpu.memory_space<vmem>>, %arg10: memref<10240x128xf32, #tpu.memory_space<vmem_shared>>, %arg11: memref<!tpu.dma_semaphore, #tpu.memory_space<semaphore_mem>>) attributes {dimension_semantics = [#tpu.dimension_semantics<core_parallel>, #tpu.dimension_semantics<subcore_parallel>], iteration_bounds = array<i64: 2, 16>, scalar_prefetch = 0 : i64, scratch_operands = 5 : i64, tpu.core_type = #tpu.core_type<sc_vector_subcore>, window_params = [{transform_indices = #map}, {transform_indices = #map1}, {transform_indices = #map1}, {transform_indices = #map}, {transform_indices = #map1}]} {
    %mul3A = arith.constant 2 : i32
    %mul3A_0 = arith.muli %arg1, %mul3A : i32
    %add3A = arith.addi %mul3A_0, %arg0 : i32
    "tpu.region"() ({
      %run_scoped3A = tpu.sem_alloc : memref<!tpu.dma_semaphore, #tpu.memory_space<semaphore_mem>>
      %dma_start3A = arith.constant 0 : i32
      %dma_start3A_15 = arith.constant 0 : i32
      %dma_start3A_16 = tpu.memref_slice %arg3[%add3A, %dma_start3A, %dma_start3A_15] : memref<32x84x128xi32, #tpu.memory_space<hbm>> -> memref<1x84x128xi32, #tpu.memory_space<hbm>>
      %dma_start3A_17 = tpu.memref_squeeze %dma_start3A_16 : memref<1x84x128xi32, #tpu.memory_space<hbm>> -> memref<84x128xi32, #tpu.memory_space<hbm>>
      %dma_start3A_18 = arith.constant 0 : i32
      %dma_start3A_19 = arith.constant 0 : i32
      %dma_start3A_20 = tpu.memref_slice %arg3[%add3A, %dma_start3A_18, %dma_start3A_19] : memref<32x84x128xi32, #tpu.memory_space<hbm>> -> memref<1x84x128xi32, #tpu.memory_space<hbm>>
      %dma_start3A_21 = tpu.memref_squeeze %dma_start3A_20 : memref<1x84x128xi32, #tpu.memory_space<hbm>> -> memref<84x128xi32, #tpu.memory_space<hbm>>
      tpu.enqueue_dma source(%dma_start3A_21 : memref<84x128xi32, #tpu.memory_space<hbm>>) target(%arg7 : memref<84x128xi32, #tpu.memory_space<vmem>>) target_semaphore(%run_scoped3A : memref<!tpu.dma_semaphore, #tpu.memory_space<semaphore_mem>>)
      %dma_wait3A = arith.constant 0 : i32
      %dma_wait3A_22 = arith.constant 0 : i32
      %dma_wait3A_23 = tpu.memref_slice %arg3[%add3A, %dma_wait3A, %dma_wait3A_22] : memref<32x84x128xi32, #tpu.memory_space<hbm>> -> memref<1x84x128xi32, #tpu.memory_space<hbm>>
      %dma_wait3A_24 = tpu.memref_squeeze %dma_wait3A_23 : memref<1x84x128xi32, #tpu.memory_space<hbm>> -> memref<84x128xi32, #tpu.memory_space<hbm>>
      %dma_wait3A_25 = arith.constant 0 : i32
      %dma_wait3A_26 = arith.constant 0 : i32
      %dma_wait3A_27 = tpu.memref_slice %arg3[%add3A, %dma_wait3A_25, %dma_wait3A_26] : memref<32x84x128xi32, #tpu.memory_space<hbm>> -> memref<1x84x128xi32, #tpu.memory_space<hbm>>
      %dma_wait3A_28 = tpu.memref_squeeze %dma_wait3A_27 : memref<1x84x128xi32, #tpu.memory_space<hbm>> -> memref<84x128xi32, #tpu.memory_space<hbm>>
      tpu.wait_dma2 semaphore(%run_scoped3A : memref<!tpu.dma_semaphore, #tpu.memory_space<semaphore_mem>>) src(%dma_wait3A_28 : memref<84x128xi32, #tpu.memory_space<hbm>>) dst(%arg7 : memref<84x128xi32, #tpu.memory_space<vmem>>)
      tpu.yield
    }) : () -> ()
    "tpu.region"() ({
      %run_scoped3A = tpu.sem_alloc : memref<!tpu.dma_semaphore, #tpu.memory_space<semaphore_mem>>
      %dma_start3A = arith.constant 0 : i32
      %dma_start3A_15 = arith.constant 0 : i32
      %dma_start3A_16 = tpu.memref_slice %arg4[%add3A, %dma_start3A, %dma_start3A_15] : memref<32x84x128xi32, #tpu.memory_space<hbm>> -> memref<1x84x128xi32, #tpu.memory_space<hbm>>
      %dma_start3A_17 = tpu.memref_squeeze %dma_start3A_16 : memref<1x84x128xi32, #tpu.memory_space<hbm>> -> memref<84x128xi32, #tpu.memory_space<hbm>>
      %dma_start3A_18 = arith.constant 0 : i32
      %dma_start3A_19 = arith.constant 0 : i32
      %dma_start3A_20 = tpu.memref_slice %arg4[%add3A, %dma_start3A_18, %dma_start3A_19] : memref<32x84x128xi32, #tpu.memory_space<hbm>> -> memref<1x84x128xi32, #tpu.memory_space<hbm>>
      %dma_start3A_21 = tpu.memref_squeeze %dma_start3A_20 : memref<1x84x128xi32, #tpu.memory_space<hbm>> -> memref<84x128xi32, #tpu.memory_space<hbm>>
      tpu.enqueue_dma source(%dma_start3A_21 : memref<84x128xi32, #tpu.memory_space<hbm>>) target(%arg8 : memref<84x128xi32, #tpu.memory_space<vmem>>) target_semaphore(%run_scoped3A : memref<!tpu.dma_semaphore, #tpu.memory_space<semaphore_mem>>)
      %dma_wait3A = arith.constant 0 : i32
      %dma_wait3A_22 = arith.constant 0 : i32
      %dma_wait3A_23 = tpu.memref_slice %arg4[%add3A, %dma_wait3A, %dma_wait3A_22] : memref<32x84x128xi32, #tpu.memory_space<hbm>> -> memref<1x84x128xi32, #tpu.memory_space<hbm>>
      %dma_wait3A_24 = tpu.memref_squeeze %dma_wait3A_23 : memref<1x84x128xi32, #tpu.memory_space<hbm>> -> memref<84x128xi32, #tpu.memory_space<hbm>>
      %dma_wait3A_25 = arith.constant 0 : i32
      %dma_wait3A_26 = arith.constant 0 : i32
      %dma_wait3A_27 = tpu.memref_slice %arg4[%add3A, %dma_wait3A_25, %dma_wait3A_26] : memref<32x84x128xi32, #tpu.memory_space<hbm>> -> memref<1x84x128xi32, #tpu.memory_space<hbm>>
      %dma_wait3A_28 = tpu.memref_squeeze %dma_wait3A_27 : memref<1x84x128xi32, #tpu.memory_space<hbm>> -> memref<84x128xi32, #tpu.memory_space<hbm>>
      tpu.wait_dma2 semaphore(%run_scoped3A : memref<!tpu.dma_semaphore, #tpu.memory_space<semaphore_mem>>) src(%dma_wait3A_28 : memref<84x128xi32, #tpu.memory_space<hbm>>) dst(%arg8 : memref<84x128xi32, #tpu.memory_space<vmem>>)
      tpu.yield
    }) : () -> ()
    %mul3A_1 = arith.constant 640 : i32
    %mul3A_2 = arith.muli %arg1, %mul3A_1 : i32
    %mul3A_3 = arith.constant 640 : i32
    %mul3A_4 = arith.muli %arg1, %mul3A_3 : i32
    "tpu.region"() ({
      %run_scoped3A = tpu.sem_alloc : memref<!tpu.dma_semaphore, #tpu.memory_space<semaphore_mem>>
      %dma_start3A = arith.constant 0 : i32
      %dma_start3A_15 = tpu.memref_slice %arg10[%mul3A_4, %dma_start3A] : memref<10240x128xf32, #tpu.memory_space<vmem_shared>> -> memref<640x128xf32, #tpu.memory_space<vmem_shared>>
      %dma_start3A_16 = arith.constant 0 : i32
      %dma_start3A_17 = tpu.memref_slice %arg5[%mul3A_2, %dma_start3A_16] : memref<10240x128xf32, #tpu.memory_space<hbm>> -> memref<640x128xf32, #tpu.memory_space<hbm>>
      tpu.enqueue_dma source(%dma_start3A_17 : memref<640x128xf32, #tpu.memory_space<hbm>>) target(%dma_start3A_15 : memref<640x128xf32, #tpu.memory_space<vmem_shared>>) target_semaphore(%run_scoped3A : memref<!tpu.dma_semaphore, #tpu.memory_space<semaphore_mem>>)
      %dma_wait3A = arith.constant 0 : i32
      %dma_wait3A_18 = tpu.memref_slice %arg10[%mul3A_4, %dma_wait3A] : memref<10240x128xf32, #tpu.memory_space<vmem_shared>> -> memref<640x128xf32, #tpu.memory_space<vmem_shared>>
      %dma_wait3A_19 = arith.constant 0 : i32
      %dma_wait3A_20 = tpu.memref_slice %arg5[%mul3A_2, %dma_wait3A_19] : memref<10240x128xf32, #tpu.memory_space<hbm>> -> memref<640x128xf32, #tpu.memory_space<hbm>>
      tpu.wait_dma2 semaphore(%run_scoped3A : memref<!tpu.dma_semaphore, #tpu.memory_space<semaphore_mem>>) src(%dma_wait3A_20 : memref<640x128xf32, #tpu.memory_space<hbm>>) dst(%dma_wait3A_18 : memref<640x128xf32, #tpu.memory_space<vmem_shared>>)
      tpu.yield
    }) : () -> ()
    %barrier3A = arith.constant 0 : index
    tpu.barrier barrier_id(%barrier3A)
    %scan3A = arith.constant 0 : i32
    %scan3A_5 = arith.constant 0 : i32
    %scan3A_6 = arith.constant 84 : i32
    %scan3A_7 = arith.addi %scan3A_5, %scan3A_6 : i32
    %scan3A_8 = arith.constant 1 : i32
    scf.for %scan3A_15 = %scan3A_5 to %scan3A_7 step %scan3A_8  : i32 {
      %dma_start3A = arith.constant 0 : i32
      %dma_start3A_16 = tpu.memref_slice %arg7[%scan3A_15, %dma_start3A] : memref<84x128xi32, #tpu.memory_space<vmem>> -> memref<1x128xi32, #tpu.memory_space<vmem>>
      %dma_start3A_17 = tpu.memref_squeeze %dma_start3A_16 : memref<1x128xi32, #tpu.memory_space<vmem>> -> memref<128xi32, #tpu.memory_space<vmem>>
      %dma_start3A_18 = arith.constant 0 : i32
      %dma_start3A_19 = arith.constant 0 : i32
      %dma_start3A_20 = tpu.memref_slice %arg2[%dma_start3A_18, %dma_start3A_19] : memref<10000x128xf32, #tpu.memory_space<hbm>> -> memref<10000x128xf32, #tpu.memory_space<hbm>>
      tpu.enqueue_indirect_dma source(%dma_start3A_20 : memref<10000x128xf32, #tpu.memory_space<hbm>>) target(%arg9 : memref<128x128xf32, #tpu.memory_space<vmem>>) offsets(%dma_start3A_17 : memref<128xi32, #tpu.memory_space<vmem>>) semaphore(%arg11 : memref<!tpu.dma_semaphore, #tpu.memory_space<semaphore_mem>>)
      %dma_wait3A = arith.constant 0 : i32
      %dma_wait3A_21 = tpu.memref_slice %arg7[%scan3A_15, %dma_wait3A] : memref<84x128xi32, #tpu.memory_space<vmem>> -> memref<1x128xi32, #tpu.memory_space<vmem>>
      %dma_wait3A_22 = tpu.memref_squeeze %dma_wait3A_21 : memref<1x128xi32, #tpu.memory_space<vmem>> -> memref<128xi32, #tpu.memory_space<vmem>>
      %dma_wait3A_23 = arith.constant 0 : i32
      %dma_wait3A_24 = arith.constant 0 : i32
      %dma_wait3A_25 = tpu.memref_slice %arg2[%dma_wait3A_23, %dma_wait3A_24] : memref<10000x128xf32, #tpu.memory_space<hbm>> -> memref<10000x128xf32, #tpu.memory_space<hbm>>
      tpu.wait_indirect_dma semaphore(%arg11 : memref<!tpu.dma_semaphore, #tpu.memory_space<semaphore_mem>>) src(%dma_wait3A_25 : memref<10000x128xf32, #tpu.memory_space<hbm>>) dst(%arg9 : memref<128x128xf32, #tpu.memory_space<vmem>>)
      "tpu.region"() ({
        %run_scoped3A = tpu.sem_alloc : memref<!tpu.dma_semaphore, #tpu.memory_space<semaphore_mem>>
        %dma_start3A_26 = arith.constant 0 : i32
        %dma_start3A_27 = tpu.memref_slice %arg8[%scan3A_15, %dma_start3A_26] : memref<84x128xi32, #tpu.memory_space<vmem>> -> memref<1x128xi32, #tpu.memory_space<vmem>>
        %dma_start3A_28 = tpu.memref_squeeze %dma_start3A_27 : memref<1x128xi32, #tpu.memory_space<vmem>> -> memref<128xi32, #tpu.memory_space<vmem>>
        %dma_start3A_29 = arith.constant 0 : i32
        %dma_start3A_30 = arith.constant 0 : i32
        %dma_start3A_31 = tpu.memref_slice %arg10[%dma_start3A_29, %dma_start3A_30] : memref<10240x128xf32, #tpu.memory_space<vmem_shared>> -> memref<10240x128xf32, #tpu.memory_space<vmem_shared>>
        tpu.enqueue_indirect_dma source(%arg9 : memref<128x128xf32, #tpu.memory_space<vmem>>) target(%dma_start3A_31 : memref<10240x128xf32, #tpu.memory_space<vmem_shared>>) offsets(%dma_start3A_28 : memref<128xi32, #tpu.memory_space<vmem>>) semaphore(%run_scoped3A : memref<!tpu.dma_semaphore, #tpu.memory_space<semaphore_mem>>) {add = true}
        %dma_wait3A_32 = arith.constant 0 : i32
        %dma_wait3A_33 = tpu.memref_slice %arg8[%scan3A_15, %dma_wait3A_32] : memref<84x128xi32, #tpu.memory_space<vmem>> -> memref<1x128xi32, #tpu.memory_space<vmem>>
        %dma_wait3A_34 = tpu.memref_squeeze %dma_wait3A_33 : memref<1x128xi32, #tpu.memory_space<vmem>> -> memref<128xi32, #tpu.memory_space<vmem>>
        %dma_wait3A_35 = arith.constant 0 : i32
        %dma_wait3A_36 = arith.constant 0 : i32
        %dma_wait3A_37 = tpu.memref_slice %arg10[%dma_wait3A_35, %dma_wait3A_36] : memref<10240x128xf32, #tpu.memory_space<vmem_shared>> -> memref<10240x128xf32, #tpu.memory_space<vmem_shared>>
        tpu.wait_indirect_dma semaphore(%run_scoped3A : memref<!tpu.dma_semaphore, #tpu.memory_space<semaphore_mem>>) src(%arg9 : memref<128x128xf32, #tpu.memory_space<vmem>>) dst(%dma_wait3A_37 : memref<10240x128xf32, #tpu.memory_space<vmem_shared>>)
        tpu.yield
      }) : () -> ()
    }
    %scan3A_9 = arith.constant 84 : i32
    %barrier3A_10 = arith.constant 0 : index
    tpu.barrier barrier_id(%barrier3A_10)
    %mul3A_11 = arith.constant 640 : i32
    %mul3A_12 = arith.muli %arg1, %mul3A_11 : i32
    %mul3A_13 = arith.constant 640 : i32
    %mul3A_14 = arith.muli %arg1, %mul3A_13 : i32
    "tpu.region"() ({
      %run_scoped3A = tpu.sem_alloc : memref<!tpu.dma_semaphore, #tpu.memory_space<semaphore_mem>>
      %dma_start3A = arith.constant 0 : i32
      %dma_start3A_15 = tpu.memref_slice %arg6[%arg0, %mul3A_14, %dma_start3A] : memref<2x10240x128xf32, #tpu.memory_space<hbm>> -> memref<1x640x128xf32, #tpu.memory_space<hbm>>
      %dma_start3A_16 = tpu.memref_squeeze %dma_start3A_15 : memref<1x640x128xf32, #tpu.memory_space<hbm>> -> memref<640x128xf32, #tpu.memory_space<hbm>>
      %dma_start3A_17 = arith.constant 0 : i32
      %dma_start3A_18 = tpu.memref_slice %arg10[%mul3A_12, %dma_start3A_17] : memref<10240x128xf32, #tpu.memory_space<vmem_shared>> -> memref<640x128xf32, #tpu.memory_space<vmem_shared>>
      tpu.enqueue_dma source(%dma_start3A_18 : memref<640x128xf32, #tpu.memory_space<vmem_shared>>) target(%dma_start3A_16 : memref<640x128xf32, #tpu.memory_space<hbm>>) target_semaphore(%run_scoped3A : memref<!tpu.dma_semaphore, #tpu.memory_space<semaphore_mem>>)
      %dma_wait3A = arith.constant 0 : i32
      %dma_wait3A_19 = tpu.memref_slice %arg6[%arg0, %mul3A_14, %dma_wait3A] : memref<2x10240x128xf32, #tpu.memory_space<hbm>> -> memref<1x640x128xf32, #tpu.memory_space<hbm>>
      %dma_wait3A_20 = tpu.memref_squeeze %dma_wait3A_19 : memref<1x640x128xf32, #tpu.memory_space<hbm>> -> memref<640x128xf32, #tpu.memory_space<hbm>>
      %dma_wait3A_21 = arith.constant 0 : i32
      %dma_wait3A_22 = tpu.memref_slice %arg10[%mul3A_12, %dma_wait3A_21] : memref<10240x128xf32, #tpu.memory_space<vmem_shared>> -> memref<640x128xf32, #tpu.memory_space<vmem_shared>>
      tpu.wait_dma2 semaphore(%run_scoped3A : memref<!tpu.dma_semaphore, #tpu.memory_space<semaphore_mem>>) src(%dma_wait3A_22 : memref<640x128xf32, #tpu.memory_space<vmem_shared>>) dst(%dma_wait3A_20 : memref<640x128xf32, #tpu.memory_space<hbm>>)
      tpu.yield
    }) : () -> ()
    return
  }
}

module attributes {stable_mosaic.version = 14 : i64} {
  func.func @_tc_layer_body(%arg0: memref<10000x128xf32, #tpu.memory_space<vmem>>, %arg1: memref<2x10240x128xf32, #tpu.memory_space<vmem>>, %arg2: memref<128x128xf32, #tpu.memory_space<vmem>>, %arg3: memref<1x128xf32, #tpu.memory_space<vmem>>, %arg4: memref<128x128xf32, #tpu.memory_space<vmem>>, %arg5: memref<1x128xf32, #tpu.memory_space<vmem>>, %arg6: memref<1x128xf32, #tpu.memory_space<vmem>>, %arg7: memref<1x128xf32, #tpu.memory_space<vmem>>, %arg8: memref<10000x128xf32, #tpu.memory_space<vmem>>) attributes {dimension_semantics = [], scalar_prefetch = 0 : i64, scratch_operands = 0 : i64, tpu.core_type = #tpu.core_type<tc>} {
    %get3A = arith.constant 0 : index
    %get3A_0 = arith.constant 0 : index
    %get3A_1 = vector.load %arg0[%get3A, %get3A_0] : memref<10000x128xf32, #tpu.memory_space<vmem>>, vector<10000x128xf32>
    %get3A_2 = arith.constant 0 : index
    %get3A_3 = arith.constant 0 : index
    %get3A_4 = arith.constant 0 : index
    %get3A_5 = vector.load %arg1[%get3A_2, %get3A_3, %get3A_4] : memref<2x10240x128xf32, #tpu.memory_space<vmem>>, vector<1x10000x128xf32>
    %get3A_6 = vector.shape_cast %get3A_5 : vector<1x10000x128xf32> to vector<10000x128xf32>
    %add3A = arith.addf %get3A_1, %get3A_6 : vector<10000x128xf32>
    %get3A_7 = arith.constant 1 : index
    %get3A_8 = arith.constant 0 : index
    %get3A_9 = arith.constant 0 : index
    %get3A_10 = vector.load %arg1[%get3A_7, %get3A_8, %get3A_9] : memref<2x10240x128xf32, #tpu.memory_space<vmem>>, vector<1x10000x128xf32>
    %get3A_11 = vector.shape_cast %get3A_10 : vector<1x10000x128xf32> to vector<10000x128xf32>
    %add3A_12 = arith.addf %add3A, %get3A_11 : vector<10000x128xf32>
    %get3A_13 = arith.constant 0 : index
    %get3A_14 = arith.constant 0 : index
    %get3A_15 = vector.load %arg2[%get3A_13, %get3A_14] : memref<128x128xf32, #tpu.memory_space<vmem>>, vector<128x128xf32>
    %dot_general3A = arith.constant dense<0.000000e+00> : vector<10000x128xf32>
    %dot_general3A_16 = tpu.matmul %add3A_12, %get3A_15, %dot_general3A {dimension_numbers = #tpu.dot_dimension_numbers<[1], [0], [0], [1], [0, 0, 1, 1], [], []>, transpose_lhs_hint = false} : vector<10000x128xf32>, vector<128x128xf32>, vector<10000x128xf32> -> vector<10000x128xf32>
    %get3A_17 = arith.constant 0 : index
    %get3A_18 = arith.constant 0 : index
    %get3A_19 = vector.load %arg3[%get3A_17, %get3A_18] : memref<1x128xf32, #tpu.memory_space<vmem>>, vector<1x128xf32>
    %add3A_20 = vector.broadcast %get3A_19 : vector<1x128xf32> to vector<10000x128xf32>
    %add3A_21 = arith.addf %dot_general3A_16, %add3A_20 : vector<10000x128xf32>
    %max3A = arith.constant 0.000000e+00 : f32
    %max3A_22 = vector.broadcast %max3A : f32 to vector<10000x128xf32>
    %max3A_23 = arith.maximumf %add3A_21, %max3A_22 : vector<10000x128xf32>
    %get3A_24 = arith.constant 0 : index
    %get3A_25 = arith.constant 0 : index
    %get3A_26 = vector.load %arg4[%get3A_24, %get3A_25] : memref<128x128xf32, #tpu.memory_space<vmem>>, vector<128x128xf32>
    %dot_general3A_27 = arith.constant dense<0.000000e+00> : vector<10000x128xf32>
    %dot_general3A_28 = tpu.matmul %max3A_23, %get3A_26, %dot_general3A_27 {dimension_numbers = #tpu.dot_dimension_numbers<[1], [0], [0], [1], [0, 0, 1, 1], [], []>, transpose_lhs_hint = false} : vector<10000x128xf32>, vector<128x128xf32>, vector<10000x128xf32> -> vector<10000x128xf32>
    %get3A_29 = arith.constant 0 : index
    %get3A_30 = arith.constant 0 : index
    %get3A_31 = vector.load %arg5[%get3A_29, %get3A_30] : memref<1x128xf32, #tpu.memory_space<vmem>>, vector<1x128xf32>
    %add3A_32 = vector.broadcast %get3A_31 : vector<1x128xf32> to vector<10000x128xf32>
    %add3A_33 = arith.addf %dot_general3A_28, %add3A_32 : vector<10000x128xf32>
    %max3A_34 = arith.constant 0.000000e+00 : f32
    %max3A_35 = vector.broadcast %max3A_34 : f32 to vector<10000x128xf32>
    %max3A_36 = arith.maximumf %add3A_33, %max3A_35 : vector<10000x128xf32>
    %reduce_sum3A = arith.constant dense<0.000000e+00> : vector<128xf32>
    %reduce_sum3A_37 = vector.multi_reduction <add>, %max3A_36, %reduce_sum3A [0] : vector<10000x128xf32> to vector<128xf32>
    %broadcast_in_dim3A = vector.shape_cast %reduce_sum3A_37 : vector<128xf32> to vector<1x128xf32>
    %div3A = arith.constant 1.000000e+04 : f32
    %div3A_38 = vector.broadcast %div3A : f32 to vector<1x128xf32>
    %div3A_39 = arith.divf %broadcast_in_dim3A, %div3A_38 : vector<1x128xf32>
    %mul3A = arith.mulf %max3A_36, %max3A_36 : vector<10000x128xf32>
    %reduce_sum3A_40 = arith.constant dense<0.000000e+00> : vector<128xf32>
    %reduce_sum3A_41 = vector.multi_reduction <add>, %mul3A, %reduce_sum3A_40 [0] : vector<10000x128xf32> to vector<128xf32>
    %broadcast_in_dim3A_42 = vector.shape_cast %reduce_sum3A_41 : vector<128xf32> to vector<1x128xf32>
    %div3A_43 = arith.constant 1.000000e+04 : f32
    %div3A_44 = vector.broadcast %div3A_43 : f32 to vector<1x128xf32>
    %div3A_45 = arith.divf %broadcast_in_dim3A_42, %div3A_44 : vector<1x128xf32>
    %mul3A_46 = arith.mulf %div3A_39, %div3A_39 : vector<1x128xf32>
    %sub3A = arith.subf %div3A_45, %mul3A_46 : vector<1x128xf32>
    %sub3A_47 = vector.broadcast %div3A_39 : vector<1x128xf32> to vector<10000x128xf32>
    %sub3A_48 = arith.subf %max3A_36, %sub3A_47 : vector<10000x128xf32>
    %add3A_49 = arith.constant 9.99999974E-6 : f32
    %add3A_50 = vector.broadcast %add3A_49 : f32 to vector<1x128xf32>
    %add3A_51 = arith.addf %sub3A, %add3A_50 : vector<1x128xf32>
    %sqrt3A = math.sqrt %add3A_51 : vector<1x128xf32>
    %div3A_52 = vector.broadcast %sqrt3A : vector<1x128xf32> to vector<10000x128xf32>
    %div3A_53 = arith.divf %sub3A_48, %div3A_52 : vector<10000x128xf32>
    %get3A_54 = arith.constant 0 : index
    %get3A_55 = arith.constant 0 : index
    %get3A_56 = vector.load %arg6[%get3A_54, %get3A_55] : memref<1x128xf32, #tpu.memory_space<vmem>>, vector<1x128xf32>
    %mul3A_57 = vector.broadcast %get3A_56 : vector<1x128xf32> to vector<10000x128xf32>
    %mul3A_58 = arith.mulf %div3A_53, %mul3A_57 : vector<10000x128xf32>
    %get3A_59 = arith.constant 0 : index
    %get3A_60 = arith.constant 0 : index
    %get3A_61 = vector.load %arg7[%get3A_59, %get3A_60] : memref<1x128xf32, #tpu.memory_space<vmem>>, vector<1x128xf32>
    %add3A_62 = vector.broadcast %get3A_61 : vector<1x128xf32> to vector<10000x128xf32>
    %add3A_63 = arith.addf %mul3A_58, %add3A_62 : vector<10000x128xf32>
    %swap3A = arith.constant 0 : index
    %swap3A_64 = arith.constant 0 : index
    %swap3A_65 = vector.load %arg8[%swap3A, %swap3A_64] : memref<10000x128xf32, #tpu.memory_space<vmem>>, vector<10000x128xf32>
    tpu.vector_store %arg8[%swap3A, %swap3A_64], %add3A_63 {strides = array<i32>} : memref<10000x128xf32, #tpu.memory_space<vmem>>, vector<10000x128xf32>,
    return
  }
}

module attributes {stable_mosaic.version = 14 : i64} {
  func.func @_tc_final_body(%arg0: memref<10000x128xf32, #tpu.memory_space<vmem>>, %arg1: memref<10000x128xf32, #tpu.memory_space<vmem>>, %arg2: memref<10000x128xf32, #tpu.memory_space<vmem>>, %arg3: memref<10000x128xf32, #tpu.memory_space<vmem>>, %arg4: memref<10000x128xf32, #tpu.memory_space<vmem>>, %arg5: memref<1x10000xi32, #tpu.memory_space<vmem>>, %arg6: memref<128x128xf32, #tpu.memory_space<vmem>>, %arg7: memref<128x128xf32, #tpu.memory_space<vmem>>, %arg8: memref<128x128xf32, #tpu.memory_space<vmem>>, %arg9: memref<128x128xf32, #tpu.memory_space<vmem>>, %arg10: memref<1x128xf32, #tpu.memory_space<vmem>>, %arg11: memref<128x1024xf32, #tpu.memory_space<vmem>>, %arg12: memref<1x1024xf32, #tpu.memory_space<vmem>>, %arg13: memref<1024x256xf32, #tpu.memory_space<vmem>>, %arg14: memref<1x256xf32, #tpu.memory_space<vmem>>, %arg15: memref<256x1xf32, #tpu.memory_space<vmem>>, %arg16: memref<1x1xf32, #tpu.memory_space<vmem>>, %arg17: memref<80x1xf32, #tpu.memory_space<vmem>>, %arg18: memref<80x128xf32, #tpu.memory_space<vmem>>) attributes {dimension_semantics = [], scalar_prefetch = 0 : i64, scratch_operands = 0 : i64, tpu.core_type = #tpu.core_type<tc>} {
    %get3A = arith.constant 0 : index
    %get3A_0 = arith.constant 0 : index
    %get3A_1 = vector.load %arg4[%get3A, %get3A_0] : memref<10000x128xf32, #tpu.memory_space<vmem>>, vector<10000x128xf32>
    %get3A_2 = arith.constant 0 : index
    %get3A_3 = arith.constant 0 : index
    %get3A_4 = vector.load %arg3[%get3A_2, %get3A_3] : memref<10000x128xf32, #tpu.memory_space<vmem>>, vector<10000x128xf32>
    %get3A_5 = arith.constant 0 : index
    %get3A_6 = arith.constant 0 : index
    %get3A_7 = vector.load %arg8[%get3A_5, %get3A_6] : memref<128x128xf32, #tpu.memory_space<vmem>>, vector<128x128xf32>
    %dot_general3A = arith.constant dense<0.000000e+00> : vector<10000x128xf32>
    %dot_general3A_8 = tpu.matmul %get3A_4, %get3A_7, %dot_general3A {dimension_numbers = #tpu.dot_dimension_numbers<[1], [0], [0], [1], [0, 0, 1, 1], [], []>, transpose_lhs_hint = false} : vector<10000x128xf32>, vector<128x128xf32>, vector<10000x128xf32> -> vector<10000x128xf32>
    %add3A = arith.addf %get3A_1, %dot_general3A_8 : vector<10000x128xf32>
    %get3A_9 = arith.constant 0 : index
    %get3A_10 = arith.constant 0 : index
    %get3A_11 = vector.load %arg2[%get3A_9, %get3A_10] : memref<10000x128xf32, #tpu.memory_space<vmem>>, vector<10000x128xf32>
    %get3A_12 = arith.constant 0 : index
    %get3A_13 = arith.constant 0 : index
    %get3A_14 = vector.load %arg7[%get3A_12, %get3A_13] : memref<128x128xf32, #tpu.memory_space<vmem>>, vector<128x128xf32>
    %dot_general3A_15 = arith.constant dense<0.000000e+00> : vector<10000x128xf32>
    %dot_general3A_16 = tpu.matmul %get3A_11, %get3A_14, %dot_general3A_15 {dimension_numbers = #tpu.dot_dimension_numbers<[1], [0], [0], [1], [0, 0, 1, 1], [], []>, transpose_lhs_hint = false} : vector<10000x128xf32>, vector<128x128xf32>, vector<10000x128xf32> -> vector<10000x128xf32>
    %add3A_17 = arith.addf %add3A, %dot_general3A_16 : vector<10000x128xf32>
    %get3A_18 = arith.constant 0 : index
    %get3A_19 = arith.constant 0 : index
    %get3A_20 = vector.load %arg1[%get3A_18, %get3A_19] : memref<10000x128xf32, #tpu.memory_space<vmem>>, vector<10000x128xf32>
    %get3A_21 = arith.constant 0 : index
    %get3A_22 = arith.constant 0 : index
    %get3A_23 = vector.load %arg6[%get3A_21, %get3A_22] : memref<128x128xf32, #tpu.memory_space<vmem>>, vector<128x128xf32>
    %dot_general3A_24 = arith.constant dense<0.000000e+00> : vector<10000x128xf32>
    %dot_general3A_25 = tpu.matmul %get3A_20, %get3A_23, %dot_general3A_24 {dimension_numbers = #tpu.dot_dimension_numbers<[1], [0], [0], [1], [0, 0, 1, 1], [], []>, transpose_lhs_hint = false} : vector<10000x128xf32>, vector<128x128xf32>, vector<10000x128xf32> -> vector<10000x128xf32>
    %add3A_26 = arith.addf %add3A_17, %dot_general3A_25 : vector<10000x128xf32>
    %get3A_27 = arith.constant 0 : index
    %get3A_28 = arith.constant 0 : index
    %get3A_29 = vector.load %arg0[%get3A_27, %get3A_28] : memref<10000x128xf32, #tpu.memory_space<vmem>>, vector<10000x128xf32>
    %add3A_30 = arith.addf %add3A_26, %get3A_29 : vector<10000x128xf32>
    %iota3A = tpu.iota {dimensions = array<i32: 0>} : vector<80x10000xi32>
    %get3A_31 = arith.constant 0 : index
    %get3A_32 = arith.constant 0 : index
    %get3A_33 = vector.load %arg5[%get3A_31, %get3A_32] : memref<1x10000xi32, #tpu.memory_space<vmem>>, vector<1x10000xi32>
    %eq3A = vector.broadcast %get3A_33 : vector<1x10000xi32> to vector<80x10000xi32>
    %eq3A_34 = arith.cmpi eq, %iota3A, %eq3A : vector<80x10000xi32>
    %convert_element_type3A = arith.extui %eq3A_34 : vector<80x10000xi1> to vector<80x10000xi32>
    %convert_element_type3A_35 = arith.sitofp %convert_element_type3A : vector<80x10000xi32> to vector<80x10000xf32>
    %dot_general3A_36 = arith.constant dense<0.000000e+00> : vector<80x128xf32>
    %dot_general3A_37 = tpu.matmul %convert_element_type3A_35, %add3A_30, %dot_general3A_36 {dimension_numbers = #tpu.dot_dimension_numbers<[1], [0], [0], [1], [0, 0, 1, 1], [], []>, precision = #tpu.contract_precision<fp32>, transpose_lhs_hint = false} : vector<80x10000xf32>, vector<10000x128xf32>, vector<80x128xf32> -> vector<80x128xf32>
    %swap3A = arith.constant 0 : index
    %swap3A_38 = arith.constant 0 : index
    %swap3A_39 = vector.load %arg18[%swap3A, %swap3A_38] : memref<80x128xf32, #tpu.memory_space<vmem>>, vector<80x128xf32>
    tpu.vector_store %arg18[%swap3A, %swap3A_38], %dot_general3A_37 {strides = array<i32>} : memref<80x128xf32, #tpu.memory_space<vmem>>, vector<80x128xf32>,
    %get3A_40 = arith.constant 0 : index
    %get3A_41 = arith.constant 0 : index
    %get3A_42 = vector.load %arg9[%get3A_40, %get3A_41] : memref<128x128xf32, #tpu.memory_space<vmem>>, vector<128x128xf32>
    %dot_general3A_43 = arith.constant dense<0.000000e+00> : vector<80x128xf32>
    %dot_general3A_44 = tpu.matmul %dot_general3A_37, %get3A_42, %dot_general3A_43 {dimension_numbers = #tpu.dot_dimension_numbers<[1], [0], [0], [1], [0, 0, 1, 1], [], []>, transpose_lhs_hint = false} : vector<80x128xf32>, vector<128x128xf32>, vector<80x128xf32> -> vector<80x128xf32>
    %get3A_45 = arith.constant 0 : index
    %get3A_46 = arith.constant 0 : index
    %get3A_47 = vector.load %arg10[%get3A_45, %get3A_46] : memref<1x128xf32, #tpu.memory_space<vmem>>, vector<1x128xf32>
    %add3A_48 = vector.broadcast %get3A_47 : vector<1x128xf32> to vector<80x128xf32>
    %add3A_49 = arith.addf %dot_general3A_44, %add3A_48 : vector<80x128xf32>
    %max3A = arith.constant 0.000000e+00 : f32
    %max3A_50 = vector.broadcast %max3A : f32 to vector<80x128xf32>
    %max3A_51 = arith.maximumf %add3A_49, %max3A_50 : vector<80x128xf32>
    %get3A_52 = arith.constant 0 : index
    %get3A_53 = arith.constant 0 : index
    %get3A_54 = vector.load %arg11[%get3A_52, %get3A_53] : memref<128x1024xf32, #tpu.memory_space<vmem>>, vector<128x1024xf32>
    %dot_general3A_55 = arith.constant dense<0.000000e+00> : vector<80x1024xf32>
    %dot_general3A_56 = tpu.matmul %max3A_51, %get3A_54, %dot_general3A_55 {dimension_numbers = #tpu.dot_dimension_numbers<[1], [0], [0], [1], [0, 0, 1, 1], [], []>, transpose_lhs_hint = false} : vector<80x128xf32>, vector<128x1024xf32>, vector<80x1024xf32> -> vector<80x1024xf32>
    %get3A_57 = arith.constant 0 : index
    %get3A_58 = arith.constant 0 : index
    %get3A_59 = vector.load %arg12[%get3A_57, %get3A_58] : memref<1x1024xf32, #tpu.memory_space<vmem>>, vector<1x1024xf32>
    %add3A_60 = vector.broadcast %get3A_59 : vector<1x1024xf32> to vector<80x1024xf32>
    %add3A_61 = arith.addf %dot_general3A_56, %add3A_60 : vector<80x1024xf32>
    %max3A_62 = arith.constant 0.000000e+00 : f32
    %max3A_63 = vector.broadcast %max3A_62 : f32 to vector<80x1024xf32>
    %max3A_64 = arith.maximumf %add3A_61, %max3A_63 : vector<80x1024xf32>
    %get3A_65 = arith.constant 0 : index
    %get3A_66 = arith.constant 0 : index
    %get3A_67 = vector.load %arg13[%get3A_65, %get3A_66] : memref<1024x256xf32, #tpu.memory_space<vmem>>, vector<1024x256xf32>
    %dot_general3A_68 = arith.constant dense<0.000000e+00> : vector<80x256xf32>
    %dot_general3A_69 = tpu.matmul %max3A_64, %get3A_67, %dot_general3A_68 {dimension_numbers = #tpu.dot_dimension_numbers<[1], [0], [0], [1], [0, 0, 1, 1], [], []>, transpose_lhs_hint = false} : vector<80x1024xf32>, vector<1024x256xf32>, vector<80x256xf32> -> vector<80x256xf32>
    %get3A_70 = arith.constant 0 : index
    %get3A_71 = arith.constant 0 : index
    %get3A_72 = vector.load %arg14[%get3A_70, %get3A_71] : memref<1x256xf32, #tpu.memory_space<vmem>>, vector<1x256xf32>
    %add3A_73 = vector.broadcast %get3A_72 : vector<1x256xf32> to vector<80x256xf32>
    %add3A_74 = arith.addf %dot_general3A_69, %add3A_73 : vector<80x256xf32>
    %max3A_75 = arith.constant 0.000000e+00 : f32
    %max3A_76 = vector.broadcast %max3A_75 : f32 to vector<80x256xf32>
    %max3A_77 = arith.maximumf %add3A_74, %max3A_76 : vector<80x256xf32>
    %get3A_78 = arith.constant 0 : index
    %get3A_79 = arith.constant 0 : index
    %get3A_80 = vector.load %arg15[%get3A_78, %get3A_79] : memref<256x1xf32, #tpu.memory_space<vmem>>, vector<256x1xf32>
    %dot_general3A_81 = arith.constant dense<0.000000e+00> : vector<80x1xf32>
    %dot_general3A_82 = tpu.matmul %max3A_77, %get3A_80, %dot_general3A_81 {dimension_numbers = #tpu.dot_dimension_numbers<[1], [0], [0], [1], [0, 0, 1, 1], [], []>, transpose_lhs_hint = false} : vector<80x256xf32>, vector<256x1xf32>, vector<80x1xf32> -> vector<80x1xf32>
    %get3A_83 = arith.constant 0 : index
    %get3A_84 = arith.constant 0 : index
    %get3A_85 = vector.load %arg16[%get3A_83, %get3A_84] : memref<1x1xf32, #tpu.memory_space<vmem>>, vector<1x1xf32>
    %add3A_86 = vector.broadcast %get3A_85 : vector<1x1xf32> to vector<80x1xf32>
    %add3A_87 = arith.addf %dot_general3A_82, %add3A_86 : vector<80x1xf32>
    %swap3A_88 = arith.constant 0 : index
    %swap3A_89 = arith.constant 0 : index
    %swap3A_90 = vector.load %arg17[%swap3A_88, %swap3A_89] : memref<80x1xf32, #tpu.memory_space<vmem>>, vector<80x1xf32>
    tpu.vector_store %arg17[%swap3A_88, %swap3A_89], %add3A_87 {strides = array<i32>} : memref<80x1xf32, #tpu.memory_space<vmem>>, vector<80x1xf32>,
    return
  }
}

</mosaic_0001>

<sc_bundles>
// kernel: gather_offload_async_start.1
scs
__scs_entry_jumppad:
0x0: {  	(pc) =	sbr.rel $0x88, $3  }
0x1: {  	(tag) =	ssettag $0x0;
	lr =	simm.s32 $0x1  }
0x2: {  	[smem:$0x3F8D] =	sst lr;
	_ =	strace $0xD0000000  }
0x3: {  	_ = 	snop  }
0x4: {  	_ = 	snop  }
0x5: {  	_ = 	snop  }
0x6: {  	_ = 	snop  }
0x7: {  	_ = 	snop  }
__scs_overlays_trampoline_lowered:
0x8: {  	[smem:$0x3F9C] =	sst s0  }
0x9: {  	[smem:$0x3F9D] =	sst s1  }
0xa: {  	[smem:$0x3F9E] =	sst s2  }
0xb: {  	[smem:$0x3F9F] =	sst s3  }
0xc: {  	[smem:$0x3FA0] =	sst s4  }
0xd: {  	[smem:$0x3FA1] =	sst s5  }
0xe: {  	[smem:$0x3FA2] =	sst s6  }
0xf: {  	[smem:$0x3FA3] =	sst s7  }
0x10: {  	[smem:$0x3FA4] =	sst s8  }
0x11: {  	[smem:$0x3FA5] =	sst s9;
	s0 =	simm.s32 @!p0 $0x0  }
0x12: {  	s1 =	sld [smem:$0x3F8B];
	s0 =	simm.s32 @p0 $0x1  }
0x13: {  	[smem:$0x3FA6] =	sst s0;
	s0 =	simm.s32 @!p1 $0x0  }
0x14: {  	s2 =	sld [smem:$0x3F8A];
	s0 =	simm.s32 @p1 $0x1  }
0x15: {  	[smem:$0x3FA7] =	sst s0;
	s0 =	simm.s32 @!p2 $0x0  }
0x16: {  	s3 =	sld [smem:$0x3FDB];
	s0 =	simm.s32 @p2 $0x1  }
0x17: {  	s4 =	simm.s32 $0x1BF5;
	[smem:$0x3FA9] =	sst s0  }
0x18: {  	s0 =	sld [smem:$0x3F8C];
	_ =	swait.ge [sflag:s4], $0x0  }
0x19: {  	s7 =	sld [smem:$0x3F8D]  }
0x1a: {  	s8 =	sadd.s32 $0xFFFFE003, lr  }
0x1b: {  	s9 =	sadd.s32 $0xFFFFFEF7, lr;
	s5 =	simm.s32 $0xFFFFFFFF;
	p2 =	slt.u32 s8, $0xFFFFF086  }
0x1c: {  	p1 =	slt.u32 s9, $0xF7A;
	s5 =	simm.s32 @!p2 $0x0  }
0x1d: {  	s5 =	simm.s32 @p1 $0x1;
	p0 =	seq.s32 s7, s2  }
0x1e: {  	s7 =	smul.u32 @!p0 $0xF7A, s2;
	p2 =	seq.s32 @!p0 s5, $0x0  }
0x1f: {  	s9 =	smul.u32 $0xF7A, s1;
	s8 =	simm.s32 @!p0 $0x1BF5;
	p2 =	por !p2, p0  }
0x20: {  	[sflag:s8] =	ssyncset.s32 @!p0 $0xFFFFF086;
	s6 =	sadd.s32 @!p0 s3, s7;
	s7 =	simm.s32 @!p0 $0x108  }
0x21: {  	s3 =	sadd.s32 s3, s9;
	s6 =	sadd.s32 @!p0 $0x88, s6;
	s7 =	simm.s32 @p2 $0x1082  }
0x22: {  	[simem:s7], [sflag:s8] =	dma.local @!p0 [hbm:s6], $0xF7A  }
0x23: {  	s9 =	sor.u32 $0xD0000000, s2;
	s6 =	simm.s32 $0x108;
	_ =	swait.ge @!p0 [sflag:s8], $0x0  }
0x24: {  	s3 =	sadd.s32 $0x88, s3;
	s6 =	simm.s32 @!p1 $0x1082;
	[sflag:s4] =	ssyncset.s32 $0xFFFFF086  }
0x25: {  	[simem:s6], [sflag:s4] =	dma.local [hbm:s3], $0xF7A  }
0x26: {  	[smem:$0x3F8D] =	sst s1;
	(tag) =	ssettag s2;
	_ =	strace s9  }
0x27: {  	s1 =	sld [smem:$0x3F9D]  }
0x28: {  	s2 =	sld [smem:$0x3F9E]  }
0x29: {  	s4 =	sld [smem:$0x3FA0]  }
0x2a: {  	p0 =	seq.s32 s5, $0x0;
	s5 =	sld [smem:$0x3FA1]  }
0x2b: {  	s6 =	sld [smem:$0x3FA2]  }
0x2c: {  	s7 =	sld [smem:$0x3FA3]  }
0x2d: {  	s3 =	simm.s32 $0x108;
	s8 =	sld [smem:$0x3FA4]  }
0x2e: {  	s3 =	simm.s32 @!p0 $0x1082;
	s9 =	sld [smem:$0x3FA5]  }
0x2f: {  	lr =	sadd.s32 s0, s3;
	s0 =	sld [smem:$0x3F9C]  }
0x30: {  	s3 =	sld [smem:$0x3F9F]  }
0x31: {  	[smem:$0x3FA8] =	sst s10  }
0x32: {  	s10 =	sld [smem:$0x3FA6];
	_ =	sdelay $0x3  }
0x33: {  	p0 =	seq.s32 s10, $0x1;
	s10 =	sld [smem:$0x3FA8];
	_ =	sdelay $0x3  }
0x34: {  	[smem:$0x3FA8] =	sst s10  }
0x35: {  	s10 =	sld [smem:$0x3FA7];
	_ =	sdelay $0x3  }
0x36: {  	p1 =	seq.s32 s10, $0x1;
	s10 =	sld [smem:$0x3FA8];
	_ =	sdelay $0x3  }
0x37: {  	[smem:$0x3FA8] =	sst s10  }
0x38: {  	s10 =	sld [smem:$0x3FA9]  }
0x39: {  	_ = 	snop;
	(pc) =	sbr.ind lr, $3  }
0x3a: {  	_ = 	snop  }
0x3b: {  	_ = 	snop  }
0x3c: {  	p2 =	seq.s32 s10, $0x1;
	s10 =	sld [smem:$0x3FA8]  }
0x3d: {  	_ =	shalt  }
0x3e: {  	_ =	shalt  }
0x3f: {  	_ =	shalt  }
0x40: {  	_ =	shalt  }
0x41: {  	_ =	shalt  }
0x42: {  	_ =	shalt  }
0x43: {  	_ =	shalt  }
0x44: {  	_ =	shalt  }
0x45: {  	_ =	shalt  }
0x46: {  	_ =	shalt  }
0x47: {  	_ =	shalt  }
0x48: {  	_ =	shalt  }
0x49: {  	_ =	shalt  }
0x4a: {  	_ =	shalt  }
0x4b: {  	_ =	shalt  }
0x4c: {  	_ =	shalt  }
0x4d: {  	_ =	shalt  }
0x4e: {  	_ =	shalt  }
0x4f: {  	_ =	shalt  }
0x50: {  	_ =	shalt  }
0x51: {  	_ =	shalt  }
0x52: {  	_ =	shalt  }
0x53: {  	_ =	shalt  }
0x54: {  	_ =	shalt  }
0x55: {  	_ =	shalt  }
0x56: {  	_ =	shalt  }
0x57: {  	_ =	shalt  }
0x58: {  	_ =	shalt  }
0x59: {  	_ =	shalt  }
0x5a: {  	_ =	shalt  }
0x5b: {  	_ =	shalt  }
0x5c: {  	_ =	shalt  }
0x5d: {  	_ =	shalt  }
0x5e: {  	_ =	shalt  }
0x5f: {  	_ =	shalt  }
0x60: {  	_ =	shalt  }
0x61: {  	_ =	shalt  }
0x62: {  	_ =	shalt  }
0x63: {  	_ =	shalt  }
0x64: {  	_ =	shalt  }
0x65: {  	_ =	shalt  }
0x66: {  	_ =	shalt  }
0x67: {  	_ =	shalt  }
0x68: {  	_ =	shalt  }
0x69: {  	_ =	shalt  }
0x6a: {  	_ =	shalt  }
0x6b: {  	_ =	shalt  }
0x6c: {  	_ =	shalt  }
0x6d: {  	_ =	shalt  }
0x6e: {  	_ =	shalt  }
0x6f: {  	_ =	shalt  }
0x70: {  	_ =	shalt  }
0x71: {  	_ =	shalt  }
0x72: {  	_ =	shalt  }
0x73: {  	_ =	shalt  }
0x74: {  	_ =	shalt  }
0x75: {  	_ =	shalt  }
0x76: {  	_ =	shalt  }
0x77: {  	_ =	shalt  }
0x78: {  	_ =	shalt  }
0x79: {  	_ =	shalt  }
0x7a: {  	_ =	shalt  }
0x7b: {  	_ =	shalt  }
0x7c: {  	_ =	shalt  }
0x7d: {  	_ =	shalt  }
0x7e: {  	_ =	shalt  }
0x7f: {  	_ =	shalt  }
0x80: {  	_ =	shalt  }
0x81: {  	_ =	shalt  }
0x82: {  	_ =	shalt  }
0x83: {  	_ =	shalt  }
0x84: {  	_ =	shalt  }
0x85: {  	_ =	shalt  }
0x86: {  	_ =	shalt  }
0x87: {  	_ =	shalt  }
.Lfunc_end0:
.L_simem_size_0:
called_computation.1_lowered:
.L_overlay_start_0:
0x88: {  	s2 =	sld [smem:$0x3FD9]  }
0x89: {  	s3 =	sld [smem:$0x3FFE];
	_ =	sdelay $0x1  }
0x8a: {  	s1 =	srdreg.scid  }
0x8b: {  	s0 =	sand.u32 $0x1, s1  }
0x8c: {  	s16 =	sshll.u32 s0, $0xA;
	s2 =	sadd.s32 s3, s2  }
0x8d: {  	s2 =	sadd.s32 s2, s16  }
0x8e: {  	[smem:$0x3FB4] =	sst s2  }
0x8f: {  	_ = 	snop  }
0x90: {  	(tm) =	ssettm $0x1  }
0x91: {  	s17 =	sld [smem:$0x3FFB];
	_ =	sdelay $0x3  }
0x92: {  	_ =	strace s17  }
0x93: {  	s2 =	sld [smem:$0x3FFC];
	_ =	sdelay $0x3  }
0x94: {  	_ =	strace s2  }
0x95: {  	s2 =	sld [smem:$0x3FFD];
	_ =	sdelay $0x3  }
0x96: {  	_ =	strace s2  }
0x97: {  	_ =	strace $0x8FFFFFFF  }
0x98: {  	s18 =	sld [smem:$0x3FDB];
	_ =	sdelay $0x1  }
0x99: {  	s19 =	simm.s32 $_scs_section_size  }
0x9a: {  	s4 =	simm.s32 $_size__tile_overlayer_lowered;
	s5 =	simm.s32 $_tile_overlayer_lowered  }
0x9b: {  	s22 =	simm.s32 $0x1BFF;
	s21 =	sshll.u32 s5, $0x1;
	s2 =	sadd.s32 s19, s18  }
0x9c: {  	s6 =	simm.s32 $0x0;
	s20 =	sshll.u32 s4, $0x1;
	s4 =	sadd.s32 s21, s2  }
0x9d: {  	[timem:s6], [sflag:s22] =	dma.local [hbm:s4], s20  }
0x9e: {  	_ =	swait.ge [sflag:s22], s20  }
0x9f: {  	s3 =	ssub.s32 $0x0, s20;
	[sflag:s22] =	ssyncset.done $0x0  }
0xa0: {  	[sflag:s22] =	ssyncadd.s32 s3;
	_ =	sdelay $0x1  }
0xa1: {  	s23 =	simm.s32 $0x1B8B  }
0xa2: {  	_ =	swait.ge [sflag:s23], $0x1  }
0xa3: {  	[sflag:s23] =	ssyncset.done $0x0  }
0xa4: {  	s25 =	simm.s32 $0x1B8E;
	s24 =	sld [smem:$0x3FFE];
	[sflag:s23] =	ssyncadd.s32 $0xFFFFFFFF  }
0xa5: {  	s26 =	simm.s32 $execute0_lowered;
	[smem:$0x3FD2] =	sst s25  }
0xa6: {  	s4 =	sshll.u32 s26, $0x1;
	_ =	strace $0x80000046;
	[dreg:$0x1] =	wrdreg $0xFFFFFFFF  }
0xa7: {  	s28 =	simm.s32 $_size_execute0_lowered;
	s2 =	sadd.s32 s2, s4;
	[dreg:$0x0] =	wrdreg $0x0  }
0xa8: {  	s4 =	sshll.u32 s28, $0x1;
	[dreg:$0x2] =	wrdreg s2  }
0xa9: {  	[dreg:$0x3] =	wrdreg s4  }
0xaa: {  	[dreg:$0x4] =	wrdreg $0xC0  }
0xab: {  	_ =	task [dreg:s6], $0x5FFFF  }
0xac: {  	[dreg:$0x1] =	wrdreg $0xFFFFFFFF  }
0xad: {  	[dreg:$0x0] =	wrdreg $0x60  }
0xae: {  	[dreg:$0x2] =	wrdreg s24  }
0xaf: {  	[dreg:$0x3] =	wrdreg $0x9  }
0xb0: {  	_ =	task.clear_ibuf [dreg:s6], $0x4FFFF;
	_ =	strace $0x90000046  }
0xb1: {  	s29 =	simm.s32 $0x9;
	_ =	strace $0x80000048  }
0xb2: {  	_ =	swait.ge [sflag:s29], $0x1  }
0xb3: {  	[sflag:s29] =	ssyncadd.s32 $0xFFFFFFFF  }
0xb4: {  	_ =	strace $0x90000048  }
0xb5: {  	_ =	sfence  }
0xb6: {  	s30 =	sld [smem:$0x0];
	_ =	sdelay $0x2  }
0xb7: {  	s31 =	sshll.u32 s1, $0xD;
	s1 =	sshrl.u32 s1, $0x2  }
0xb8: {  	s3 =	sand.u32 $0x4000, s31;
	s1 =	sadd.s32 s1, s30  }
0xb9: {  	s0 =	sor.u32 s3, s0;
	s1 =	sshll.u32 s1, $0x11  }
0xba: {  	s0 =	sor.u32 s1, s0  }
0xbb: {  	s0 =	sadd.s32 $0x8F2B, s0  }
0xbc: {  	[sflag:s0] =	ssyncadd.remote.s32 $0x1  }
0xbd: {  	_ =	sfence.sel $0xFFFF  }
0xbe: {  	[dreg:$0x0] =	wrdreg $0xFFFFFFFF;
	(pc) =	sbr.abs _section_cstart, $3  }
0xbf: {  	[dreg:$0x1] =	wrdreg $0xFFFFFFFF  }
0xc0: {  	_ =	task.clear_ibuf [dreg:s6], $0x2FFFF;
	_ =	strace $0x9FFFFFFF  }
0xc1: {  	(tm) =	ssettm $0x7FFFFFFF  }
tec
execute0_lowered:
.L_overlay_start_1:
0x0: {  	(tag) =	ssettag $0x1  }
0x1: {  	s8 =	rddreg [dreg:$0x0]  }
0x2: {  	s0 =	rddreg [dreg:$0x1];
	_ =	strace $0x80000047;
	s1 =	stileid.u32  }
0x3: {  	s3 =	srdreg.scid;
	s4 =	simm.s32 $0x1;
	s7 =	simm.s32 $0x1  }
0x4: {  	s9 =	simm.s32 $0x1;
	s10 =	simm.s32 $0x3;
	s13 =	simm.s32 $0x0  }
0x5: {  	s12 =	simm.s32 $0x0;
	s5 =	sand.u32 $0x1, s3;
	s6 =	sshll.u32 s1, $0x1  }
0x6: {  	s2 =	sadd.s32 $0x11C00, s8;
	s3 =	sadd.s32 $0x1BA00, s8;
	s5 =	sor.u32 s6, s5  }
.Ltmp0:
0x7: {  	[sflag:s4] =	ssyncpa.u1 $0x0;
	p0 =	slt.u32 s5, $0x9;
	(pc) =	sbr.rel .LBB2_1-.Ltmp0, $4  }
0x8: {  	s6 =	simm.s32 $0x2;
	s7 =	simm.s32 @!p0 $0x0;
	p0 =	sne.s32 s5, $0x8  }
0x9: {  	[sflag:s6] =	ssyncpa.u1 $0x0;
	s5 =	smul.u32 $0x1F40, s5;
	s9 =	simm.s32 @!p0 $0x0  }
0xa: {  	s8 =	sadd.s32 $0x25800, s8;
	[sflag:s10] =	ssyncpa.u1 $0x0;
	s7 =	sadd.s32 s9, s7  }
0xb: {  	vm0 =	vmmov $0xffff;
	s10 =	simm.s32 $0x0;
	s11 =	smov.u32 s5;
	s9 =	sadd.s32 $0x1, s7  }
.LBB2_4:
0xc: {  	v2 =	vnsel vm1, $0x0, v2  }
0xd: {  	vm1 =	vgt.s32 v0, $0x0;
	v2 =	vmin.u32 v2, $0x4E1FF  }
0xe: {  	v0 =	vnsel vm1, $0x0, v0  }
0xf: {  	v0 =	vmin.u32 v0, $0x4E1FF  }
0x10: {  	[tilespmem:s18], [sflag:$0x1] =	stream.indirect_vreg.gather [hbm4b:s2+s10], $0x1, v1, vm0, $0x4038;
	[tilespmem:$0x7D00] =	vst v63  }
0x11: {  	(ifvalue) =	ssetifvalue $0x7FFFFFFF  }
0x12: {  	[tilespmem:s15], [sflag:$0x1] =	stream.indirect_vreg.gather [hbm4b:s2+s10], $0x1, v2, vm0, $0x4038;
	[tilespmem:$0x7D00] =	vst v63  }
0x13: {  	s29 =	sadd.s32 $0x10, s15;
	(ifvalue) =	ssetifvalue $0x7FFFFFFF  }
0x14: {  	[tilespmem:s29], [sflag:$0x1] =	stream.indirect_vreg.gather [hbm4b:s2+s10], $0x1, v0, vm0, $0x4038;
	[tilespmem:$0x7D00] =	vst v63  }
0x15: {  	_ =	swait.ge [sflag:s4], $0x1F40  }
0x16: {  	s30 =	sshrl.u32 s13, $0x3;
	[sflag:s4] =	ssyncset.done $0x0  }
0x17: {  	s31 =	sand.u32 $0x7, s13;
	s15 =	sadd.s32 s8, s30;
	[sflag:s4] =	ssyncadd.s32 $0xFFFFE0C0  }
0x18: {  	[hbm4b:s15+s31] =	stream.linear.scatter [tilespmem:s14], [sflag:$0x3], $0x1F40, $0x38;
	[tilespmem:$0x7D00] =	vst v63  }
.LBB2_5:
0x19: {  	s15 =	sadd.s32 $0x3E800, s11  }
0x1a: {  	p1 =	sgt.s32 s15, $0x4E1FF  }
0x1b: {  	s15 =	smov.u32 @p1 s5;
	p1 =	sne.s32 s12, s9  }
.Ltmp1:
0x1c: {  	p0 =	slt.u32 s12, $0x2;
	(pc) =	sbr.rel @!p1 .LBB2_6-.Ltmp1, $4  }
0x1d: {  	s14 =	simm.s32 @!p0 $0x3  }
0x1e: {  	_ =	swait.ge @!p0 [sflag:s14], $0x1F40  }
0x1f: {  	s16 =	sadd.s32 $0x1, s12;
	s13 =	smov.u32 s11;
	[sflag:s14] =	ssyncset.done @!p0 $0x0  }
0x20: {  	s12 =	smov.u32 s16;
	s11 =	smov.u32 s15;
	[sflag:s14] =	ssyncadd.s32 @!p0 $0xFFFFE0C0  }
.LBB2_1:
0x21: {  	p0 =	sge.u32 s12, s7  }
0x22: {  	s14 =	sxor.u32 @!p0 $0x1, s12  }
0x23: {  	s14 =	smul.u32 @!p0 $0x7D00, s14  }
0x24: {  	s31 =	sadd.s32 $0xFFFFFFFF, s12;
	s15 =	sshrl.u32 @!p0 s11, $0x3  }
0x25: {  	s16 =	sand.u32 @!p0 $0x7, s11;
	s15 =	sadd.s32 @!p0 s3, s15;
	s14 =	sshra.s32 @!p0 s14, $0x2  }
0x26: {  	[tilespmem:s14], [sflag:$0x2] =	stream.linear.gather @!p0 [hbm4b:s15+s16], $0x1F40, $0x38;
	[tilespmem:$0x7D00] =	vst v63  }
0x27: {  	p0 =	sge.u32 s31, s7  }
.Ltmp2:
0x28: {  	_ = 	snop;
	(pc) =	sbr.rel @p0 .LBB2_5-.Ltmp2, $1  }
0x29: {  	_ =	sdelay $0x3  }
0x2a: {  	s14 =	sand.u32 $0x1, s12  }
0x2b: {  	_ =	swait.ge [sflag:s6], $0x1F40;
	p0 =	seq.s32 s14, $0x1;
	s14 =	simm.s32 $0x1F40  }
0x2c: {  	[sflag:s6] =	ssyncset.done $0x0;
	s14 =	simm.s32 @!p0 $0x0  }
0x2d: {  	[sflag:s6] =	ssyncadd.s32 $0xFFFFE0C0;
	(ifvalue) =	ssetifvalue $0x7FFFFFFF;
	v0 =	vld.msk [tilespmem:s14+$0x0 ss:$0x1], $0xffff;
	_ =	sdelay $0x4  }
0x2e: {  	s15 =	sadd.s32 $0x10, s14;
	vm1 =	vgt.s32 v0, $0x0  }
0x2f: {  	v2 =	vld.msk [tilespmem:s15+$0x0 ss:$0x1], $0xffff;
	v1 =	vnsel vm1, $0x0, v0  }
0x30: {  	v1 =	vmin.u32 v1, $0x4E1FF;
	_ =	sdelay $0x2  }
0x31: {  	s17 =	simm.s32 $0x20;
	s14 =	sadd.s32 $0x3E80, s14;
	s16 =	sadd.s32 $0x10, s15  }
0x32: {  	s15 =	sadd.s32 $0x10, s14;
	s18 =	smov.u32 s14;
	v0 =	vld.msk [tilespmem:s16+$0x0 ss:$0x1], $0xffff;
	vm1 =	vgt.s32 v2, $0x0;
	(ifvalue) =	ssetifvalue $0x7FFFFFFF  }
.LBB2_3:
0x33: {  	[tilespmem:s18], [sflag:$0x1] =	stream.indirect_vreg.gather [hbm4b:s2+s10], $0x1, v1, vm0, $0x4038;
	[tilespmem:$0x7D00] =	vst v63  }
0x34: {  	s17 =	sadd.s32 $0x10, s17  }
0x35: {  	v2 =	vnsel vm1, $0x0, v2;
	p0 =	slt.u32 s17, $0x1F30  }
.Ltmp3:
0x36: {  	s18 =	smov.u32 s15;
	v1 =	vmin.u32 v2, $0x4E1FF;
	(pc) =	sbr.rel @p0 .LBB2_3-.Ltmp3, $3  }
0x37: {  	_ =	sdelay $0x1  }
0x38: {  	s16 =	sadd.s32 $0x10, s16  }
0x39: {  	vm1 =	vgt.s32 v0, $0x0;
	s15 =	sadd.s32 $0x10, s15;
	v2 =	vmov v0;
	(ifvalue) =	ssetifvalue $0x7FFFFFFF;
	v0 =	vld.msk [tilespmem:s16+$0x0 ss:$0x1], $0xffff  }
.Ltmp4:
0x3a: {  	_ = 	snop;
	(pc) =	sbr.rel .LBB2_4-.Ltmp4, $1  }
0x3b: {  	_ =	sdelay $0x3  }
.LBB2_6:
0x3c: {  	_ =	sfence.sel $0x180000  }
0x3d: {  	s2 =	simm.s32 $0x2;
	[bflag:$0x0] =	sbarrier.arrive $0xFFFF  }
0x3e: {  	s30 =	simm.s32 $0x3;
	[sflag:s2] =	ssyncpa.u1 $0x1  }
0x3f: {  	s31 =	simm.s32 $0x1;
	[sflag:s30] =	ssyncpa.u1 $0x1  }
0x40: {  	[sflag:s31] =	ssyncpa.u1 $0x1  }
0x41: {  	p0 =	sne.s32 s1, $0x0;
	_ =	strace $0x90000047  }
0x42: {  	s0 =	sadd.s32 @!p0 $0x100000, s0;
	[bflag:$0x2] =	sbarrier.arrive $0xFFFF  }
0x43: {  	[sflag:s0] =	ssyncadd.tile.s32 @!p0 $0x1;
	_ =	shalt  }
.Lfunc_end2:
_tile_overlayer_lowered:
.L_overlay_start_2:
0x44: {  	(tag) =	ssettag $0x2  }
0x45: {  	s0 =	rddreg [dreg:$0x0];
	s2 =	stileid.u32  }
0x46: {  	s1 =	rddreg [dreg:$0x1];
	p0 =	sne.s32 s2, $0x0  }
0x47: {  	s3 =	rddreg [dreg:$0x2];
	[bflag:$0x3] =	sbarrier.arrive $0xFFFF;
	s2 =	simm.s32 @!p0 $0x1C01  }
0x48: {  	[timem:s3], [sflag:s2] =	dma.local @!p0 [hbm:s0], s1  }
0x49: {  	s0 =	simm.s32 @!p0 $0x1  }
0x4a: {  	_ =	swait.ge @!p0 [sflag:s0], s1  }
0x4b: {  	s1 =	ssub.s32 @!p0 $0x0, s1;
	[sflag:s0] =	ssyncset.done @!p0 $0x0  }
0x4c: {  	[sflag:s0] =	ssyncadd.s32 @!p0 s1  }
0x4d: {  	[bflag:$0x3] =	sbarrier.arrive $0xFFFF  }
0x4e: {  	_ =	shalt  }

// kernel: gather_offload_async_start.2
scs
__scs_entry_jumppad:
0x0: {  	(pc) =	sbr.rel $0x88, $3  }
0x1: {  	(tag) =	ssettag $0x0;
	lr =	simm.s32 $0x1  }
0x2: {  	[smem:$0x3F8D] =	sst lr;
	_ =	strace $0xD0000000  }
0x3: {  	_ = 	snop  }
0x4: {  	_ = 	snop  }
0x5: {  	_ = 	snop  }
0x6: {  	_ = 	snop  }
0x7: {  	_ = 	snop  }
__scs_overlays_trampoline_lowered:
0x8: {  	[smem:$0x3F9C] =	sst s0  }
0x9: {  	[smem:$0x3F9D] =	sst s1  }
0xa: {  	[smem:$0x3F9E] =	sst s2  }
0xb: {  	[smem:$0x3F9F] =	sst s3  }
0xc: {  	[smem:$0x3FA0] =	sst s4  }
0xd: {  	[smem:$0x3FA1] =	sst s5  }
0xe: {  	[smem:$0x3FA2] =	sst s6  }
0xf: {  	[smem:$0x3FA3] =	sst s7  }
0x10: {  	[smem:$0x3FA4] =	sst s8  }
0x11: {  	[smem:$0x3FA5] =	sst s9;
	s0 =	simm.s32 @!p0 $0x0  }
0x12: {  	s1 =	sld [smem:$0x3F8B];
	s0 =	simm.s32 @p0 $0x1  }
0x13: {  	[smem:$0x3FA6] =	sst s0;
	s0 =	simm.s32 @!p1 $0x0  }
0x14: {  	s2 =	sld [smem:$0x3F8A];
	s0 =	simm.s32 @p1 $0x1  }
0x15: {  	[smem:$0x3FA7] =	sst s0;
	s0 =	simm.s32 @!p2 $0x0  }
0x16: {  	s3 =	sld [smem:$0x3FDB];
	s0 =	simm.s32 @p2 $0x1  }
0x17: {  	s4 =	simm.s32 $0x1BF5;
	[smem:$0x3FA9] =	sst s0  }
0x18: {  	s0 =	sld [smem:$0x3F8C];
	_ =	swait.ge [sflag:s4], $0x0  }
0x19: {  	s7 =	sld [smem:$0x3F8D]  }
0x1a: {  	s8 =	sadd.s32 $0xFFFFE003, lr  }
0x1b: {  	s9 =	sadd.s32 $0xFFFFFEF7, lr;
	s5 =	simm.s32 $0xFFFFFFFF;
	p2 =	slt.u32 s8, $0xFFFFF086  }
0x1c: {  	p1 =	slt.u32 s9, $0xF7A;
	s5 =	simm.s32 @!p2 $0x0  }
0x1d: {  	s5 =	simm.s32 @p1 $0x1;
	p0 =	seq.s32 s7, s2  }
0x1e: {  	s7 =	smul.u32 @!p0 $0xF7A, s2;
	p2 =	seq.s32 @!p0 s5, $0x0  }
0x1f: {  	s9 =	smul.u32 $0xF7A, s1;
	s8 =	simm.s32 @!p0 $0x1BF5;
	p2 =	por !p2, p0  }
0x20: {  	[sflag:s8] =	ssyncset.s32 @!p0 $0xFFFFF086;
	s6 =	sadd.s32 @!p0 s3, s7;
	s7 =	simm.s32 @!p0 $0x108  }
0x21: {  	s3 =	sadd.s32 s3, s9;
	s6 =	sadd.s32 @!p0 $0x88, s6;
	s7 =	simm.s32 @p2 $0x1082  }
0x22: {  	[simem:s7], [sflag:s8] =	dma.local @!p0 [hbm:s6], $0xF7A  }
0x23: {  	s9 =	sor.u32 $0xD0000000, s2;
	s6 =	simm.s32 $0x108;
	_ =	swait.ge @!p0 [sflag:s8], $0x0  }
0x24: {  	s3 =	sadd.s32 $0x88, s3;
	s6 =	simm.s32 @!p1 $0x1082;
	[sflag:s4] =	ssyncset.s32 $0xFFFFF086  }
0x25: {  	[simem:s6], [sflag:s4] =	dma.local [hbm:s3], $0xF7A  }
0x26: {  	[smem:$0x3F8D] =	sst s1;
	(tag) =	ssettag s2;
	_ =	strace s9  }
0x27: {  	s1 =	sld [smem:$0x3F9D]  }
0x28: {  	s2 =	sld [smem:$0x3F9E]  }
0x29: {  	s4 =	sld [smem:$0x3FA0]  }
0x2a: {  	p0 =	seq.s32 s5, $0x0;
	s5 =	sld [smem:$0x3FA1]  }
0x2b: {  	s6 =	sld [smem:$0x3FA2]  }
0x2c: {  	s7 =	sld [smem:$0x3FA3]  }
0x2d: {  	s3 =	simm.s32 $0x108;
	s8 =	sld [smem:$0x3FA4]  }
0x2e: {  	s3 =	simm.s32 @!p0 $0x1082;
	s9 =	sld [smem:$0x3FA5]  }
0x2f: {  	lr =	sadd.s32 s0, s3;
	s0 =	sld [smem:$0x3F9C]  }
0x30: {  	s3 =	sld [smem:$0x3F9F]  }
0x31: {  	[smem:$0x3FA8] =	sst s10  }
0x32: {  	s10 =	sld [smem:$0x3FA6];
	_ =	sdelay $0x3  }
0x33: {  	p0 =	seq.s32 s10, $0x1;
	s10 =	sld [smem:$0x3FA8];
	_ =	sdelay $0x3  }
0x34: {  	[smem:$0x3FA8] =	sst s10  }
0x35: {  	s10 =	sld [smem:$0x3FA7];
	_ =	sdelay $0x3  }
0x36: {  	p1 =	seq.s32 s10, $0x1;
	s10 =	sld [smem:$0x3FA8];
	_ =	sdelay $0x3  }
0x37: {  	[smem:$0x3FA8] =	sst s10  }
0x38: {  	s10 =	sld [smem:$0x3FA9]  }
0x39: {  	_ = 	snop;
	(pc) =	sbr.ind lr, $3  }
0x3a: {  	_ = 	snop  }
0x3b: {  	_ = 	snop  }
0x3c: {  	p2 =	seq.s32 s10, $0x1;
	s10 =	sld [smem:$0x3FA8]  }
0x3d: {  	_ =	shalt  }
0x3e: {  	_ =	shalt  }
0x3f: {  	_ =	shalt  }
0x40: {  	_ =	shalt  }
0x41: {  	_ =	shalt  }
0x42: {  	_ =	shalt  }
0x43: {  	_ =	shalt  }
0x44: {  	_ =	shalt  }
0x45: {  	_ =	shalt  }
0x46: {  	_ =	shalt  }
0x47: {  	_ =	shalt  }
0x48: {  	_ =	shalt  }
0x49: {  	_ =	shalt  }
0x4a: {  	_ =	shalt  }
0x4b: {  	_ =	shalt  }
0x4c: {  	_ =	shalt  }
0x4d: {  	_ =	shalt  }
0x4e: {  	_ =	shalt  }
0x4f: {  	_ =	shalt  }
0x50: {  	_ =	shalt  }
0x51: {  	_ =	shalt  }
0x52: {  	_ =	shalt  }
0x53: {  	_ =	shalt  }
0x54: {  	_ =	shalt  }
0x55: {  	_ =	shalt  }
0x56: {  	_ =	shalt  }
0x57: {  	_ =	shalt  }
0x58: {  	_ =	shalt  }
0x59: {  	_ =	shalt  }
0x5a: {  	_ =	shalt  }
0x5b: {  	_ =	shalt  }
0x5c: {  	_ =	shalt  }
0x5d: {  	_ =	shalt  }
0x5e: {  	_ =	shalt  }
0x5f: {  	_ =	shalt  }
0x60: {  	_ =	shalt  }
0x61: {  	_ =	shalt  }
0x62: {  	_ =	shalt  }
0x63: {  	_ =	shalt  }
0x64: {  	_ =	shalt  }
0x65: {  	_ =	shalt  }
0x66: {  	_ =	shalt  }
0x67: {  	_ =	shalt  }
0x68: {  	_ =	shalt  }
0x69: {  	_ =	shalt  }
0x6a: {  	_ =	shalt  }
0x6b: {  	_ =	shalt  }
0x6c: {  	_ =	shalt  }
0x6d: {  	_ =	shalt  }
0x6e: {  	_ =	shalt  }
0x6f: {  	_ =	shalt  }
0x70: {  	_ =	shalt  }
0x71: {  	_ =	shalt  }
0x72: {  	_ =	shalt  }
0x73: {  	_ =	shalt  }
0x74: {  	_ =	shalt  }
0x75: {  	_ =	shalt  }
0x76: {  	_ =	shalt  }
0x77: {  	_ =	shalt  }
0x78: {  	_ =	shalt  }
0x79: {  	_ =	shalt  }
0x7a: {  	_ =	shalt  }
0x7b: {  	_ =	shalt  }
0x7c: {  	_ =	shalt  }
0x7d: {  	_ =	shalt  }
0x7e: {  	_ =	shalt  }
0x7f: {  	_ =	shalt  }
0x80: {  	_ =	shalt  }
0x81: {  	_ =	shalt  }
0x82: {  	_ =	shalt  }
0x83: {  	_ =	shalt  }
0x84: {  	_ =	shalt  }
0x85: {  	_ =	shalt  }
0x86: {  	_ =	shalt  }
0x87: {  	_ =	shalt  }
.Lfunc_end0:
.L_simem_size_0:
called_computation.2_lowered:
.L_overlay_start_0:
0x88: {  	s2 =	sld [smem:$0x3FD9]  }
0x89: {  	s3 =	sld [smem:$0x3FFE];
	_ =	sdelay $0x1  }
0x8a: {  	s1 =	srdreg.scid  }
0x8b: {  	s0 =	sand.u32 $0x1, s1  }
0x8c: {  	s17 =	sshll.u32 s0, $0xA;
	s2 =	sadd.s32 s3, s2  }
0x8d: {  	s2 =	sadd.s32 s2, s17  }
0x8e: {  	[smem:$0x3FB4] =	sst s2  }
0x8f: {  	_ = 	snop  }
0x90: {  	(tm) =	ssettm $0x1  }
0x91: {  	s18 =	sld [smem:$0x3FFB];
	_ =	sdelay $0x3  }
0x92: {  	_ =	strace s18  }
0x93: {  	s2 =	sld [smem:$0x3FFC];
	_ =	sdelay $0x3  }
0x94: {  	_ =	strace s2  }
0x95: {  	s2 =	sld [smem:$0x3FFD];
	_ =	sdelay $0x3  }
0x96: {  	_ =	strace s2  }
0x97: {  	_ =	strace $0x8FFFFFFF  }
0x98: {  	s19 =	sld [smem:$0x3FDB];
	_ =	sdelay $0x1  }
0x99: {  	s20 =	simm.s32 $_scs_section_size  }
0x9a: {  	s4 =	simm.s32 $_size__tile_overlayer_lowered;
	s5 =	simm.s32 $_tile_overlayer_lowered  }
0x9b: {  	s6 =	simm.s32 $0x1BFF;
	s21 =	sshll.u32 s5, $0x1;
	s3 =	sadd.s32 s20, s19  }
0x9c: {  	s22 =	simm.s32 $0x0;
	s4 =	sshll.u32 s4, $0x1;
	s5 =	sadd.s32 s21, s3  }
0x9d: {  	[timem:s22], [sflag:s6] =	dma.local [hbm:s5], s4  }
0x9e: {  	_ =	swait.ge [sflag:s6], s4  }
0x9f: {  	s4 =	ssub.s32 $0x0, s4;
	[sflag:s6] =	ssyncset.done $0x0  }
0xa0: {  	[sflag:s6] =	ssyncadd.s32 s4;
	_ =	sdelay $0x1  }
0xa1: {  	s23 =	simm.s32 $0x1B8B  }
0xa2: {  	_ =	swait.ge [sflag:s23], $0x1  }
0xa3: {  	[sflag:s23] =	ssyncset.done $0x0  }
0xa4: {  	[sflag:s23] =	ssyncadd.s32 $0xFFFFFFFF  }
0xa5: {  	s4 =	sld [smem:$0x0]  }
0xa6: {  	s5 =	sand.u32 $0xFFFFFFFE, s1  }
0xa7: {  	p0 =	sne.s32 s1, s5  }
0xa8: {  	s5 =	sshll.u32 @p0 s5, $0xE  }
0xa9: {  	s5 =	sadd.s32 @p0 $0x11B8D, s5;
	s6 =	sshll.u32 @p0 s4, $0x11  }
0xaa: {  	s5 =	sor.u32 @p0 s6, s5  }
0xab: {  	[sflag:s5] =	ssyncadd.remote.s32 @p0 $0x1;
	_ =	sdelay $0x1  }
0xac: {  	s5 =	simm.s32 @p0 $0x1B8D  }
0xad: {  	_ =	swait.eq @p0 [sflag:s5], $0x1  }
0xae: {  	[sflag:s5] =	ssyncadd.s32 @p0 $0xFFFFFFFF  }
0xaf: {  	s6 =	sshll.u32 @!p0 s1, $0xE  }
0xb0: {  	s6 =	sor.u32 @!p0 $0x4000, s6;
	s5 =	simm.s32 @!p0 $0x1B8D  }
0xb1: {  	s4 =	sshll.u32 @!p0 s4, $0x11;
	s6 =	sadd.s32 @!p0 $0x11B8D, s6;
	_ =	swait.eq @!p0 [sflag:s5], $0x1  }
0xb2: {  	s4 =	sor.u32 @!p0 s4, s6;
	[sflag:s5] =	ssyncadd.s32 @!p0 $0xFFFFFFFF  }
0xb3: {  	s25 =	simm.s32 $0x1B8E;
	s24 =	sld [smem:$0x3FFE];
	[sflag:s4] =	ssyncadd.remote.s32 @!p0 $0x1  }
0xb4: {  	s26 =	simm.s32 $execute0_lowered;
	[smem:$0x3FD2] =	sst s25  }
0xb5: {  	s5 =	sshll.u32 s26, $0x1;
	_ =	strace $0x8000004F;
	[dreg:$0x1] =	wrdreg $0xFFFFFFFF  }
0xb6: {  	s28 =	simm.s32 $_size_execute0_lowered;
	s3 =	sadd.s32 s3, s5;
	[dreg:$0x0] =	wrdreg $0x0  }
0xb7: {  	s5 =	sshll.u32 s28, $0x1;
	[dreg:$0x2] =	wrdreg s3  }
0xb8: {  	[dreg:$0x3] =	wrdreg s5  }
0xb9: {  	[dreg:$0x4] =	wrdreg $0xC0  }
0xba: {  	_ =	task [dreg:s22], $0x5FFFF  }
0xbb: {  	[dreg:$0x1] =	wrdreg $0xFFFFFFFF  }
0xbc: {  	[dreg:$0x0] =	wrdreg $0x60  }
0xbd: {  	[dreg:$0x2] =	wrdreg s24  }
0xbe: {  	[dreg:$0x3] =	wrdreg $0xA  }
0xbf: {  	_ =	task.clear_ibuf [dreg:s22], $0x4FFFF;
	_ =	strace $0x9000004F  }
0xc0: {  	s29 =	simm.s32 $0xA;
	_ =	strace $0x80000051  }
0xc1: {  	_ =	swait.ge [sflag:s29], $0x1  }
0xc2: {  	[sflag:s29] =	ssyncadd.s32 $0xFFFFFFFF  }
0xc3: {  	_ =	strace $0x90000051  }
0xc4: {  	_ =	sfence  }
0xc5: {  	s30 =	sld [smem:$0x0];
	_ =	sdelay $0x2  }
0xc6: {  	s31 =	sshll.u32 s1, $0xD;
	s1 =	sshrl.u32 s1, $0x2  }
0xc7: {  	s4 =	sand.u32 $0x4000, s31;
	s1 =	sadd.s32 s1, s30  }
0xc8: {  	s0 =	sor.u32 s4, s0;
	s1 =	sshll.u32 s1, $0x11  }
0xc9: {  	s0 =	sor.u32 s1, s0  }
0xca: {  	s0 =	sadd.s32 $0x8F2B, s0  }
0xcb: {  	[sflag:s0] =	ssyncadd.remote.s32 $0x1  }
0xcc: {  	_ =	sfence.sel $0xFFFF  }
0xcd: {  	[dreg:$0x0] =	wrdreg $0xFFFFFFFF;
	(pc) =	sbr.abs _section_cstart, $3  }
0xce: {  	[dreg:$0x1] =	wrdreg $0xFFFFFFFF  }
0xcf: {  	_ =	task.clear_ibuf [dreg:s22], $0x2FFFF;
	_ =	strace $0x9FFFFFFF  }
0xd0: {  	(tm) =	ssettm $0x7FFFFFFF  }
0xd1: {  	_ =	shalt  }
tec
execute0_lowered:
.L_overlay_start_1:
0x0: {  	(tag) =	ssettag $0x1  }
0x1: {  	s0 =	srdreg.scid;
	s5 =	rddreg [dreg:$0x0]  }
0x2: {  	s1 =	stileid.u32;
	s6 =	simm.s32 $0x1;
	s9 =	simm.s32 $0x1  }
0x3: {  	s10 =	simm.s32 $0x3;
	s13 =	simm.s32 $0x0;
	s2 =	sshll.u32 s0, $0xD  }
0x4: {  	s12 =	simm.s32 $0x0;
	s3 =	sshll.u32 s1, $0xE;
	s2 =	sand.u32 $0x2000, s2  }
0x5: {  	s0 =	rddreg [dreg:$0x1];
	_ =	strace $0x80000050;
	s2 =	sor.u32 s3, s2  }
0x6: {  	s4 =	sadd.s32 $0x2F600, s5;
	[sflag:s6] =	ssyncpa.u1 $0x0;
	s8 =	ssub.s32 $0x54000, s2  }
.Ltmp0:
0x7: {  	s3 =	sadd.s32 $0x11C00, s5;
	s7 =	sand.u32 $0x3E000, s8;
	(pc) =	sbr.rel .LBB2_1-.Ltmp0, $4  }
0x8: {  	s5 =	sadd.s32 $0x44600, s5;
	s11 =	smov.u32 s2;
	p0 =	sne.s32 s7, $0x0  }
0x9: {  	s8 =	sshrl.u32 s8, $0x12;
	s7 =	simm.s32 $0x2;
	s9 =	simm.s32 @!p0 $0x0  }
0xa: {  	[sflag:s7] =	ssyncpa.u1 $0x0;
	p0 =	por $0x0, $0x0;
	s8 =	sadd.s32 s9, s8  }
0xb: {  	vm0 =	vmmov $0xffff;
	[sflag:s10] =	ssyncpa.u1 $0x0;
	s10 =	simm.s32 $0x0;
	s9 =	sadd.s32 $0x1, s8  }
.LBB2_4:
0xc: {  	v2 =	vnsel vm1, $0x0, v2  }
0xd: {  	vm1 =	vgt.s32 v0, $0x0;
	v2 =	vmin.u32 v2, $0x4E1FF  }
0xe: {  	v0 =	vnsel vm1, $0x0, v0  }
0xf: {  	v0 =	vmin.u32 v0, $0x4E1FF  }
0x10: {  	[tilespmem:s15], [sflag:$0x1] =	stream.indirect_vreg.gather [hbm4b:s3+s10], $0x1, v1, vm0, $0x4038;
	[tilespmem:$0x8000] =	vst v63  }
0x11: {  	(ifvalue) =	ssetifvalue $0x7FFFFFFF  }
0x12: {  	[tilespmem:s16], [sflag:$0x1] =	stream.indirect_vreg.gather [hbm4b:s3+s10], $0x1, v2, vm0, $0x4038;
	[tilespmem:$0x8000] =	vst v63  }
0x13: {  	s29 =	sadd.s32 $0x10, s16;
	(ifvalue) =	ssetifvalue $0x7FFFFFFF  }
0x14: {  	[tilespmem:s29], [sflag:$0x1] =	stream.indirect_vreg.gather [hbm4b:s3+s10], $0x1, v0, vm0, $0x4038;
	[tilespmem:$0x8000] =	vst v63  }
0x15: {  	_ =	swait.ge [sflag:s6], $0x2000  }
0x16: {  	s30 =	sshrl.u32 s13, $0x3;
	[sflag:s6] =	ssyncset.done $0x0  }
0x17: {  	s31 =	sand.u32 $0x7, s13;
	s15 =	sadd.s32 s5, s30;
	[sflag:s6] =	ssyncadd.s32 $0xFFFFE000  }
0x18: {  	[hbm4b:s15+s31] =	stream.linear.scatter [tilespmem:s14], [sflag:$0x3], $0x2000, $0x38;
	[tilespmem:$0x8000] =	vst v63  }
.LBB2_5:
0x19: {  	s15 =	sadd.s32 $0x40000, s11  }
0x1a: {  	p2 =	sgt.s32 s15, $0x53FFF  }
0x1b: {  	s15 =	smov.u32 @p2 s2;
	p2 =	sne.s32 s12, s9  }
.Ltmp1:
0x1c: {  	p1 =	slt.u32 s12, $0x2;
	(pc) =	sbr.rel @!p2 .LBB2_6-.Ltmp1, $4  }
0x1d: {  	s14 =	simm.s32 @!p1 $0x3  }
0x1e: {  	s16 =	sadd.s32 $0x1, s12;
	_ =	swait.ge @!p1 [sflag:s14], $0x2000  }
0x1f: {  	s13 =	smov.u32 s11;
	p0 =	por !p0, !p0;
	[sflag:s14] =	ssyncset.done @!p1 $0x0  }
0x20: {  	s12 =	smov.u32 s16;
	s11 =	smov.u32 s15;
	[sflag:s14] =	ssyncadd.s32 @!p1 $0xFFFFE000  }
.LBB2_1:
0x21: {  	p1 =	sge.u32 s12, s8  }
0x22: {  	s14 =	sxor.u32 @!p1 $0xFFFFFFFF, s12  }
0x23: {  	s31 =	sadd.s32 $0xFFFFFFFF, s12;
	s15 =	sshrl.u32 @!p1 s11, $0x3;
	s14 =	sshll.u32 @!p1 s14, $0xD  }
0x24: {  	s16 =	sand.u32 @!p1 $0x7, s11;
	s15 =	sadd.s32 @!p1 s4, s15;
	s14 =	sand.u32 @!p1 $0x2000, s14  }
0x25: {  	[tilespmem:s14], [sflag:$0x2] =	stream.linear.gather @!p1 [hbm4b:s15+s16], $0x2000, $0x38;
	[tilespmem:$0x8000] =	vst v63  }
0x26: {  	p1 =	sge.u32 s31, s8  }
.Ltmp2:
0x27: {  	_ = 	snop;
	(pc) =	sbr.rel @p1 .LBB2_5-.Ltmp2, $1  }
0x28: {  	_ =	sdelay $0x3  }
0x29: {  	s14 =	simm.s32 $0x1  }
0x2a: {  	_ =	swait.ge [sflag:s7], $0x2000;
	s14 =	simm.s32 @!p0 $0x0  }
0x2b: {  	[sflag:s7] =	ssyncset.done $0x0;
	s14 =	sshll.u32 s14, $0xD  }
0x2c: {  	[sflag:s7] =	ssyncadd.s32 $0xFFFFE000;
	(ifvalue) =	ssetifvalue $0x7FFFFFFF;
	v0 =	vld.msk [tilespmem:s14+$0x0 ss:$0x1], $0xffff;
	_ =	sdelay $0x4  }
0x2d: {  	s15 =	sadd.s32 $0x10, s14;
	vm1 =	vgt.s32 v0, $0x0  }
0x2e: {  	v2 =	vld.msk [tilespmem:s15+$0x0 ss:$0x1], $0xffff;
	v1 =	vnsel vm1, $0x0, v0  }
0x2f: {  	v1 =	vmin.u32 v1, $0x4E1FF;
	_ =	sdelay $0x1  }
0x30: {  	s16 =	sshll.u32 s12, $0xD;
	s18 =	simm.s32 $0x20  }
0x31: {  	s16 =	sand.u32 $0x2000, s16;
	s17 =	sadd.s32 $0x10, s15;
	s15 =	sor.u32 $0x4000, s14  }
0x32: {  	s14 =	sor.u32 $0x4000, s16;
	s16 =	sadd.s32 $0x10, s15;
	v0 =	vld.msk [tilespmem:s17+$0x0 ss:$0x1], $0xffff;
	vm1 =	vgt.s32 v2, $0x0;
	(ifvalue) =	ssetifvalue $0x7FFFFFFF  }
.LBB2_3:
0x33: {  	[tilespmem:s15], [sflag:$0x1] =	stream.indirect_vreg.gather [hbm4b:s3+s10], $0x1, v1, vm0, $0x4038;
	[tilespmem:$0x8000] =	vst v63  }
0x34: {  	s18 =	sadd.s32 $0x10, s18  }
0x35: {  	v2 =	vnsel vm1, $0x0, v2;
	p1 =	slt.u32 s18, $0x1FF0  }
.Ltmp3:
0x36: {  	s15 =	smov.u32 s16;
	v1 =	vmin.u32 v2, $0x4E1FF;
	(pc) =	sbr.rel @p1 .LBB2_3-.Ltmp3, $3  }
0x37: {  	_ =	sdelay $0x1  }
0x38: {  	s17 =	sadd.s32 $0x10, s17  }
0x39: {  	vm1 =	vgt.s32 v0, $0x0;
	s16 =	sadd.s32 $0x10, s16;
	v2 =	vmov v0;
	(ifvalue) =	ssetifvalue $0x7FFFFFFF;
	v0 =	vld.msk [tilespmem:s17+$0x0 ss:$0x1], $0xffff  }
.Ltmp4:
0x3a: {  	_ = 	snop;
	(pc) =	sbr.rel .LBB2_4-.Ltmp4, $1  }
0x3b: {  	_ =	sdelay $0x3  }
.LBB2_6:
0x3c: {  	_ =	sfence.sel $0x180000  }
0x3d: {  	s2 =	simm.s32 $0x2;
	[bflag:$0x0] =	sbarrier.arrive $0xFFFF  }
0x3e: {  	s30 =	simm.s32 $0x3;
	[sflag:s2] =	ssyncpa.u1 $0x1  }
0x3f: {  	s31 =	simm.s32 $0x1;
	[sflag:s30] =	ssyncpa.u1 $0x1  }
0x40: {  	[sflag:s31] =	ssyncpa.u1 $0x1  }
0x41: {  	p0 =	sne.s32 s1, $0x0;
	_ =	strace $0x90000050  }
0x42: {  	s0 =	sadd.s32 @!p0 $0x100000, s0;
	[bflag:$0x2] =	sbarrier.arrive $0xFFFF  }
0x43: {  	[sflag:s0] =	ssyncadd.tile.s32 @!p0 $0x1;
	_ =	shalt  }
.Lfunc_end2:
_tile_overlayer_lowered:
.L_overlay_start_2:
0x44: {  	(tag) =	ssettag $0x2  }
0x45: {  	s0 =	rddreg [dreg:$0x0];
	s2 =	stileid.u32  }
0x46: {  	s1 =	rddreg [dreg:$0x1];
	p0 =	sne.s32 s2, $0x0  }
0x47: {  	s3 =	rddreg [dreg:$0x2];
	[bflag:$0x3] =	sbarrier.arrive $0xFFFF;
	s2 =	simm.s32 @!p0 $0x1C01  }
0x48: {  	[timem:s3], [sflag:s2] =	dma.local @!p0 [hbm:s0], s1  }
0x49: {  	s0 =	simm.s32 @!p0 $0x1  }
0x4a: {  	_ =	swait.ge @!p0 [sflag:s0], s1  }
0x4b: {  	s1 =	ssub.s32 @!p0 $0x0, s1;
	[sflag:s0] =	ssyncset.done @!p0 $0x0  }
0x4c: {  	[sflag:s0] =	ssyncadd.s32 @!p0 s1  }
0x4d: {  	[bflag:$0x3] =	sbarrier.arrive $0xFFFF  }
0x4e: {  	_ =	shalt  }

// kernel: gather_offload_async_start.3
scs
__scs_entry_jumppad:
0x0: {  	(pc) =	sbr.rel $0x88, $3  }
0x1: {  	(tag) =	ssettag $0x0;
	lr =	simm.s32 $0x1  }
0x2: {  	[smem:$0x3F8D] =	sst lr;
	_ =	strace $0xD0000000  }
0x3: {  	_ = 	snop  }
0x4: {  	_ = 	snop  }
0x5: {  	_ = 	snop  }
0x6: {  	_ = 	snop  }
0x7: {  	_ = 	snop  }
__scs_overlays_trampoline_lowered:
0x8: {  	[smem:$0x3F9C] =	sst s0  }
0x9: {  	[smem:$0x3F9D] =	sst s1  }
0xa: {  	[smem:$0x3F9E] =	sst s2  }
0xb: {  	[smem:$0x3F9F] =	sst s3  }
0xc: {  	[smem:$0x3FA0] =	sst s4  }
0xd: {  	[smem:$0x3FA1] =	sst s5  }
0xe: {  	[smem:$0x3FA2] =	sst s6  }
0xf: {  	[smem:$0x3FA3] =	sst s7  }
0x10: {  	[smem:$0x3FA4] =	sst s8  }
0x11: {  	[smem:$0x3FA5] =	sst s9;
	s0 =	simm.s32 @!p0 $0x0  }
0x12: {  	s1 =	sld [smem:$0x3F8B];
	s0 =	simm.s32 @p0 $0x1  }
0x13: {  	[smem:$0x3FA6] =	sst s0;
	s0 =	simm.s32 @!p1 $0x0  }
0x14: {  	s2 =	sld [smem:$0x3F8A];
	s0 =	simm.s32 @p1 $0x1  }
0x15: {  	[smem:$0x3FA7] =	sst s0;
	s0 =	simm.s32 @!p2 $0x0  }
0x16: {  	s3 =	sld [smem:$0x3FDB];
	s0 =	simm.s32 @p2 $0x1  }
0x17: {  	s4 =	simm.s32 $0x1BF5;
	[smem:$0x3FA9] =	sst s0  }
0x18: {  	s0 =	sld [smem:$0x3F8C];
	_ =	swait.ge [sflag:s4], $0x0  }
0x19: {  	s7 =	sld [smem:$0x3F8D]  }
0x1a: {  	s8 =	sadd.s32 $0xFFFFE003, lr  }
0x1b: {  	s9 =	sadd.s32 $0xFFFFFEF7, lr;
	s5 =	simm.s32 $0xFFFFFFFF;
	p2 =	slt.u32 s8, $0xFFFFF086  }
0x1c: {  	p1 =	slt.u32 s9, $0xF7A;
	s5 =	simm.s32 @!p2 $0x0  }
0x1d: {  	s5 =	simm.s32 @p1 $0x1;
	p0 =	seq.s32 s7, s2  }
0x1e: {  	s7 =	smul.u32 @!p0 $0xF7A, s2;
	p2 =	seq.s32 @!p0 s5, $0x0  }
0x1f: {  	s9 =	smul.u32 $0xF7A, s1;
	s8 =	simm.s32 @!p0 $0x1BF5;
	p2 =	por !p2, p0  }
0x20: {  	[sflag:s8] =	ssyncset.s32 @!p0 $0xFFFFF086;
	s6 =	sadd.s32 @!p0 s3, s7;
	s7 =	simm.s32 @!p0 $0x108  }
0x21: {  	s3 =	sadd.s32 s3, s9;
	s6 =	sadd.s32 @!p0 $0x88, s6;
	s7 =	simm.s32 @p2 $0x1082  }
0x22: {  	[simem:s7], [sflag:s8] =	dma.local @!p0 [hbm:s6], $0xF7A  }
0x23: {  	s9 =	sor.u32 $0xD0000000, s2;
	s6 =	simm.s32 $0x108;
	_ =	swait.ge @!p0 [sflag:s8], $0x0  }
0x24: {  	s3 =	sadd.s32 $0x88, s3;
	s6 =	simm.s32 @!p1 $0x1082;
	[sflag:s4] =	ssyncset.s32 $0xFFFFF086  }
0x25: {  	[simem:s6], [sflag:s4] =	dma.local [hbm:s3], $0xF7A  }
0x26: {  	[smem:$0x3F8D] =	sst s1;
	(tag) =	ssettag s2;
	_ =	strace s9  }
0x27: {  	s1 =	sld [smem:$0x3F9D]  }
0x28: {  	s2 =	sld [smem:$0x3F9E]  }
0x29: {  	s4 =	sld [smem:$0x3FA0]  }
0x2a: {  	p0 =	seq.s32 s5, $0x0;
	s5 =	sld [smem:$0x3FA1]  }
0x2b: {  	s6 =	sld [smem:$0x3FA2]  }
0x2c: {  	s7 =	sld [smem:$0x3FA3]  }
0x2d: {  	s3 =	simm.s32 $0x108;
	s8 =	sld [smem:$0x3FA4]  }
0x2e: {  	s3 =	simm.s32 @!p0 $0x1082;
	s9 =	sld [smem:$0x3FA5]  }
0x2f: {  	lr =	sadd.s32 s0, s3;
	s0 =	sld [smem:$0x3F9C]  }
0x30: {  	s3 =	sld [smem:$0x3F9F]  }
0x31: {  	[smem:$0x3FA8] =	sst s10  }
0x32: {  	s10 =	sld [smem:$0x3FA6];
	_ =	sdelay $0x3  }
0x33: {  	p0 =	seq.s32 s10, $0x1;
	s10 =	sld [smem:$0x3FA8];
	_ =	sdelay $0x3  }
0x34: {  	[smem:$0x3FA8] =	sst s10  }
0x35: {  	s10 =	sld [smem:$0x3FA7];
	_ =	sdelay $0x3  }
0x36: {  	p1 =	seq.s32 s10, $0x1;
	s10 =	sld [smem:$0x3FA8];
	_ =	sdelay $0x3  }
0x37: {  	[smem:$0x3FA8] =	sst s10  }
0x38: {  	s10 =	sld [smem:$0x3FA9]  }
0x39: {  	_ = 	snop;
	(pc) =	sbr.ind lr, $3  }
0x3a: {  	_ = 	snop  }
0x3b: {  	_ = 	snop  }
0x3c: {  	p2 =	seq.s32 s10, $0x1;
	s10 =	sld [smem:$0x3FA8]  }
0x3d: {  	_ =	shalt  }
0x3e: {  	_ =	shalt  }
0x3f: {  	_ =	shalt  }
0x40: {  	_ =	shalt  }
0x41: {  	_ =	shalt  }
0x42: {  	_ =	shalt  }
0x43: {  	_ =	shalt  }
0x44: {  	_ =	shalt  }
0x45: {  	_ =	shalt  }
0x46: {  	_ =	shalt  }
0x47: {  	_ =	shalt  }
0x48: {  	_ =	shalt  }
0x49: {  	_ =	shalt  }
0x4a: {  	_ =	shalt  }
0x4b: {  	_ =	shalt  }
0x4c: {  	_ =	shalt  }
0x4d: {  	_ =	shalt  }
0x4e: {  	_ =	shalt  }
0x4f: {  	_ =	shalt  }
0x50: {  	_ =	shalt  }
0x51: {  	_ =	shalt  }
0x52: {  	_ =	shalt  }
0x53: {  	_ =	shalt  }
0x54: {  	_ =	shalt  }
0x55: {  	_ =	shalt  }
0x56: {  	_ =	shalt  }
0x57: {  	_ =	shalt  }
0x58: {  	_ =	shalt  }
0x59: {  	_ =	shalt  }
0x5a: {  	_ =	shalt  }
0x5b: {  	_ =	shalt  }
0x5c: {  	_ =	shalt  }
0x5d: {  	_ =	shalt  }
0x5e: {  	_ =	shalt  }
0x5f: {  	_ =	shalt  }
0x60: {  	_ =	shalt  }
0x61: {  	_ =	shalt  }
0x62: {  	_ =	shalt  }
0x63: {  	_ =	shalt  }
0x64: {  	_ =	shalt  }
0x65: {  	_ =	shalt  }
0x66: {  	_ =	shalt  }
0x67: {  	_ =	shalt  }
0x68: {  	_ =	shalt  }
0x69: {  	_ =	shalt  }
0x6a: {  	_ =	shalt  }
0x6b: {  	_ =	shalt  }
0x6c: {  	_ =	shalt  }
0x6d: {  	_ =	shalt  }
0x6e: {  	_ =	shalt  }
0x6f: {  	_ =	shalt  }
0x70: {  	_ =	shalt  }
0x71: {  	_ =	shalt  }
0x72: {  	_ =	shalt  }
0x73: {  	_ =	shalt  }
0x74: {  	_ =	shalt  }
0x75: {  	_ =	shalt  }
0x76: {  	_ =	shalt  }
0x77: {  	_ =	shalt  }
0x78: {  	_ =	shalt  }
0x79: {  	_ =	shalt  }
0x7a: {  	_ =	shalt  }
0x7b: {  	_ =	shalt  }
0x7c: {  	_ =	shalt  }
0x7d: {  	_ =	shalt  }
0x7e: {  	_ =	shalt  }
0x7f: {  	_ =	shalt  }
0x80: {  	_ =	shalt  }
0x81: {  	_ =	shalt  }
0x82: {  	_ =	shalt  }
0x83: {  	_ =	shalt  }
0x84: {  	_ =	shalt  }
0x85: {  	_ =	shalt  }
0x86: {  	_ =	shalt  }
0x87: {  	_ =	shalt  }
.Lfunc_end0:
.L_simem_size_0:
called_computation.3_lowered:
.L_overlay_start_0:
0x88: {  	s2 =	sld [smem:$0x3FD9]  }
0x89: {  	s3 =	sld [smem:$0x3FFE];
	_ =	sdelay $0x1  }
0x8a: {  	s1 =	srdreg.scid  }
0x8b: {  	s0 =	sand.u32 $0x1, s1  }
0x8c: {  	s17 =	sshll.u32 s0, $0xA;
	s2 =	sadd.s32 s3, s2  }
0x8d: {  	s2 =	sadd.s32 s2, s17  }
0x8e: {  	[smem:$0x3FB4] =	sst s2  }
0x8f: {  	_ = 	snop  }
0x90: {  	(tm) =	ssettm $0x1  }
0x91: {  	s18 =	sld [smem:$0x3FFB];
	_ =	sdelay $0x3  }
0x92: {  	_ =	strace s18  }
0x93: {  	s2 =	sld [smem:$0x3FFC];
	_ =	sdelay $0x3  }
0x94: {  	_ =	strace s2  }
0x95: {  	s2 =	sld [smem:$0x3FFD];
	_ =	sdelay $0x3  }
0x96: {  	_ =	strace s2  }
0x97: {  	_ =	strace $0x8FFFFFFF  }
0x98: {  	s19 =	sld [smem:$0x3FDB];
	_ =	sdelay $0x1  }
0x99: {  	s20 =	simm.s32 $_scs_section_size  }
0x9a: {  	s4 =	simm.s32 $_size__tile_overlayer_lowered;
	s5 =	simm.s32 $_tile_overlayer_lowered  }
0x9b: {  	s6 =	simm.s32 $0x1BFF;
	s21 =	sshll.u32 s5, $0x1;
	s3 =	sadd.s32 s20, s19  }
0x9c: {  	s22 =	simm.s32 $0x0;
	s4 =	sshll.u32 s4, $0x1;
	s5 =	sadd.s32 s21, s3  }
0x9d: {  	[timem:s22], [sflag:s6] =	dma.local [hbm:s5], s4  }
0x9e: {  	_ =	swait.ge [sflag:s6], s4  }
0x9f: {  	s4 =	ssub.s32 $0x0, s4;
	[sflag:s6] =	ssyncset.done $0x0  }
0xa0: {  	[sflag:s6] =	ssyncadd.s32 s4;
	_ =	sdelay $0x1  }
0xa1: {  	s23 =	simm.s32 $0x1B8B  }
0xa2: {  	_ =	swait.ge [sflag:s23], $0x1  }
0xa3: {  	[sflag:s23] =	ssyncset.done $0x0  }
0xa4: {  	[sflag:s23] =	ssyncadd.s32 $0xFFFFFFFF  }
0xa5: {  	s4 =	sld [smem:$0x0]  }
0xa6: {  	s5 =	sand.u32 $0xFFFFFFFE, s1  }
0xa7: {  	p0 =	sne.s32 s1, s5  }
0xa8: {  	s5 =	sshll.u32 @p0 s5, $0xE  }
0xa9: {  	s5 =	sadd.s32 @p0 $0x11B8D, s5;
	s6 =	sshll.u32 @p0 s4, $0x11  }
0xaa: {  	s5 =	sor.u32 @p0 s6, s5  }
0xab: {  	[sflag:s5] =	ssyncadd.remote.s32 @p0 $0x1;
	_ =	sdelay $0x1  }
0xac: {  	s5 =	simm.s32 @p0 $0x1B8D  }
0xad: {  	_ =	swait.eq @p0 [sflag:s5], $0x1  }
0xae: {  	[sflag:s5] =	ssyncadd.s32 @p0 $0xFFFFFFFF  }
0xaf: {  	s6 =	sshll.u32 @!p0 s1, $0xE  }
0xb0: {  	s6 =	sor.u32 @!p0 $0x4000, s6;
	s5 =	simm.s32 @!p0 $0x1B8D  }
0xb1: {  	s4 =	sshll.u32 @!p0 s4, $0x11;
	s6 =	sadd.s32 @!p0 $0x11B8D, s6;
	_ =	swait.eq @!p0 [sflag:s5], $0x1  }
0xb2: {  	s4 =	sor.u32 @!p0 s4, s6;
	[sflag:s5] =	ssyncadd.s32 @!p0 $0xFFFFFFFF  }
0xb3: {  	s25 =	simm.s32 $0x1B8E;
	s24 =	sld [smem:$0x3FFE];
	[sflag:s4] =	ssyncadd.remote.s32 @!p0 $0x1  }
0xb4: {  	s26 =	simm.s32 $execute0_lowered;
	[smem:$0x3FD2] =	sst s25  }
0xb5: {  	s5 =	sshll.u32 s26, $0x1;
	_ =	strace $0x8000004C;
	[dreg:$0x1] =	wrdreg $0xFFFFFFFF  }
0xb6: {  	s28 =	simm.s32 $_size_execute0_lowered;
	s3 =	sadd.s32 s3, s5;
	[dreg:$0x0] =	wrdreg $0x0  }
0xb7: {  	s5 =	sshll.u32 s28, $0x1;
	[dreg:$0x2] =	wrdreg s3  }
0xb8: {  	[dreg:$0x3] =	wrdreg s5  }
0xb9: {  	[dreg:$0x4] =	wrdreg $0xC0  }
0xba: {  	_ =	task [dreg:s22], $0x5FFFF  }
0xbb: {  	[dreg:$0x1] =	wrdreg $0xFFFFFFFF  }
0xbc: {  	[dreg:$0x0] =	wrdreg $0x60  }
0xbd: {  	[dreg:$0x2] =	wrdreg s24  }
0xbe: {  	[dreg:$0x3] =	wrdreg $0x9  }
0xbf: {  	_ =	task.clear_ibuf [dreg:s22], $0x4FFFF;
	_ =	strace $0x9000004C  }
0xc0: {  	s29 =	simm.s32 $0x9;
	_ =	strace $0x8000004E  }
0xc1: {  	_ =	swait.ge [sflag:s29], $0x1  }
0xc2: {  	[sflag:s29] =	ssyncadd.s32 $0xFFFFFFFF  }
0xc3: {  	_ =	strace $0x9000004E  }
0xc4: {  	_ =	sfence  }
0xc5: {  	s30 =	sld [smem:$0x0];
	_ =	sdelay $0x2  }
0xc6: {  	s31 =	sshll.u32 s1, $0xD;
	s1 =	sshrl.u32 s1, $0x2  }
0xc7: {  	s4 =	sand.u32 $0x4000, s31;
	s1 =	sadd.s32 s1, s30  }
0xc8: {  	s0 =	sor.u32 s4, s0;
	s1 =	sshll.u32 s1, $0x11  }
0xc9: {  	s0 =	sor.u32 s1, s0  }
0xca: {  	s0 =	sadd.s32 $0x8F2B, s0  }
0xcb: {  	[sflag:s0] =	ssyncadd.remote.s32 $0x1  }
0xcc: {  	_ =	sfence.sel $0xFFFF  }
0xcd: {  	[dreg:$0x0] =	wrdreg $0xFFFFFFFF;
	(pc) =	sbr.abs _section_cstart, $3  }
0xce: {  	[dreg:$0x1] =	wrdreg $0xFFFFFFFF  }
0xcf: {  	_ =	task.clear_ibuf [dreg:s22], $0x2FFFF;
	_ =	strace $0x9FFFFFFF  }
0xd0: {  	(tm) =	ssettm $0x7FFFFFFF  }
0xd1: {  	_ =	shalt  }
tec
execute0_lowered:
.L_overlay_start_1:
0x0: {  	(tag) =	ssettag $0x1  }
0x1: {  	s0 =	srdreg.scid;
	s5 =	rddreg [dreg:$0x0]  }
0x2: {  	s1 =	stileid.u32;
	s6 =	simm.s32 $0x1;
	s9 =	simm.s32 $0x1  }
0x3: {  	s10 =	simm.s32 $0x3;
	s13 =	simm.s32 $0x0;
	s2 =	sshll.u32 s0, $0xD  }
0x4: {  	s12 =	simm.s32 $0x0;
	s3 =	sshll.u32 s1, $0xE;
	s2 =	sand.u32 $0x2000, s2  }
0x5: {  	s0 =	rddreg [dreg:$0x1];
	_ =	strace $0x8000004D;
	s2 =	sor.u32 s3, s2  }
0x6: {  	s4 =	sadd.s32 $0x2F600, s5;
	[sflag:s6] =	ssyncpa.u1 $0x0;
	s8 =	ssub.s32 $0x54000, s2  }
.Ltmp0:
0x7: {  	s3 =	sadd.s32 $0x25800, s5;
	s7 =	sand.u32 $0x3E000, s8;
	(pc) =	sbr.rel .LBB2_1-.Ltmp0, $4  }
0x8: {  	s5 =	sadd.s32 $0x39E00, s5;
	s11 =	smov.u32 s2;
	p0 =	sne.s32 s7, $0x0  }
0x9: {  	s8 =	sshrl.u32 s8, $0x12;
	s7 =	simm.s32 $0x2;
	s9 =	simm.s32 @!p0 $0x0  }
0xa: {  	[sflag:s7] =	ssyncpa.u1 $0x0;
	p0 =	por $0x0, $0x0;
	s8 =	sadd.s32 s9, s8  }
0xb: {  	vm0 =	vmmov $0xffff;
	[sflag:s10] =	ssyncpa.u1 $0x0;
	s10 =	simm.s32 $0x0;
	s9 =	sadd.s32 $0x1, s8  }
.LBB2_4:
0xc: {  	v2 =	vnsel vm1, $0x0, v2  }
0xd: {  	vm1 =	vgt.s32 v0, $0x0;
	v2 =	vmin.u32 v2, $0x4E1FF  }
0xe: {  	v0 =	vnsel vm1, $0x0, v0  }
0xf: {  	v0 =	vmin.u32 v0, $0x4E1FF  }
0x10: {  	[tilespmem:s15], [sflag:$0x1] =	stream.indirect_vreg.gather [hbm4b:s3+s10], $0x1, v1, vm0, $0x4038;
	[tilespmem:$0x8000] =	vst v63  }
0x11: {  	(ifvalue) =	ssetifvalue $0x7FFFFFFF  }
0x12: {  	[tilespmem:s16], [sflag:$0x1] =	stream.indirect_vreg.gather [hbm4b:s3+s10], $0x1, v2, vm0, $0x4038;
	[tilespmem:$0x8000] =	vst v63  }
0x13: {  	s29 =	sadd.s32 $0x10, s16;
	(ifvalue) =	ssetifvalue $0x7FFFFFFF  }
0x14: {  	[tilespmem:s29], [sflag:$0x1] =	stream.indirect_vreg.gather [hbm4b:s3+s10], $0x1, v0, vm0, $0x4038;
	[tilespmem:$0x8000] =	vst v63  }
0x15: {  	_ =	swait.ge [sflag:s6], $0x2000  }
0x16: {  	s30 =	sshrl.u32 s13, $0x3;
	[sflag:s6] =	ssyncset.done $0x0  }
0x17: {  	s31 =	sand.u32 $0x7, s13;
	s15 =	sadd.s32 s5, s30;
	[sflag:s6] =	ssyncadd.s32 $0xFFFFE000  }
0x18: {  	[hbm4b:s15+s31] =	stream.linear.scatter [tilespmem:s14], [sflag:$0x3], $0x2000, $0x38;
	[tilespmem:$0x8000] =	vst v63  }
.LBB2_5:
0x19: {  	s15 =	sadd.s32 $0x40000, s11  }
0x1a: {  	p2 =	sgt.s32 s15, $0x53FFF  }
0x1b: {  	s15 =	smov.u32 @p2 s2;
	p2 =	sne.s32 s12, s9  }
.Ltmp1:
0x1c: {  	p1 =	slt.u32 s12, $0x2;
	(pc) =	sbr.rel @!p2 .LBB2_6-.Ltmp1, $4  }
0x1d: {  	s14 =	simm.s32 @!p1 $0x3  }
0x1e: {  	s16 =	sadd.s32 $0x1, s12;
	_ =	swait.ge @!p1 [sflag:s14], $0x2000  }
0x1f: {  	s13 =	smov.u32 s11;
	p0 =	por !p0, !p0;
	[sflag:s14] =	ssyncset.done @!p1 $0x0  }
0x20: {  	s12 =	smov.u32 s16;
	s11 =	smov.u32 s15;
	[sflag:s14] =	ssyncadd.s32 @!p1 $0xFFFFE000  }
.LBB2_1:
0x21: {  	p1 =	sge.u32 s12, s8  }
0x22: {  	s14 =	sxor.u32 @!p1 $0xFFFFFFFF, s12  }
0x23: {  	s31 =	sadd.s32 $0xFFFFFFFF, s12;
	s15 =	sshrl.u32 @!p1 s11, $0x3;
	s14 =	sshll.u32 @!p1 s14, $0xD  }
0x24: {  	s16 =	sand.u32 @!p1 $0x7, s11;
	s15 =	sadd.s32 @!p1 s4, s15;
	s14 =	sand.u32 @!p1 $0x2000, s14  }
0x25: {  	[tilespmem:s14], [sflag:$0x2] =	stream.linear.gather @!p1 [hbm4b:s15+s16], $0x2000, $0x38;
	[tilespmem:$0x8000] =	vst v63  }
0x26: {  	p1 =	sge.u32 s31, s8  }
.Ltmp2:
0x27: {  	_ = 	snop;
	(pc) =	sbr.rel @p1 .LBB2_5-.Ltmp2, $1  }
0x28: {  	_ =	sdelay $0x3  }
0x29: {  	s14 =	simm.s32 $0x1  }
0x2a: {  	_ =	swait.ge [sflag:s7], $0x2000;
	s14 =	simm.s32 @!p0 $0x0  }
0x2b: {  	[sflag:s7] =	ssyncset.done $0x0;
	s14 =	sshll.u32 s14, $0xD  }
0x2c: {  	[sflag:s7] =	ssyncadd.s32 $0xFFFFE000;
	(ifvalue) =	ssetifvalue $0x7FFFFFFF;
	v0 =	vld.msk [tilespmem:s14+$0x0 ss:$0x1], $0xffff;
	_ =	sdelay $0x4  }
0x2d: {  	s15 =	sadd.s32 $0x10, s14;
	vm1 =	vgt.s32 v0, $0x0  }
0x2e: {  	v2 =	vld.msk [tilespmem:s15+$0x0 ss:$0x1], $0xffff;
	v1 =	vnsel vm1, $0x0, v0  }
0x2f: {  	v1 =	vmin.u32 v1, $0x4E1FF;
	_ =	sdelay $0x1  }
0x30: {  	s16 =	sshll.u32 s12, $0xD;
	s18 =	simm.s32 $0x20  }
0x31: {  	s16 =	sand.u32 $0x2000, s16;
	s17 =	sadd.s32 $0x10, s15;
	s15 =	sor.u32 $0x4000, s14  }
0x32: {  	s14 =	sor.u32 $0x4000, s16;
	s16 =	sadd.s32 $0x10, s15;
	v0 =	vld.msk [tilespmem:s17+$0x0 ss:$0x1], $0xffff;
	vm1 =	vgt.s32 v2, $0x0;
	(ifvalue) =	ssetifvalue $0x7FFFFFFF  }
.LBB2_3:
0x33: {  	[tilespmem:s15], [sflag:$0x1] =	stream.indirect_vreg.gather [hbm4b:s3+s10], $0x1, v1, vm0, $0x4038;
	[tilespmem:$0x8000] =	vst v63  }
0x34: {  	s18 =	sadd.s32 $0x10, s18  }
0x35: {  	v2 =	vnsel vm1, $0x0, v2;
	p1 =	slt.u32 s18, $0x1FF0  }
.Ltmp3:
0x36: {  	s15 =	smov.u32 s16;
	v1 =	vmin.u32 v2, $0x4E1FF;
	(pc) =	sbr.rel @p1 .LBB2_3-.Ltmp3, $3  }
0x37: {  	_ =	sdelay $0x1  }
0x38: {  	s17 =	sadd.s32 $0x10, s17  }
0x39: {  	vm1 =	vgt.s32 v0, $0x0;
	s16 =	sadd.s32 $0x10, s16;
	v2 =	vmov v0;
	(ifvalue) =	ssetifvalue $0x7FFFFFFF;
	v0 =	vld.msk [tilespmem:s17+$0x0 ss:$0x1], $0xffff  }
.Ltmp4:
0x3a: {  	_ = 	snop;
	(pc) =	sbr.rel .LBB2_4-.Ltmp4, $1  }
0x3b: {  	_ =	sdelay $0x3  }
.LBB2_6:
0x3c: {  	_ =	sfence.sel $0x180000  }
0x3d: {  	s2 =	simm.s32 $0x2;
	[bflag:$0x0] =	sbarrier.arrive $0xFFFF  }
0x3e: {  	s30 =	simm.s32 $0x3;
	[sflag:s2] =	ssyncpa.u1 $0x1  }
0x3f: {  	s31 =	simm.s32 $0x1;
	[sflag:s30] =	ssyncpa.u1 $0x1  }
0x40: {  	[sflag:s31] =	ssyncpa.u1 $0x1  }
0x41: {  	p0 =	sne.s32 s1, $0x0;
	_ =	strace $0x9000004D  }
0x42: {  	s0 =	sadd.s32 @!p0 $0x100000, s0;
	[bflag:$0x2] =	sbarrier.arrive $0xFFFF  }
0x43: {  	[sflag:s0] =	ssyncadd.tile.s32 @!p0 $0x1;
	_ =	shalt  }
.Lfunc_end2:
_tile_overlayer_lowered:
.L_overlay_start_2:
0x44: {  	(tag) =	ssettag $0x2  }
0x45: {  	s0 =	rddreg [dreg:$0x0];
	s2 =	stileid.u32  }
0x46: {  	s1 =	rddreg [dreg:$0x1];
	p0 =	sne.s32 s2, $0x0  }
0x47: {  	s3 =	rddreg [dreg:$0x2];
	[bflag:$0x3] =	sbarrier.arrive $0xFFFF;
	s2 =	simm.s32 @!p0 $0x1C01  }
0x48: {  	[timem:s3], [sflag:s2] =	dma.local @!p0 [hbm:s0], s1  }
0x49: {  	s0 =	simm.s32 @!p0 $0x1  }
0x4a: {  	_ =	swait.ge @!p0 [sflag:s0], s1  }
0x4b: {  	s1 =	ssub.s32 @!p0 $0x0, s1;
	[sflag:s0] =	ssyncset.done @!p0 $0x0  }
0x4c: {  	[sflag:s0] =	ssyncadd.s32 @!p0 s1  }
0x4d: {  	[bflag:$0x3] =	sbarrier.arrive $0xFFFF  }
0x4e: {  	_ =	shalt  }

// kernel: gather_offload_async_start
scs
__scs_entry_jumppad:
0x0: {  	(pc) =	sbr.rel $0x88, $3  }
0x1: {  	(tag) =	ssettag $0x0;
	lr =	simm.s32 $0x1  }
0x2: {  	[smem:$0x3F8D] =	sst lr;
	_ =	strace $0xD0000000  }
0x3: {  	_ = 	snop  }
0x4: {  	_ = 	snop  }
0x5: {  	_ = 	snop  }
0x6: {  	_ = 	snop  }
0x7: {  	_ = 	snop  }
__scs_overlays_trampoline_lowered:
0x8: {  	[smem:$0x3F9C] =	sst s0  }
0x9: {  	[smem:$0x3F9D] =	sst s1  }
0xa: {  	[smem:$0x3F9E] =	sst s2  }
0xb: {  	[smem:$0x3F9F] =	sst s3  }
0xc: {  	[smem:$0x3FA0] =	sst s4  }
0xd: {  	[smem:$0x3FA1] =	sst s5  }
0xe: {  	[smem:$0x3FA2] =	sst s6  }
0xf: {  	[smem:$0x3FA3] =	sst s7  }
0x10: {  	[smem:$0x3FA4] =	sst s8  }
0x11: {  	[smem:$0x3FA5] =	sst s9;
	s0 =	simm.s32 @!p0 $0x0  }
0x12: {  	s1 =	sld [smem:$0x3F8B];
	s0 =	simm.s32 @p0 $0x1  }
0x13: {  	[smem:$0x3FA6] =	sst s0;
	s0 =	simm.s32 @!p1 $0x0  }
0x14: {  	s2 =	sld [smem:$0x3F8A];
	s0 =	simm.s32 @p1 $0x1  }
0x15: {  	[smem:$0x3FA7] =	sst s0;
	s0 =	simm.s32 @!p2 $0x0  }
0x16: {  	s3 =	sld [smem:$0x3FDB];
	s0 =	simm.s32 @p2 $0x1  }
0x17: {  	s4 =	simm.s32 $0x1BF5;
	[smem:$0x3FA9] =	sst s0  }
0x18: {  	s0 =	sld [smem:$0x3F8C];
	_ =	swait.ge [sflag:s4], $0x0  }
0x19: {  	s7 =	sld [smem:$0x3F8D]  }
0x1a: {  	s8 =	sadd.s32 $0xFFFFE003, lr  }
0x1b: {  	s9 =	sadd.s32 $0xFFFFFEF7, lr;
	s5 =	simm.s32 $0xFFFFFFFF;
	p2 =	slt.u32 s8, $0xFFFFF086  }
0x1c: {  	p1 =	slt.u32 s9, $0xF7A;
	s5 =	simm.s32 @!p2 $0x0  }
0x1d: {  	s5 =	simm.s32 @p1 $0x1;
	p0 =	seq.s32 s7, s2  }
0x1e: {  	s7 =	smul.u32 @!p0 $0xF7A, s2;
	p2 =	seq.s32 @!p0 s5, $0x0  }
0x1f: {  	s9 =	smul.u32 $0xF7A, s1;
	s8 =	simm.s32 @!p0 $0x1BF5;
	p2 =	por !p2, p0  }
0x20: {  	[sflag:s8] =	ssyncset.s32 @!p0 $0xFFFFF086;
	s6 =	sadd.s32 @!p0 s3, s7;
	s7 =	simm.s32 @!p0 $0x108  }
0x21: {  	s3 =	sadd.s32 s3, s9;
	s6 =	sadd.s32 @!p0 $0x88, s6;
	s7 =	simm.s32 @p2 $0x1082  }
0x22: {  	[simem:s7], [sflag:s8] =	dma.local @!p0 [hbm:s6], $0xF7A  }
0x23: {  	s9 =	sor.u32 $0xD0000000, s2;
	s6 =	simm.s32 $0x108;
	_ =	swait.ge @!p0 [sflag:s8], $0x0  }
0x24: {  	s3 =	sadd.s32 $0x88, s3;
	s6 =	simm.s32 @!p1 $0x1082;
	[sflag:s4] =	ssyncset.s32 $0xFFFFF086  }
0x25: {  	[simem:s6], [sflag:s4] =	dma.local [hbm:s3], $0xF7A  }
0x26: {  	[smem:$0x3F8D] =	sst s1;
	(tag) =	ssettag s2;
	_ =	strace s9  }
0x27: {  	s1 =	sld [smem:$0x3F9D]  }
0x28: {  	s2 =	sld [smem:$0x3F9E]  }
0x29: {  	s4 =	sld [smem:$0x3FA0]  }
0x2a: {  	p0 =	seq.s32 s5, $0x0;
	s5 =	sld [smem:$0x3FA1]  }
0x2b: {  	s6 =	sld [smem:$0x3FA2]  }
0x2c: {  	s7 =	sld [smem:$0x3FA3]  }
0x2d: {  	s3 =	simm.s32 $0x108;
	s8 =	sld [smem:$0x3FA4]  }
0x2e: {  	s3 =	simm.s32 @!p0 $0x1082;
	s9 =	sld [smem:$0x3FA5]  }
0x2f: {  	lr =	sadd.s32 s0, s3;
	s0 =	sld [smem:$0x3F9C]  }
0x30: {  	s3 =	sld [smem:$0x3F9F]  }
0x31: {  	[smem:$0x3FA8] =	sst s10  }
0x32: {  	s10 =	sld [smem:$0x3FA6];
	_ =	sdelay $0x3  }
0x33: {  	p0 =	seq.s32 s10, $0x1;
	s10 =	sld [smem:$0x3FA8];
	_ =	sdelay $0x3  }
0x34: {  	[smem:$0x3FA8] =	sst s10  }
0x35: {  	s10 =	sld [smem:$0x3FA7];
	_ =	sdelay $0x3  }
0x36: {  	p1 =	seq.s32 s10, $0x1;
	s10 =	sld [smem:$0x3FA8];
	_ =	sdelay $0x3  }
0x37: {  	[smem:$0x3FA8] =	sst s10  }
0x38: {  	s10 =	sld [smem:$0x3FA9]  }
0x39: {  	_ = 	snop;
	(pc) =	sbr.ind lr, $3  }
0x3a: {  	_ = 	snop  }
0x3b: {  	_ = 	snop  }
0x3c: {  	p2 =	seq.s32 s10, $0x1;
	s10 =	sld [smem:$0x3FA8]  }
0x3d: {  	_ =	shalt  }
0x3e: {  	_ =	shalt  }
0x3f: {  	_ =	shalt  }
0x40: {  	_ =	shalt  }
0x41: {  	_ =	shalt  }
0x42: {  	_ =	shalt  }
0x43: {  	_ =	shalt  }
0x44: {  	_ =	shalt  }
0x45: {  	_ =	shalt  }
0x46: {  	_ =	shalt  }
0x47: {  	_ =	shalt  }
0x48: {  	_ =	shalt  }
0x49: {  	_ =	shalt  }
0x4a: {  	_ =	shalt  }
0x4b: {  	_ =	shalt  }
0x4c: {  	_ =	shalt  }
0x4d: {  	_ =	shalt  }
0x4e: {  	_ =	shalt  }
0x4f: {  	_ =	shalt  }
0x50: {  	_ =	shalt  }
0x51: {  	_ =	shalt  }
0x52: {  	_ =	shalt  }
0x53: {  	_ =	shalt  }
0x54: {  	_ =	shalt  }
0x55: {  	_ =	shalt  }
0x56: {  	_ =	shalt  }
0x57: {  	_ =	shalt  }
0x58: {  	_ =	shalt  }
0x59: {  	_ =	shalt  }
0x5a: {  	_ =	shalt  }
0x5b: {  	_ =	shalt  }
0x5c: {  	_ =	shalt  }
0x5d: {  	_ =	shalt  }
0x5e: {  	_ =	shalt  }
0x5f: {  	_ =	shalt  }
0x60: {  	_ =	shalt  }
0x61: {  	_ =	shalt  }
0x62: {  	_ =	shalt  }
0x63: {  	_ =	shalt  }
0x64: {  	_ =	shalt  }
0x65: {  	_ =	shalt  }
0x66: {  	_ =	shalt  }
0x67: {  	_ =	shalt  }
0x68: {  	_ =	shalt  }
0x69: {  	_ =	shalt  }
0x6a: {  	_ =	shalt  }
0x6b: {  	_ =	shalt  }
0x6c: {  	_ =	shalt  }
0x6d: {  	_ =	shalt  }
0x6e: {  	_ =	shalt  }
0x6f: {  	_ =	shalt  }
0x70: {  	_ =	shalt  }
0x71: {  	_ =	shalt  }
0x72: {  	_ =	shalt  }
0x73: {  	_ =	shalt  }
0x74: {  	_ =	shalt  }
0x75: {  	_ =	shalt  }
0x76: {  	_ =	shalt  }
0x77: {  	_ =	shalt  }
0x78: {  	_ =	shalt  }
0x79: {  	_ =	shalt  }
0x7a: {  	_ =	shalt  }
0x7b: {  	_ =	shalt  }
0x7c: {  	_ =	shalt  }
0x7d: {  	_ =	shalt  }
0x7e: {  	_ =	shalt  }
0x7f: {  	_ =	shalt  }
0x80: {  	_ =	shalt  }
0x81: {  	_ =	shalt  }
0x82: {  	_ =	shalt  }
0x83: {  	_ =	shalt  }
0x84: {  	_ =	shalt  }
0x85: {  	_ =	shalt  }
0x86: {  	_ =	shalt  }
0x87: {  	_ =	shalt  }
.Lfunc_end0:
.L_simem_size_0:
called_computation_lowered:
.L_overlay_start_0:
0x88: {  	s2 =	sld [smem:$0x3FD9]  }
0x89: {  	s3 =	sld [smem:$0x3FFE];
	_ =	sdelay $0x1  }
0x8a: {  	s1 =	srdreg.scid  }
0x8b: {  	s0 =	sand.u32 $0x1, s1  }
0x8c: {  	s16 =	sshll.u32 s0, $0xA;
	s2 =	sadd.s32 s3, s2  }
0x8d: {  	s2 =	sadd.s32 s2, s16  }
0x8e: {  	[smem:$0x3FB4] =	sst s2  }
0x8f: {  	_ = 	snop  }
0x90: {  	(tm) =	ssettm $0x1  }
0x91: {  	s17 =	sld [smem:$0x3FFB];
	_ =	sdelay $0x3  }
0x92: {  	_ =	strace s17  }
0x93: {  	s2 =	sld [smem:$0x3FFC];
	_ =	sdelay $0x3  }
0x94: {  	_ =	strace s2  }
0x95: {  	s2 =	sld [smem:$0x3FFD];
	_ =	sdelay $0x3  }
0x96: {  	_ =	strace s2  }
0x97: {  	_ =	strace $0x8FFFFFFF  }
0x98: {  	s18 =	sld [smem:$0x3FDB];
	_ =	sdelay $0x1  }
0x99: {  	s19 =	simm.s32 $_scs_section_size  }
0x9a: {  	s4 =	simm.s32 $_size__tile_overlayer_lowered;
	s5 =	simm.s32 $_tile_overlayer_lowered  }
0x9b: {  	s22 =	simm.s32 $0x1BFF;
	s21 =	sshll.u32 s5, $0x1;
	s2 =	sadd.s32 s19, s18  }
0x9c: {  	s6 =	simm.s32 $0x0;
	s20 =	sshll.u32 s4, $0x1;
	s4 =	sadd.s32 s21, s2  }
0x9d: {  	[timem:s6], [sflag:s22] =	dma.local [hbm:s4], s20  }
0x9e: {  	_ =	swait.ge [sflag:s22], s20  }
0x9f: {  	s3 =	ssub.s32 $0x0, s20;
	[sflag:s22] =	ssyncset.done $0x0  }
0xa0: {  	[sflag:s22] =	ssyncadd.s32 s3;
	_ =	sdelay $0x1  }
0xa1: {  	s23 =	simm.s32 $0x1B8B  }
0xa2: {  	_ =	swait.ge [sflag:s23], $0x1  }
0xa3: {  	[sflag:s23] =	ssyncset.done $0x0  }
0xa4: {  	s25 =	simm.s32 $0x1B8E;
	s24 =	sld [smem:$0x3FFE];
	[sflag:s23] =	ssyncadd.s32 $0xFFFFFFFF  }
0xa5: {  	s26 =	simm.s32 $execute0_lowered;
	[smem:$0x3FD2] =	sst s25  }
0xa6: {  	s4 =	sshll.u32 s26, $0x1;
	_ =	strace $0x80000049;
	[dreg:$0x1] =	wrdreg $0xFFFFFFFF  }
0xa7: {  	s28 =	simm.s32 $_size_execute0_lowered;
	s2 =	sadd.s32 s2, s4;
	[dreg:$0x0] =	wrdreg $0x0  }
0xa8: {  	s4 =	sshll.u32 s28, $0x1;
	[dreg:$0x2] =	wrdreg s2  }
0xa9: {  	[dreg:$0x3] =	wrdreg s4  }
0xaa: {  	[dreg:$0x4] =	wrdreg $0xC0  }
0xab: {  	_ =	task [dreg:s6], $0x5FFFF  }
0xac: {  	[dreg:$0x1] =	wrdreg $0xFFFFFFFF  }
0xad: {  	[dreg:$0x0] =	wrdreg $0x60  }
0xae: {  	[dreg:$0x2] =	wrdreg s24  }
0xaf: {  	[dreg:$0x3] =	wrdreg $0xA  }
0xb0: {  	_ =	task.clear_ibuf [dreg:s6], $0x4FFFF;
	_ =	strace $0x90000049  }
0xb1: {  	s29 =	simm.s32 $0xA;
	_ =	strace $0x8000004B  }
0xb2: {  	_ =	swait.ge [sflag:s29], $0x1  }
0xb3: {  	[sflag:s29] =	ssyncadd.s32 $0xFFFFFFFF  }
0xb4: {  	_ =	strace $0x9000004B  }
0xb5: {  	_ =	sfence  }
0xb6: {  	s30 =	sld [smem:$0x0];
	_ =	sdelay $0x2  }
0xb7: {  	s31 =	sshll.u32 s1, $0xD;
	s1 =	sshrl.u32 s1, $0x2  }
0xb8: {  	s3 =	sand.u32 $0x4000, s31;
	s1 =	sadd.s32 s1, s30  }
0xb9: {  	s0 =	sor.u32 s3, s0;
	s1 =	sshll.u32 s1, $0x11  }
0xba: {  	s0 =	sor.u32 s1, s0  }
0xbb: {  	s0 =	sadd.s32 $0x8F2B, s0  }
0xbc: {  	[sflag:s0] =	ssyncadd.remote.s32 $0x1  }
0xbd: {  	_ =	sfence.sel $0xFFFF  }
0xbe: {  	[dreg:$0x0] =	wrdreg $0xFFFFFFFF;
	(pc) =	sbr.abs _section_cstart, $3  }
0xbf: {  	[dreg:$0x1] =	wrdreg $0xFFFFFFFF  }
0xc0: {  	_ =	task.clear_ibuf [dreg:s6], $0x2FFFF;
	_ =	strace $0x9FFFFFFF  }
0xc1: {  	(tm) =	ssettm $0x7FFFFFFF  }
tec
execute0_lowered:
.L_overlay_start_1:
0x0: {  	(tag) =	ssettag $0x1  }
0x1: {  	s8 =	rddreg [dreg:$0x0]  }
0x2: {  	s0 =	rddreg [dreg:$0x1];
	_ =	strace $0x8000004A;
	s1 =	stileid.u32  }
0x3: {  	s3 =	srdreg.scid;
	s4 =	simm.s32 $0x1;
	s7 =	simm.s32 $0x1  }
0x4: {  	s9 =	simm.s32 $0x1;
	s10 =	simm.s32 $0x3;
	s13 =	simm.s32 $0x0  }
0x5: {  	s12 =	simm.s32 $0x0;
	s5 =	sand.u32 $0x1, s3;
	s6 =	sshll.u32 s1, $0x1  }
0x6: {  	s2 =	sadd.s32 $0x7E00, s8;
	s3 =	sadd.s32 $0x1BA00, s8;
	s5 =	sor.u32 s6, s5  }
.Ltmp0:
0x7: {  	[sflag:s4] =	ssyncpa.u1 $0x0;
	p0 =	slt.u32 s5, $0x9;
	(pc) =	sbr.rel .LBB2_1-.Ltmp0, $4  }
0x8: {  	s6 =	simm.s32 $0x2;
	s7 =	simm.s32 @!p0 $0x0;
	p0 =	sne.s32 s5, $0x8  }
0x9: {  	[sflag:s6] =	ssyncpa.u1 $0x0;
	s5 =	smul.u32 $0x1F40, s5;
	s9 =	simm.s32 @!p0 $0x0  }
0xa: {  	s8 =	sadd.s32 $0x11C00, s8;
	[sflag:s10] =	ssyncpa.u1 $0x0;
	s7 =	sadd.s32 s9, s7  }
0xb: {  	vm0 =	vmmov $0xffff;
	s10 =	simm.s32 $0x0;
	s11 =	smov.u32 s5;
	s9 =	sadd.s32 $0x1, s7  }
.LBB2_4:
0xc: {  	v2 =	vnsel vm1, $0x0, v2  }
0xd: {  	vm1 =	vgt.s32 v0, $0x0;
	v2 =	vmin.u32 v2, $0x4E1FF  }
0xe: {  	v0 =	vnsel vm1, $0x0, v0  }
0xf: {  	v0 =	vmin.u32 v0, $0x4E1FF  }
0x10: {  	[tilespmem:s18], [sflag:$0x1] =	stream.indirect_vreg.gather [hbm4b:s2+s10], $0x1, v1, vm0, $0x4038;
	[tilespmem:$0x7D00] =	vst v63  }
0x11: {  	(ifvalue) =	ssetifvalue $0x7FFFFFFF  }
0x12: {  	[tilespmem:s15], [sflag:$0x1] =	stream.indirect_vreg.gather [hbm4b:s2+s10], $0x1, v2, vm0, $0x4038;
	[tilespmem:$0x7D00] =	vst v63  }
0x13: {  	s29 =	sadd.s32 $0x10, s15;
	(ifvalue) =	ssetifvalue $0x7FFFFFFF  }
0x14: {  	[tilespmem:s29], [sflag:$0x1] =	stream.indirect_vreg.gather [hbm4b:s2+s10], $0x1, v0, vm0, $0x4038;
	[tilespmem:$0x7D00] =	vst v63  }
0x15: {  	_ =	swait.ge [sflag:s4], $0x1F40  }
0x16: {  	s30 =	sshrl.u32 s13, $0x3;
	[sflag:s4] =	ssyncset.done $0x0  }
0x17: {  	s31 =	sand.u32 $0x7, s13;
	s15 =	sadd.s32 s8, s30;
	[sflag:s4] =	ssyncadd.s32 $0xFFFFE0C0  }
0x18: {  	[hbm4b:s15+s31] =	stream.linear.scatter [tilespmem:s14], [sflag:$0x3], $0x1F40, $0x38;
	[tilespmem:$0x7D00] =	vst v63  }
.LBB2_5:
0x19: {  	s15 =	sadd.s32 $0x3E800, s11  }
0x1a: {  	p1 =	sgt.s32 s15, $0x4E1FF  }
0x1b: {  	s15 =	smov.u32 @p1 s5;
	p1 =	sne.s32 s12, s9  }
.Ltmp1:
0x1c: {  	p0 =	slt.u32 s12, $0x2;
	(pc) =	sbr.rel @!p1 .LBB2_6-.Ltmp1, $4  }
0x1d: {  	s14 =	simm.s32 @!p0 $0x3  }
0x1e: {  	_ =	swait.ge @!p0 [sflag:s14], $0x1F40  }
0x1f: {  	s16 =	sadd.s32 $0x1, s12;
	s13 =	smov.u32 s11;
	[sflag:s14] =	ssyncset.done @!p0 $0x0  }
0x20: {  	s12 =	smov.u32 s16;
	s11 =	smov.u32 s15;
	[sflag:s14] =	ssyncadd.s32 @!p0 $0xFFFFE0C0  }
.LBB2_1:
0x21: {  	p0 =	sge.u32 s12, s7  }
0x22: {  	s14 =	sxor.u32 @!p0 $0x1, s12  }
0x23: {  	s14 =	smul.u32 @!p0 $0x7D00, s14  }
0x24: {  	s31 =	sadd.s32 $0xFFFFFFFF, s12;
	s15 =	sshrl.u32 @!p0 s11, $0x3  }
0x25: {  	s16 =	sand.u32 @!p0 $0x7, s11;
	s15 =	sadd.s32 @!p0 s3, s15;
	s14 =	sshra.s32 @!p0 s14, $0x2  }
0x26: {  	[tilespmem:s14], [sflag:$0x2] =	stream.linear.gather @!p0 [hbm4b:s15+s16], $0x1F40, $0x38;
	[tilespmem:$0x7D00] =	vst v63  }
0x27: {  	p0 =	sge.u32 s31, s7  }
.Ltmp2:
0x28: {  	_ = 	snop;
	(pc) =	sbr.rel @p0 .LBB2_5-.Ltmp2, $1  }
0x29: {  	_ =	sdelay $0x3  }
0x2a: {  	s14 =	sand.u32 $0x1, s12  }
0x2b: {  	_ =	swait.ge [sflag:s6], $0x1F40;
	p0 =	seq.s32 s14, $0x1;
	s14 =	simm.s32 $0x1F40  }
0x2c: {  	[sflag:s6] =	ssyncset.done $0x0;
	s14 =	simm.s32 @!p0 $0x0  }
0x2d: {  	[sflag:s6] =	ssyncadd.s32 $0xFFFFE0C0;
	(ifvalue) =	ssetifvalue $0x7FFFFFFF;
	v0 =	vld.msk [tilespmem:s14+$0x0 ss:$0x1], $0xffff;
	_ =	sdelay $0x4  }
0x2e: {  	s15 =	sadd.s32 $0x10, s14;
	vm1 =	vgt.s32 v0, $0x0  }
0x2f: {  	v2 =	vld.msk [tilespmem:s15+$0x0 ss:$0x1], $0xffff;
	v1 =	vnsel vm1, $0x0, v0  }
0x30: {  	v1 =	vmin.u32 v1, $0x4E1FF;
	_ =	sdelay $0x2  }
0x31: {  	s17 =	simm.s32 $0x20;
	s14 =	sadd.s32 $0x3E80, s14;
	s16 =	sadd.s32 $0x10, s15  }
0x32: {  	s15 =	sadd.s32 $0x10, s14;
	s18 =	smov.u32 s14;
	v0 =	vld.msk [tilespmem:s16+$0x0 ss:$0x1], $0xffff;
	vm1 =	vgt.s32 v2, $0x0;
	(ifvalue) =	ssetifvalue $0x7FFFFFFF  }
.LBB2_3:
0x33: {  	[tilespmem:s18], [sflag:$0x1] =	stream.indirect_vreg.gather [hbm4b:s2+s10], $0x1, v1, vm0, $0x4038;
	[tilespmem:$0x7D00] =	vst v63  }
0x34: {  	s17 =	sadd.s32 $0x10, s17  }
0x35: {  	v2 =	vnsel vm1, $0x0, v2;
	p0 =	slt.u32 s17, $0x1F30  }
.Ltmp3:
0x36: {  	s18 =	smov.u32 s15;
	v1 =	vmin.u32 v2, $0x4E1FF;
	(pc) =	sbr.rel @p0 .LBB2_3-.Ltmp3, $3  }
0x37: {  	_ =	sdelay $0x1  }
0x38: {  	s16 =	sadd.s32 $0x10, s16  }
0x39: {  	vm1 =	vgt.s32 v0, $0x0;
	s15 =	sadd.s32 $0x10, s15;
	v2 =	vmov v0;
	(ifvalue) =	ssetifvalue $0x7FFFFFFF;
	v0 =	vld.msk [tilespmem:s16+$0x0 ss:$0x1], $0xffff  }
.Ltmp4:
0x3a: {  	_ = 	snop;
	(pc) =	sbr.rel .LBB2_4-.Ltmp4, $1  }
0x3b: {  	_ =	sdelay $0x3  }
.LBB2_6:
0x3c: {  	_ =	sfence.sel $0x180000  }
0x3d: {  	s2 =	simm.s32 $0x2;
	[bflag:$0x0] =	sbarrier.arrive $0xFFFF  }
0x3e: {  	s30 =	simm.s32 $0x3;
	[sflag:s2] =	ssyncpa.u1 $0x1  }
0x3f: {  	s31 =	simm.s32 $0x1;
	[sflag:s30] =	ssyncpa.u1 $0x1  }
0x40: {  	[sflag:s31] =	ssyncpa.u1 $0x1  }
0x41: {  	p0 =	sne.s32 s1, $0x0;
	_ =	strace $0x9000004A  }
0x42: {  	s0 =	sadd.s32 @!p0 $0x100000, s0;
	[bflag:$0x2] =	sbarrier.arrive $0xFFFF  }
0x43: {  	[sflag:s0] =	ssyncadd.tile.s32 @!p0 $0x1;
	_ =	shalt  }
.Lfunc_end2:
_tile_overlayer_lowered:
.L_overlay_start_2:
0x44: {  	(tag) =	ssettag $0x2  }
0x45: {  	s0 =	rddreg [dreg:$0x0];
	s2 =	stileid.u32  }
0x46: {  	s1 =	rddreg [dreg:$0x1];
	p0 =	sne.s32 s2, $0x0  }
0x47: {  	s3 =	rddreg [dreg:$0x2];
	[bflag:$0x3] =	sbarrier.arrive $0xFFFF;
	s2 =	simm.s32 @!p0 $0x1C01  }
0x48: {  	[timem:s3], [sflag:s2] =	dma.local @!p0 [hbm:s0], s1  }
0x49: {  	s0 =	simm.s32 @!p0 $0x1  }
0x4a: {  	_ =	swait.ge @!p0 [sflag:s0], s1  }
0x4b: {  	s1 =	ssub.s32 @!p0 $0x0, s1;
	[sflag:s0] =	ssyncset.done @!p0 $0x0  }
0x4c: {  	[sflag:s0] =	ssyncadd.s32 @!p0 s1  }
0x4d: {  	[bflag:$0x3] =	sbarrier.arrive $0xFFFF  }
0x4e: {  	_ =	shalt  }

// kernel: kernel.13.cloned.1.call-start
scs
__scs_entry_jumppad:
0x0: {  	(pc) =	sbr.rel $0x88, $3  }
0x1: {  	(tag) =	ssettag $0x0;
	lr =	simm.s32 $0x1  }
0x2: {  	[smem:$0x3F8D] =	sst lr;
	_ =	strace $0xD0000000  }
0x3: {  	_ = 	snop  }
0x4: {  	_ = 	snop  }
0x5: {  	_ = 	snop  }
0x6: {  	_ = 	snop  }
0x7: {  	_ = 	snop  }
__scs_overlays_trampoline_lowered:
0x8: {  	[smem:$0x3F9C] =	sst s0  }
0x9: {  	[smem:$0x3F9D] =	sst s1  }
0xa: {  	[smem:$0x3F9E] =	sst s2  }
0xb: {  	[smem:$0x3F9F] =	sst s3  }
0xc: {  	[smem:$0x3FA0] =	sst s4  }
0xd: {  	[smem:$0x3FA1] =	sst s5  }
0xe: {  	[smem:$0x3FA2] =	sst s6  }
0xf: {  	[smem:$0x3FA3] =	sst s7  }
0x10: {  	[smem:$0x3FA4] =	sst s8  }
0x11: {  	[smem:$0x3FA5] =	sst s9;
	s0 =	simm.s32 @!p0 $0x0  }
0x12: {  	s1 =	sld [smem:$0x3F8B];
	s0 =	simm.s32 @p0 $0x1  }
0x13: {  	[smem:$0x3FA6] =	sst s0;
	s0 =	simm.s32 @!p1 $0x0  }
0x14: {  	s2 =	sld [smem:$0x3F8A];
	s0 =	simm.s32 @p1 $0x1  }
0x15: {  	[smem:$0x3FA7] =	sst s0;
	s0 =	simm.s32 @!p2 $0x0  }
0x16: {  	s3 =	sld [smem:$0x3FDB];
	s0 =	simm.s32 @p2 $0x1  }
0x17: {  	s4 =	simm.s32 $0x1BF5;
	[smem:$0x3FA9] =	sst s0  }
0x18: {  	s0 =	sld [smem:$0x3F8C];
	_ =	swait.ge [sflag:s4], $0x0  }
0x19: {  	s7 =	sld [smem:$0x3F8D]  }
0x1a: {  	s8 =	sadd.s32 $0xFFFFE003, lr  }
0x1b: {  	s9 =	sadd.s32 $0xFFFFFEF7, lr;
	s5 =	simm.s32 $0xFFFFFFFF;
	p2 =	slt.u32 s8, $0xFFFFF086  }
0x1c: {  	p1 =	slt.u32 s9, $0xF7A;
	s5 =	simm.s32 @!p2 $0x0  }
0x1d: {  	s5 =	simm.s32 @p1 $0x1;
	p0 =	seq.s32 s7, s2  }
0x1e: {  	s7 =	smul.u32 @!p0 $0xF7A, s2;
	p2 =	seq.s32 @!p0 s5, $0x0  }
0x1f: {  	s9 =	smul.u32 $0xF7A, s1;
	s8 =	simm.s32 @!p0 $0x1BF5;
	p2 =	por !p2, p0  }
0x20: {  	[sflag:s8] =	ssyncset.s32 @!p0 $0xFFFFF086;
	s6 =	sadd.s32 @!p0 s3, s7;
	s7 =	simm.s32 @!p0 $0x108  }
0x21: {  	s3 =	sadd.s32 s3, s9;
	s6 =	sadd.s32 @!p0 $0x88, s6;
	s7 =	simm.s32 @p2 $0x1082  }
0x22: {  	[simem:s7], [sflag:s8] =	dma.local @!p0 [hbm:s6], $0xF7A  }
0x23: {  	s9 =	sor.u32 $0xD0000000, s2;
	s6 =	simm.s32 $0x108;
	_ =	swait.ge @!p0 [sflag:s8], $0x0  }
0x24: {  	s3 =	sadd.s32 $0x88, s3;
	s6 =	simm.s32 @!p1 $0x1082;
	[sflag:s4] =	ssyncset.s32 $0xFFFFF086  }
0x25: {  	[simem:s6], [sflag:s4] =	dma.local [hbm:s3], $0xF7A  }
0x26: {  	[smem:$0x3F8D] =	sst s1;
	(tag) =	ssettag s2;
	_ =	strace s9  }
0x27: {  	s1 =	sld [smem:$0x3F9D]  }
0x28: {  	s2 =	sld [smem:$0x3F9E]  }
0x29: {  	s4 =	sld [smem:$0x3FA0]  }
0x2a: {  	p0 =	seq.s32 s5, $0x0;
	s5 =	sld [smem:$0x3FA1]  }
0x2b: {  	s6 =	sld [smem:$0x3FA2]  }
0x2c: {  	s7 =	sld [smem:$0x3FA3]  }
0x2d: {  	s3 =	simm.s32 $0x108;
	s8 =	sld [smem:$0x3FA4]  }
0x2e: {  	s3 =	simm.s32 @!p0 $0x1082;
	s9 =	sld [smem:$0x3FA5]  }
0x2f: {  	lr =	sadd.s32 s0, s3;
	s0 =	sld [smem:$0x3F9C]  }
0x30: {  	s3 =	sld [smem:$0x3F9F]  }
0x31: {  	[smem:$0x3FA8] =	sst s10  }
0x32: {  	s10 =	sld [smem:$0x3FA6];
	_ =	sdelay $0x3  }
0x33: {  	p0 =	seq.s32 s10, $0x1;
	s10 =	sld [smem:$0x3FA8];
	_ =	sdelay $0x3  }
0x34: {  	[smem:$0x3FA8] =	sst s10  }
0x35: {  	s10 =	sld [smem:$0x3FA7];
	_ =	sdelay $0x3  }
0x36: {  	p1 =	seq.s32 s10, $0x1;
	s10 =	sld [smem:$0x3FA8];
	_ =	sdelay $0x3  }
0x37: {  	[smem:$0x3FA8] =	sst s10  }
0x38: {  	s10 =	sld [smem:$0x3FA9]  }
0x39: {  	_ = 	snop;
	(pc) =	sbr.ind lr, $3  }
0x3a: {  	_ = 	snop  }
0x3b: {  	_ = 	snop  }
0x3c: {  	p2 =	seq.s32 s10, $0x1;
	s10 =	sld [smem:$0x3FA8]  }
0x3d: {  	_ =	shalt  }
0x3e: {  	_ =	shalt  }
0x3f: {  	_ =	shalt  }
0x40: {  	_ =	shalt  }
0x41: {  	_ =	shalt  }
0x42: {  	_ =	shalt  }
0x43: {  	_ =	shalt  }
0x44: {  	_ =	shalt  }
0x45: {  	_ =	shalt  }
0x46: {  	_ =	shalt  }
0x47: {  	_ =	shalt  }
0x48: {  	_ =	shalt  }
0x49: {  	_ =	shalt  }
0x4a: {  	_ =	shalt  }
0x4b: {  	_ =	shalt  }
0x4c: {  	_ =	shalt  }
0x4d: {  	_ =	shalt  }
0x4e: {  	_ =	shalt  }
0x4f: {  	_ =	shalt  }
0x50: {  	_ =	shalt  }
0x51: {  	_ =	shalt  }
0x52: {  	_ =	shalt  }
0x53: {  	_ =	shalt  }
0x54: {  	_ =	shalt  }
0x55: {  	_ =	shalt  }
0x56: {  	_ =	shalt  }
0x57: {  	_ =	shalt  }
0x58: {  	_ =	shalt  }
0x59: {  	_ =	shalt  }
0x5a: {  	_ =	shalt  }
0x5b: {  	_ =	shalt  }
0x5c: {  	_ =	shalt  }
0x5d: {  	_ =	shalt  }
0x5e: {  	_ =	shalt  }
0x5f: {  	_ =	shalt  }
0x60: {  	_ =	shalt  }
0x61: {  	_ =	shalt  }
0x62: {  	_ =	shalt  }
0x63: {  	_ =	shalt  }
0x64: {  	_ =	shalt  }
0x65: {  	_ =	shalt  }
0x66: {  	_ =	shalt  }
0x67: {  	_ =	shalt  }
0x68: {  	_ =	shalt  }
0x69: {  	_ =	shalt  }
0x6a: {  	_ =	shalt  }
0x6b: {  	_ =	shalt  }
0x6c: {  	_ =	shalt  }
0x6d: {  	_ =	shalt  }
0x6e: {  	_ =	shalt  }
0x6f: {  	_ =	shalt  }
0x70: {  	_ =	shalt  }
0x71: {  	_ =	shalt  }
0x72: {  	_ =	shalt  }
0x73: {  	_ =	shalt  }
0x74: {  	_ =	shalt  }
0x75: {  	_ =	shalt  }
0x76: {  	_ =	shalt  }
0x77: {  	_ =	shalt  }
0x78: {  	_ =	shalt  }
0x79: {  	_ =	shalt  }
0x7a: {  	_ =	shalt  }
0x7b: {  	_ =	shalt  }
0x7c: {  	_ =	shalt  }
0x7d: {  	_ =	shalt  }
0x7e: {  	_ =	shalt  }
0x7f: {  	_ =	shalt  }
0x80: {  	_ =	shalt  }
0x81: {  	_ =	shalt  }
0x82: {  	_ =	shalt  }
0x83: {  	_ =	shalt  }
0x84: {  	_ =	shalt  }
0x85: {  	_ =	shalt  }
0x86: {  	_ =	shalt  }
0x87: {  	_ =	shalt  }
.Lfunc_end0:
.L_simem_size_0:
called_computation.4_lowered:
.L_overlay_start_0:
0x88: {  	s2 =	sld [smem:$0x3FD9]  }
0x89: {  	s3 =	sld [smem:$0x3FFE];
	_ =	sdelay $0x1  }
0x8a: {  	s1 =	srdreg.scid  }
0x8b: {  	s0 =	sand.u32 $0x1, s1  }
0x8c: {  	s17 =	sshll.u32 s0, $0xA;
	s2 =	sadd.s32 s3, s2  }
0x8d: {  	s2 =	sadd.s32 s2, s17  }
0x8e: {  	[smem:$0x3FB4] =	sst s2  }
0x8f: {  	_ = 	snop  }
0x90: {  	s2 =	sld [smem:$0x3FC9];
	(tm) =	ssettm $0x1  }
0x91: {  	s18 =	sld [smem:$0x3FFB];
	_ =	sdelay $0x3  }
0x92: {  	_ =	strace s18  }
0x93: {  	s3 =	sld [smem:$0x3FFC];
	_ =	sdelay $0x3  }
0x94: {  	_ =	strace s3  }
0x95: {  	s3 =	sld [smem:$0x3FFD];
	_ =	sdelay $0x3  }
0x96: {  	_ =	strace s3  }
0x97: {  	_ =	strace $0x8FFFFFFF  }
0x98: {  	s19 =	sld [smem:$0x3FDB];
	_ =	sdelay $0x1  }
0x99: {  	s4 =	simm.s32 $_scs_section_size  }
0x9a: {  	s5 =	simm.s32 $_size__tile_overlayer_lowered;
	s6 =	simm.s32 $_tile_overlayer_lowered  }
0x9b: {  	s22 =	simm.s32 $0x1BFF;
	s21 =	sshll.u32 s6, $0x1;
	s3 =	sadd.s32 s4, s19  }
0x9c: {  	s7 =	simm.s32 $0x0;
	s20 =	sshll.u32 s5, $0x1;
	s5 =	sadd.s32 s21, s3  }
0x9d: {  	[timem:s7], [sflag:s22] =	dma.local [hbm:s5], s20  }
0x9e: {  	_ =	swait.ge [sflag:s22], s20  }
0x9f: {  	s4 =	ssub.s32 $0x0, s20;
	[sflag:s22] =	ssyncset.done $0x0  }
0xa0: {  	[sflag:s22] =	ssyncadd.s32 s4;
	_ =	sdelay $0x1  }
0xa1: {  	s23 =	simm.s32 $0x1B8B  }
0xa2: {  	_ =	swait.ge [sflag:s23], $0x1  }
0xa3: {  	[sflag:s23] =	ssyncset.done $0x0  }
0xa4: {  	s25 =	simm.s32 $0x1B8E;
	s24 =	sld [smem:$0x3FFE];
	[sflag:s23] =	ssyncadd.s32 $0xFFFFFFFF  }
0xa5: {  	s26 =	simm.s32 $execute0_lowered;
	[smem:$0x3FD2] =	sst s25  }
0xa6: {  	s5 =	sshll.u32 s26, $0x1;
	_ =	strace $0x80000052;
	[dreg:$0x1] =	wrdreg $0xFFFFFFFF  }
0xa7: {  	s28 =	simm.s32 $_size_execute0_lowered;
	s3 =	sadd.s32 s3, s5;
	[dreg:$0x0] =	wrdreg $0x0  }
0xa8: {  	s5 =	sshll.u32 s28, $0x1;
	[dreg:$0x2] =	wrdreg s3  }
0xa9: {  	[dreg:$0x3] =	wrdreg s5  }
0xaa: {  	[dreg:$0x4] =	wrdreg $0xC0  }
0xab: {  	_ =	task [dreg:s7], $0x5FFFF  }
0xac: {  	[dreg:$0x1] =	wrdreg $0xFFFFFFFF  }
0xad: {  	[dreg:$0x0] =	wrdreg $0x60  }
0xae: {  	[dreg:$0x2] =	wrdreg s2  }
0xaf: {  	[dreg:$0x3] =	wrdreg s24  }
0xb0: {  	[dreg:$0x4] =	wrdreg $0x98000  }
0xb1: {  	[dreg:$0x5] =	wrdreg $0x9  }
0xb2: {  	_ =	task.clear_ibuf [dreg:s7], $0x6FFFF;
	_ =	strace $0x90000052  }
0xb3: {  	s29 =	simm.s32 $0x9;
	_ =	strace $0x80000054  }
0xb4: {  	_ =	swait.ge [sflag:s29], $0x1  }
0xb5: {  	[sflag:s29] =	ssyncadd.s32 $0xFFFFFFFF  }
0xb6: {  	_ =	strace $0x90000054  }
0xb7: {  	_ =	sfence  }
0xb8: {  	s30 =	sld [smem:$0x0];
	_ =	sdelay $0x2  }
0xb9: {  	s31 =	sshll.u32 s1, $0xD;
	s1 =	sshrl.u32 s1, $0x2  }
0xba: {  	s3 =	sand.u32 $0x4000, s31;
	s1 =	sadd.s32 s1, s30  }
0xbb: {  	s0 =	sor.u32 s3, s0;
	s1 =	sshll.u32 s1, $0x11  }
0xbc: {  	s0 =	sor.u32 s1, s0  }
0xbd: {  	s0 =	sadd.s32 $0x8F2B, s0  }
0xbe: {  	[sflag:s0] =	ssyncadd.remote.s32 $0x1  }
0xbf: {  	_ =	sfence.sel $0xFFFF  }
0xc0: {  	[dreg:$0x0] =	wrdreg $0xFFFFFFFF;
	(pc) =	sbr.abs _section_cstart, $3  }
0xc1: {  	[dreg:$0x1] =	wrdreg $0xFFFFFFFF  }
0xc2: {  	_ =	task.clear_ibuf [dreg:s7], $0x2FFFF;
	_ =	strace $0x9FFFFFFF  }
0xc3: {  	(tm) =	ssettm $0x7FFFFFFF  }
tec
execute0_lowered:
.L_overlay_start_1:
0x0: {  	(tag) =	ssettag $0x1  }
0x1: {  	s1 =	rddreg [dreg:$0x0]  }
0x2: {  	s2 =	srdreg.scid;
	s6 =	rddreg [dreg:$0x1]  }
0x3: {  	s0 =	stileid.u32;
	s3 =	rddreg [dreg:$0x2]  }
0x4: {  	s4 =	simm.s32 $0x0;
	s14 =	simm.s32 $0x80;
	s15 =	simm.s32 $0x5800  }
0x5: {  	s16 =	simm.s32 $0x1;
	s17 =	simm.s32 $0x0;
	s5 =	sand.u32 $0x1, s2  }
0x6: {  	s30 =	sshll.u32 s0, $0x1;
	s8 =	smul.u32 $0x14000, s0;
	[smem:$0x7FF] =	sst s4  }
0x7: {  	s31 =	smul.u32 $0x50000, s0;
	s12 =	sshll.u32 s0, $0x6;
	s2 =	sor.u32 s5, s30  }
0x8: {  	s9 =	smul.u32 $0x140000, s5;
	s5 =	ssub.s32 $0x2, s5;
	s12 =	sor.u32 $0x1C02, s12  }
0x9: {  	s7 =	smul.u32 $0x580, s2;
	s2 =	rddreg [dreg:$0x3];
	_ =	strace $0x80000053  }
0xa: {  	s10 =	sshrl.u32 s8, $0x3;
	s11 =	sshrl.u32 s5, $0x1;
	s8 =	sadd.s32 s8, s9  }
0xb: {  	s10 =	sadd.s32 s10, s6;
	s11 =	ssub.s32 s5, s11;
	s9 =	sshrl.u32 s31, $0x2  }
0xc: {  	s7 =	sadd.s32 s7, s6;
	s8 =	sshrl.u32 s8, $0x3;
	s13 =	sadd.s32 s9, s3  }
0xd: {  	s9 =	smax.u32 s11, $0x1;
	s11 =	simm.s32 $0x2C00;
	s8 =	sadd.s32 s8, s6  }
0xe: {  	s5 =	sadd.s32 $0x12600, s7;
	s6 =	sadd.s32 $0x7600, s7;
	s7 =	sadd.s32 $0x1D600, s10  }
0xf: {  	s10 =	simm.s32 $0x2;
	s13 =	sshrl.u32 s13, $0x3;
	s8 =	sadd.s32 $0x45600, s8  }
.LBB2_1:
0x10: {  	[tilespmem:s4], [sflag:$0x2] =	stream.linear.gather [hbm4b:s5+s4], $0x2A00, $0x38;
	[tilespmem:$0x1D800] =	vst v63  }
0x11: {  	_ =	swait.ge [sflag:s10], $0x2A00  }
0x12: {  	[sflag:s10] =	ssyncset.done $0x0  }
0x13: {  	[sflag:s10] =	ssyncadd.s32 $0xFFFFD600  }
0x14: {  	[tilespmem:s11], [sflag:$0x2] =	stream.linear.gather [hbm4b:s6+s4], $0x2A00, $0x38;
	[tilespmem:$0x1D800] =	vst v63  }
0x15: {  	_ =	swait.ge [sflag:s10], $0x2A00  }
0x16: {  	[sflag:s10] =	ssyncset.done $0x0  }
0x17: {  	[sflag:s10] =	ssyncadd.s32 $0xFFFFD600  }
0x18: {  	[spmem:s13], [sflag:s12] =	dma.local [hbm:s7], $0x2800  }
0x19: {  	_ =	swait.ge [sflag:s10], $0x2800  }
0x1a: {  	[sflag:s10] =	ssyncset.done $0x0  }
0x1b: {  	[sflag:s10] =	ssyncadd.s32 $0xFFFFD800  }
0x1c: {  	s18 =	simm.s32 $0x0;
	[bflag:$0x0] =	sbarrier.arrive $0xFFFF  }
0x1d: {  	[tilespmem:s15], [sflag:$0x1] =	stream.indirect.gather [hbm4b:s1+s14], $0x80, s18, s14, $0xb8;
	[tilespmem:$0x1D800] =	vst v63  }
0x1e: {  	_ =	swait.ge [sflag:s16], $0x4000  }
0x1f: {  	[sflag:s16] =	ssyncset.done $0x0  }
0x20: {  	s31 =	simm.s32 $0x2C00;
	[sflag:s16] =	ssyncadd.s32 $0xFFFFC000  }
0x21: {  	[spmem:s3] =	stream.indirect.scatter.add.f32 [tilespmem:s15], [sflag:$0x2], $0x80, s31, s14, $0xb8;
	[tilespmem:$0x1D800] =	vst v63  }
0x22: {  	_ =	swait.ge [sflag:s10], $0x4000  }
0x23: {  	s19 =	simm.s32 $0x400;
	s18 =	simm.s32 $0x200;
	[sflag:s10] =	ssyncset.done $0x0  }
.LBB2_2:
0x24: {  	s20 =	sshra.s32 s18, $0x2  }
0x25: {  	[sflag:s10] =	ssyncadd.s32 $0xFFFFC000;
	s18 =	smov.u32 s19;
	s21 =	sadd.s32 $0x200, s19  }
0x26: {  	[tilespmem:s15], [sflag:$0x1] =	stream.indirect.gather [hbm4b:s1+s14], $0x80, s20, s14, $0xb8;
	[tilespmem:$0x1D800] =	vst v63  }
0x27: {  	p0 =	sne.s32 s19, $0xA600;
	_ =	swait.ge [sflag:s16], $0x4000  }
.Ltmp0:
0x28: {  	[sflag:s16] =	ssyncset.done $0x0;
	(pc) =	sbr.rel @p0 .LBB2_2-.Ltmp0, $4  }
0x29: {  	s19 =	sadd.s32 $0x2C00, s20;
	[sflag:s16] =	ssyncadd.s32 $0xFFFFC000  }
0x2a: {  	[spmem:s3] =	stream.indirect.scatter.add.f32 [tilespmem:s15], [sflag:$0x2], $0x80, s19, s14, $0xb8;
	[tilespmem:$0x1D800] =	vst v63  }
0x2b: {  	_ =	swait.ge [sflag:s10], $0x4000  }
0x2c: {  	s19 =	smov.u32 s21;
	[sflag:s10] =	ssyncset.done $0x0  }
0x2d: {  	s18 =	sshra.s32 s18, $0x2;
	[sflag:s10] =	ssyncadd.s32 $0xFFFFC000  }
0x2e: {  	[tilespmem:s15], [sflag:$0x1] =	stream.indirect.gather [hbm4b:s1+s14], $0x80, s18, s14, $0xb8;
	[tilespmem:$0x1D800] =	vst v63  }
0x2f: {  	_ =	swait.ge [sflag:s16], $0x4000  }
0x30: {  	[sflag:s16] =	ssyncset.done $0x0  }
0x31: {  	s18 =	sadd.s32 $0x2C00, s18;
	[sflag:s16] =	ssyncadd.s32 $0xFFFFC000  }
0x32: {  	[spmem:s3] =	stream.indirect.scatter.add.f32 [tilespmem:s15], [sflag:$0x2], $0x80, s18, s14, $0xb8;
	[tilespmem:$0x1D800] =	vst v63  }
0x33: {  	_ =	swait.ge [sflag:s10], $0x4000  }
0x34: {  	s17 =	sadd.s32 $0x1, s17;
	[sflag:s10] =	ssyncset.done $0x0  }
0x35: {  	p0 =	sne.s32 s17, s9;
	[sflag:s10] =	ssyncadd.s32 $0xFFFFC000  }
.Ltmp1:
0x36: {  	[bflag:$0x0] =	sbarrier.arrive $0xFFFF;
	(pc) =	sbr.rel @p0 .LBB2_1-.Ltmp1, $4  }
0x37: {  	[hbm:s8], [sflag:s12] =	dma.local [spmem:s13], $0x2800  }
0x38: {  	_ =	swait.ge [sflag:s10], $0x2800  }
0x39: {  	[sflag:s10] =	ssyncset.done $0x0  }
0x3a: {  	[sflag:s10] =	ssyncadd.s32 $0xFFFFD800  }
0x3b: {  	_ =	sfence.sel $0x180000  }
0x3c: {  	[bflag:$0x0] =	sbarrier.arrive $0xFFFF  }
0x3d: {  	p0 =	sne.s32 s0, $0x0;
	_ =	strace $0x90000053  }
0x3e: {  	s0 =	sadd.s32 @!p0 $0x100000, s2;
	[bflag:$0x2] =	sbarrier.arrive $0xFFFF  }
0x3f: {  	[sflag:s0] =	ssyncadd.tile.s32 @!p0 $0x1;
	_ =	shalt  }
.Lfunc_end2:
_tile_overlayer_lowered:
.L_overlay_start_2:
0x40: {  	(tag) =	ssettag $0x2  }
0x41: {  	s0 =	rddreg [dreg:$0x0];
	s2 =	stileid.u32  }
0x42: {  	s1 =	rddreg [dreg:$0x1];
	p0 =	sne.s32 s2, $0x0  }
0x43: {  	s3 =	rddreg [dreg:$0x2];
	[bflag:$0x3] =	sbarrier.arrive $0xFFFF;
	s2 =	simm.s32 @!p0 $0x1C02  }
0x44: {  	[timem:s3], [sflag:s2] =	dma.local @!p0 [hbm:s0], s1  }
0x45: {  	s0 =	simm.s32 @!p0 $0x2  }
0x46: {  	_ =	swait.ge @!p0 [sflag:s0], s1  }
0x47: {  	s1 =	ssub.s32 @!p0 $0x0, s1;
	[sflag:s0] =	ssyncset.done @!p0 $0x0  }
0x48: {  	[sflag:s0] =	ssyncadd.s32 @!p0 s1  }
0x49: {  	[bflag:$0x3] =	sbarrier.arrive $0xFFFF  }
0x4a: {  	_ =	shalt  }

// kernel: kernel.16.cloned.1.call-start
scs
__scs_entry_jumppad:
0x0: {  	(pc) =	sbr.rel $0x88, $3  }
0x1: {  	(tag) =	ssettag $0x0;
	lr =	simm.s32 $0x1  }
0x2: {  	[smem:$0x3F8D] =	sst lr;
	_ =	strace $0xD0000000  }
0x3: {  	_ = 	snop  }
0x4: {  	_ = 	snop  }
0x5: {  	_ = 	snop  }
0x6: {  	_ = 	snop  }
0x7: {  	_ = 	snop  }
__scs_overlays_trampoline_lowered:
0x8: {  	[smem:$0x3F9C] =	sst s0  }
0x9: {  	[smem:$0x3F9D] =	sst s1  }
0xa: {  	[smem:$0x3F9E] =	sst s2  }
0xb: {  	[smem:$0x3F9F] =	sst s3  }
0xc: {  	[smem:$0x3FA0] =	sst s4  }
0xd: {  	[smem:$0x3FA1] =	sst s5  }
0xe: {  	[smem:$0x3FA2] =	sst s6  }
0xf: {  	[smem:$0x3FA3] =	sst s7  }
0x10: {  	[smem:$0x3FA4] =	sst s8  }
0x11: {  	[smem:$0x3FA5] =	sst s9;
	s0 =	simm.s32 @!p0 $0x0  }
0x12: {  	s1 =	sld [smem:$0x3F8B];
	s0 =	simm.s32 @p0 $0x1  }
0x13: {  	[smem:$0x3FA6] =	sst s0;
	s0 =	simm.s32 @!p1 $0x0  }
0x14: {  	s2 =	sld [smem:$0x3F8A];
	s0 =	simm.s32 @p1 $0x1  }
0x15: {  	[smem:$0x3FA7] =	sst s0;
	s0 =	simm.s32 @!p2 $0x0  }
0x16: {  	s3 =	sld [smem:$0x3FDB];
	s0 =	simm.s32 @p2 $0x1  }
0x17: {  	s4 =	simm.s32 $0x1BF5;
	[smem:$0x3FA9] =	sst s0  }
0x18: {  	s0 =	sld [smem:$0x3F8C];
	_ =	swait.ge [sflag:s4], $0x0  }
0x19: {  	s7 =	sld [smem:$0x3F8D]  }
0x1a: {  	s8 =	sadd.s32 $0xFFFFE003, lr  }
0x1b: {  	s9 =	sadd.s32 $0xFFFFFEF7, lr;
	s5 =	simm.s32 $0xFFFFFFFF;
	p2 =	slt.u32 s8, $0xFFFFF086  }
0x1c: {  	p1 =	slt.u32 s9, $0xF7A;
	s5 =	simm.s32 @!p2 $0x0  }
0x1d: {  	s5 =	simm.s32 @p1 $0x1;
	p0 =	seq.s32 s7, s2  }
0x1e: {  	s7 =	smul.u32 @!p0 $0xF7A, s2;
	p2 =	seq.s32 @!p0 s5, $0x0  }
0x1f: {  	s9 =	smul.u32 $0xF7A, s1;
	s8 =	simm.s32 @!p0 $0x1BF5;
	p2 =	por !p2, p0  }
0x20: {  	[sflag:s8] =	ssyncset.s32 @!p0 $0xFFFFF086;
	s6 =	sadd.s32 @!p0 s3, s7;
	s7 =	simm.s32 @!p0 $0x108  }
0x21: {  	s3 =	sadd.s32 s3, s9;
	s6 =	sadd.s32 @!p0 $0x88, s6;
	s7 =	simm.s32 @p2 $0x1082  }
0x22: {  	[simem:s7], [sflag:s8] =	dma.local @!p0 [hbm:s6], $0xF7A  }
0x23: {  	s9 =	sor.u32 $0xD0000000, s2;
	s6 =	simm.s32 $0x108;
	_ =	swait.ge @!p0 [sflag:s8], $0x0  }
0x24: {  	s3 =	sadd.s32 $0x88, s3;
	s6 =	simm.s32 @!p1 $0x1082;
	[sflag:s4] =	ssyncset.s32 $0xFFFFF086  }
0x25: {  	[simem:s6], [sflag:s4] =	dma.local [hbm:s3], $0xF7A  }
0x26: {  	[smem:$0x3F8D] =	sst s1;
	(tag) =	ssettag s2;
	_ =	strace s9  }
0x27: {  	s1 =	sld [smem:$0x3F9D]  }
0x28: {  	s2 =	sld [smem:$0x3F9E]  }
0x29: {  	s4 =	sld [smem:$0x3FA0]  }
0x2a: {  	p0 =	seq.s32 s5, $0x0;
	s5 =	sld [smem:$0x3FA1]  }
0x2b: {  	s6 =	sld [smem:$0x3FA2]  }
0x2c: {  	s7 =	sld [smem:$0x3FA3]  }
0x2d: {  	s3 =	simm.s32 $0x108;
	s8 =	sld [smem:$0x3FA4]  }
0x2e: {  	s3 =	simm.s32 @!p0 $0x1082;
	s9 =	sld [smem:$0x3FA5]  }
0x2f: {  	lr =	sadd.s32 s0, s3;
	s0 =	sld [smem:$0x3F9C]  }
0x30: {  	s3 =	sld [smem:$0x3F9F]  }
0x31: {  	[smem:$0x3FA8] =	sst s10  }
0x32: {  	s10 =	sld [smem:$0x3FA6];
	_ =	sdelay $0x3  }
0x33: {  	p0 =	seq.s32 s10, $0x1;
	s10 =	sld [smem:$0x3FA8];
	_ =	sdelay $0x3  }
0x34: {  	[smem:$0x3FA8] =	sst s10  }
0x35: {  	s10 =	sld [smem:$0x3FA7];
	_ =	sdelay $0x3  }
0x36: {  	p1 =	seq.s32 s10, $0x1;
	s10 =	sld [smem:$0x3FA8];
	_ =	sdelay $0x3  }
0x37: {  	[smem:$0x3FA8] =	sst s10  }
0x38: {  	s10 =	sld [smem:$0x3FA9]  }
0x39: {  	_ = 	snop;
	(pc) =	sbr.ind lr, $3  }
0x3a: {  	_ = 	snop  }
0x3b: {  	_ = 	snop  }
0x3c: {  	p2 =	seq.s32 s10, $0x1;
	s10 =	sld [smem:$0x3FA8]  }
0x3d: {  	_ =	shalt  }
0x3e: {  	_ =	shalt  }
0x3f: {  	_ =	shalt  }
0x40: {  	_ =	shalt  }
0x41: {  	_ =	shalt  }
0x42: {  	_ =	shalt  }
0x43: {  	_ =	shalt  }
0x44: {  	_ =	shalt  }
0x45: {  	_ =	shalt  }
0x46: {  	_ =	shalt  }
0x47: {  	_ =	shalt  }
0x48: {  	_ =	shalt  }
0x49: {  	_ =	shalt  }
0x4a: {  	_ =	shalt  }
0x4b: {  	_ =	shalt  }
0x4c: {  	_ =	shalt  }
0x4d: {  	_ =	shalt  }
0x4e: {  	_ =	shalt  }
0x4f: {  	_ =	shalt  }
0x50: {  	_ =	shalt  }
0x51: {  	_ =	shalt  }
0x52: {  	_ =	shalt  }
0x53: {  	_ =	shalt  }
0x54: {  	_ =	shalt  }
0x55: {  	_ =	shalt  }
0x56: {  	_ =	shalt  }
0x57: {  	_ =	shalt  }
0x58: {  	_ =	shalt  }
0x59: {  	_ =	shalt  }
0x5a: {  	_ =	shalt  }
0x5b: {  	_ =	shalt  }
0x5c: {  	_ =	shalt  }
0x5d: {  	_ =	shalt  }
0x5e: {  	_ =	shalt  }
0x5f: {  	_ =	shalt  }
0x60: {  	_ =	shalt  }
0x61: {  	_ =	shalt  }
0x62: {  	_ =	shalt  }
0x63: {  	_ =	shalt  }
0x64: {  	_ =	shalt  }
0x65: {  	_ =	shalt  }
0x66: {  	_ =	shalt  }
0x67: {  	_ =	shalt  }
0x68: {  	_ =	shalt  }
0x69: {  	_ =	shalt  }
0x6a: {  	_ =	shalt  }
0x6b: {  	_ =	shalt  }
0x6c: {  	_ =	shalt  }
0x6d: {  	_ =	shalt  }
0x6e: {  	_ =	shalt  }
0x6f: {  	_ =	shalt  }
0x70: {  	_ =	shalt  }
0x71: {  	_ =	shalt  }
0x72: {  	_ =	shalt  }
0x73: {  	_ =	shalt  }
0x74: {  	_ =	shalt  }
0x75: {  	_ =	shalt  }
0x76: {  	_ =	shalt  }
0x77: {  	_ =	shalt  }
0x78: {  	_ =	shalt  }
0x79: {  	_ =	shalt  }
0x7a: {  	_ =	shalt  }
0x7b: {  	_ =	shalt  }
0x7c: {  	_ =	shalt  }
0x7d: {  	_ =	shalt  }
0x7e: {  	_ =	shalt  }
0x7f: {  	_ =	shalt  }
0x80: {  	_ =	shalt  }
0x81: {  	_ =	shalt  }
0x82: {  	_ =	shalt  }
0x83: {  	_ =	shalt  }
0x84: {  	_ =	shalt  }
0x85: {  	_ =	shalt  }
0x86: {  	_ =	shalt  }
0x87: {  	_ =	shalt  }
.Lfunc_end0:
.L_simem_size_0:
called_computation.5_lowered:
.L_overlay_start_0:
0x88: {  	s2 =	sld [smem:$0x3FD9]  }
0x89: {  	s3 =	sld [smem:$0x3FFE];
	_ =	sdelay $0x1  }
0x8a: {  	s1 =	srdreg.scid  }
0x8b: {  	s0 =	sand.u32 $0x1, s1  }
0x8c: {  	s16 =	sshll.u32 s0, $0xA;
	s2 =	sadd.s32 s3, s2  }
0x8d: {  	s2 =	sadd.s32 s2, s16  }
0x8e: {  	[smem:$0x3FB4] =	sst s2  }
0x8f: {  	_ = 	snop  }
0x90: {  	(tm) =	ssettm $0x1  }
0x91: {  	s17 =	sld [smem:$0x3FFB];
	_ =	sdelay $0x3  }
0x92: {  	_ =	strace s17  }
0x93: {  	s2 =	sld [smem:$0x3FFC];
	_ =	sdelay $0x3  }
0x94: {  	_ =	strace s2  }
0x95: {  	s2 =	sld [smem:$0x3FFD];
	_ =	sdelay $0x3  }
0x96: {  	_ =	strace s2  }
0x97: {  	_ =	strace $0x8FFFFFFF  }
0x98: {  	s18 =	sld [smem:$0x3FDB];
	_ =	sdelay $0x1  }
0x99: {  	s19 =	simm.s32 $_scs_section_size  }
0x9a: {  	s4 =	simm.s32 $_size__tile_overlayer_lowered;
	s5 =	simm.s32 $_tile_overlayer_lowered  }
0x9b: {  	s22 =	simm.s32 $0x1BFF;
	s21 =	sshll.u32 s5, $0x1;
	s2 =	sadd.s32 s19, s18  }
0x9c: {  	s6 =	simm.s32 $0x0;
	s20 =	sshll.u32 s4, $0x1;
	s4 =	sadd.s32 s21, s2  }
0x9d: {  	[timem:s6], [sflag:s22] =	dma.local [hbm:s4], s20  }
0x9e: {  	_ =	swait.ge [sflag:s22], s20  }
0x9f: {  	s3 =	ssub.s32 $0x0, s20;
	[sflag:s22] =	ssyncset.done $0x0  }
0xa0: {  	[sflag:s22] =	ssyncadd.s32 s3;
	_ =	sdelay $0x1  }
0xa1: {  	s23 =	simm.s32 $0x1B8B  }
0xa2: {  	_ =	swait.ge [sflag:s23], $0x1  }
0xa3: {  	[sflag:s23] =	ssyncset.done $0x0  }
0xa4: {  	s25 =	simm.s32 $0x1B8E;
	s24 =	sld [smem:$0x3FFE];
	[sflag:s23] =	ssyncadd.s32 $0xFFFFFFFF  }
0xa5: {  	s26 =	simm.s32 $execute0_lowered;
	[smem:$0x3FD2] =	sst s25  }
0xa6: {  	s4 =	sshll.u32 s26, $0x1;
	_ =	strace $0x80000055;
	[dreg:$0x1] =	wrdreg $0xFFFFFFFF  }
0xa7: {  	s28 =	simm.s32 $_size_execute0_lowered;
	s2 =	sadd.s32 s2, s4;
	[dreg:$0x0] =	wrdreg $0x0  }
0xa8: {  	s4 =	sshll.u32 s28, $0x1;
	[dreg:$0x2] =	wrdreg s2  }
0xa9: {  	[dreg:$0x3] =	wrdreg s4  }
0xaa: {  	[dreg:$0x4] =	wrdreg $0xC0  }
0xab: {  	_ =	task [dreg:s6], $0x5FFFF  }
0xac: {  	[dreg:$0x1] =	wrdreg $0xFFFFFFFF  }
0xad: {  	[dreg:$0x0] =	wrdreg $0x60  }
0xae: {  	[dreg:$0x2] =	wrdreg s24  }
0xaf: {  	[dreg:$0x3] =	wrdreg $0x98000  }
0xb0: {  	[dreg:$0x4] =	wrdreg $0x9  }
0xb1: {  	_ =	task.clear_ibuf [dreg:s6], $0x5FFFF;
	_ =	strace $0x90000055  }
0xb2: {  	s29 =	simm.s32 $0x9;
	_ =	strace $0x80000057  }
0xb3: {  	_ =	swait.ge [sflag:s29], $0x1  }
0xb4: {  	[sflag:s29] =	ssyncadd.s32 $0xFFFFFFFF  }
0xb5: {  	_ =	strace $0x90000057  }
0xb6: {  	_ =	sfence  }
0xb7: {  	s30 =	sld [smem:$0x0];
	_ =	sdelay $0x2  }
0xb8: {  	s31 =	sshll.u32 s1, $0xD;
	s1 =	sshrl.u32 s1, $0x2  }
0xb9: {  	s3 =	sand.u32 $0x4000, s31;
	s1 =	sadd.s32 s1, s30  }
0xba: {  	s0 =	sor.u32 s3, s0;
	s1 =	sshll.u32 s1, $0x11  }
0xbb: {  	s0 =	sor.u32 s1, s0  }
0xbc: {  	s0 =	sadd.s32 $0x8F2B, s0  }
0xbd: {  	[sflag:s0] =	ssyncadd.remote.s32 $0x1  }
0xbe: {  	_ =	sfence.sel $0xFFFF  }
0xbf: {  	[dreg:$0x0] =	wrdreg $0xFFFFFFFF;
	(pc) =	sbr.abs _section_cstart, $3  }
0xc0: {  	[dreg:$0x1] =	wrdreg $0xFFFFFFFF  }
0xc1: {  	_ =	task.clear_ibuf [dreg:s6], $0x2FFFF;
	_ =	strace $0x9FFFFFFF  }
0xc2: {  	(tm) =	ssettm $0x7FFFFFFF  }
0xc3: {  	_ =	shalt  }
tec
execute0_lowered:
.L_overlay_start_1:
0x0: {  	(tag) =	ssettag $0x1  }
0x1: {  	s1 =	srdreg.scid;
	s5 =	rddreg [dreg:$0x0]  }
0x2: {  	s0 =	stileid.u32;
	s2 =	rddreg [dreg:$0x1];
	s3 =	simm.s32 $0x0  }
0x3: {  	s14 =	simm.s32 $0x80;
	s15 =	simm.s32 $0x5800;
	s16 =	simm.s32 $0x1  }
0x4: {  	s17 =	simm.s32 $0x0;
	s6 =	sand.u32 $0x1, s1;
	s1 =	rddreg [dreg:$0x2]  }
0x5: {  	s30 =	sshll.u32 s0, $0x1;
	[smem:$0x7FF] =	sst s3;
	s8 =	smul.u32 $0x14000, s0  }
0x6: {  	s31 =	smul.u32 $0x50000, s0;
	s12 =	sshll.u32 s0, $0x6;
	s4 =	sor.u32 s6, s30  }
0x7: {  	_ =	strace $0x80000056;
	s9 =	smul.u32 $0x140000, s6;
	s6 =	ssub.s32 $0x2, s6  }
0x8: {  	s12 =	sor.u32 $0x1C02, s12;
	s7 =	smul.u32 $0x580, s4;
	s4 =	sadd.s32 $0x45600, s5  }
0x9: {  	s10 =	sshrl.u32 s8, $0x3;
	s11 =	sshrl.u32 s6, $0x1;
	s8 =	sadd.s32 s8, s9  }
0xa: {  	s10 =	sadd.s32 s10, s5;
	s11 =	ssub.s32 s6, s11;
	s9 =	sshrl.u32 s31, $0x2  }
0xb: {  	s7 =	sadd.s32 s7, s5;
	s8 =	sshrl.u32 s8, $0x3;
	s13 =	sadd.s32 s9, s2  }
0xc: {  	s9 =	smax.u32 s11, $0x1;
	s11 =	simm.s32 $0x2C00;
	s8 =	sadd.s32 s8, s5  }
0xd: {  	s5 =	sadd.s32 $0x12600, s7;
	s6 =	sadd.s32 $0x7600, s7;
	s7 =	sadd.s32 $0x1D600, s10  }
0xe: {  	s10 =	simm.s32 $0x2;
	s13 =	sshrl.u32 s13, $0x3;
	s8 =	sadd.s32 $0x6C800, s8  }
.LBB2_1:
0xf: {  	[tilespmem:s3], [sflag:$0x2] =	stream.linear.gather [hbm4b:s5+s3], $0x2A00, $0x38;
	[tilespmem:$0x1D800] =	vst v63  }
0x10: {  	_ =	swait.ge [sflag:s10], $0x2A00  }
0x11: {  	[sflag:s10] =	ssyncset.done $0x0  }
0x12: {  	[sflag:s10] =	ssyncadd.s32 $0xFFFFD600  }
0x13: {  	[tilespmem:s11], [sflag:$0x2] =	stream.linear.gather [hbm4b:s6+s3], $0x2A00, $0x38;
	[tilespmem:$0x1D800] =	vst v63  }
0x14: {  	_ =	swait.ge [sflag:s10], $0x2A00  }
0x15: {  	[sflag:s10] =	ssyncset.done $0x0  }
0x16: {  	[sflag:s10] =	ssyncadd.s32 $0xFFFFD600  }
0x17: {  	[spmem:s13], [sflag:s12] =	dma.local [hbm:s7], $0x2800  }
0x18: {  	_ =	swait.ge [sflag:s10], $0x2800  }
0x19: {  	[sflag:s10] =	ssyncset.done $0x0  }
0x1a: {  	[sflag:s10] =	ssyncadd.s32 $0xFFFFD800  }
0x1b: {  	s18 =	simm.s32 $0x0;
	[bflag:$0x0] =	sbarrier.arrive $0xFFFF  }
0x1c: {  	[tilespmem:s15], [sflag:$0x1] =	stream.indirect.gather [hbm4b:s4+s14], $0x80, s18, s14, $0xb8;
	[tilespmem:$0x1D800] =	vst v63  }
0x1d: {  	_ =	swait.ge [sflag:s16], $0x4000  }
0x1e: {  	[sflag:s16] =	ssyncset.done $0x0  }
0x1f: {  	s31 =	simm.s32 $0x2C00;
	[sflag:s16] =	ssyncadd.s32 $0xFFFFC000  }
0x20: {  	[spmem:s2] =	stream.indirect.scatter.add.f32 [tilespmem:s15], [sflag:$0x2], $0x80, s31, s14, $0xb8;
	[tilespmem:$0x1D800] =	vst v63  }
0x21: {  	_ =	swait.ge [sflag:s10], $0x4000  }
0x22: {  	s19 =	simm.s32 $0x400;
	s18 =	simm.s32 $0x200;
	[sflag:s10] =	ssyncset.done $0x0  }
.LBB2_2:
0x23: {  	s20 =	sshra.s32 s18, $0x2  }
0x24: {  	[sflag:s10] =	ssyncadd.s32 $0xFFFFC000;
	s18 =	smov.u32 s19;
	s21 =	sadd.s32 $0x200, s19  }
0x25: {  	[tilespmem:s15], [sflag:$0x1] =	stream.indirect.gather [hbm4b:s4+s14], $0x80, s20, s14, $0xb8;
	[tilespmem:$0x1D800] =	vst v63  }
0x26: {  	p0 =	sne.s32 s19, $0xA600;
	_ =	swait.ge [sflag:s16], $0x4000  }
.Ltmp0:
0x27: {  	[sflag:s16] =	ssyncset.done $0x0;
	(pc) =	sbr.rel @p0 .LBB2_2-.Ltmp0, $4  }
0x28: {  	s19 =	sadd.s32 $0x2C00, s20;
	[sflag:s16] =	ssyncadd.s32 $0xFFFFC000  }
0x29: {  	[spmem:s2] =	stream.indirect.scatter.add.f32 [tilespmem:s15], [sflag:$0x2], $0x80, s19, s14, $0xb8;
	[tilespmem:$0x1D800] =	vst v63  }
0x2a: {  	_ =	swait.ge [sflag:s10], $0x4000  }
0x2b: {  	s19 =	smov.u32 s21;
	[sflag:s10] =	ssyncset.done $0x0  }
0x2c: {  	s18 =	sshra.s32 s18, $0x2;
	[sflag:s10] =	ssyncadd.s32 $0xFFFFC000  }
0x2d: {  	[tilespmem:s15], [sflag:$0x1] =	stream.indirect.gather [hbm4b:s4+s14], $0x80, s18, s14, $0xb8;
	[tilespmem:$0x1D800] =	vst v63  }
0x2e: {  	_ =	swait.ge [sflag:s16], $0x4000  }
0x2f: {  	[sflag:s16] =	ssyncset.done $0x0  }
0x30: {  	s18 =	sadd.s32 $0x2C00, s18;
	[sflag:s16] =	ssyncadd.s32 $0xFFFFC000  }
0x31: {  	[spmem:s2] =	stream.indirect.scatter.add.f32 [tilespmem:s15], [sflag:$0x2], $0x80, s18, s14, $0xb8;
	[tilespmem:$0x1D800] =	vst v63  }
0x32: {  	_ =	swait.ge [sflag:s10], $0x4000  }
0x33: {  	s17 =	sadd.s32 $0x1, s17;
	[sflag:s10] =	ssyncset.done $0x0  }
0x34: {  	p0 =	sne.s32 s17, s9;
	[sflag:s10] =	ssyncadd.s32 $0xFFFFC000  }
.Ltmp1:
0x35: {  	[bflag:$0x0] =	sbarrier.arrive $0xFFFF;
	(pc) =	sbr.rel @p0 .LBB2_1-.Ltmp1, $4  }
0x36: {  	[hbm:s8], [sflag:s12] =	dma.local [spmem:s13], $0x2800  }
0x37: {  	_ =	swait.ge [sflag:s10], $0x2800  }
0x38: {  	[sflag:s10] =	ssyncset.done $0x0  }
0x39: {  	[sflag:s10] =	ssyncadd.s32 $0xFFFFD800  }
0x3a: {  	_ =	sfence.sel $0x180000  }
0x3b: {  	[bflag:$0x0] =	sbarrier.arrive $0xFFFF  }
0x3c: {  	p0 =	sne.s32 s0, $0x0;
	_ =	strace $0x90000056  }
0x3d: {  	s0 =	sadd.s32 @!p0 $0x100000, s1;
	[bflag:$0x2] =	sbarrier.arrive $0xFFFF  }
0x3e: {  	[sflag:s0] =	ssyncadd.tile.s32 @!p0 $0x1;
	_ =	shalt  }
.Lfunc_end2:
_tile_overlayer_lowered:
.L_overlay_start_2:
0x3f: {  	(tag) =	ssettag $0x2  }
0x40: {  	s0 =	rddreg [dreg:$0x0];
	s2 =	stileid.u32  }
0x41: {  	s1 =	rddreg [dreg:$0x1];
	p0 =	sne.s32 s2, $0x0  }
0x42: {  	s3 =	rddreg [dreg:$0x2];
	[bflag:$0x3] =	sbarrier.arrive $0xFFFF;
	s2 =	simm.s32 @!p0 $0x1C02  }
0x43: {  	[timem:s3], [sflag:s2] =	dma.local @!p0 [hbm:s0], s1  }
0x44: {  	s0 =	simm.s32 @!p0 $0x2  }
0x45: {  	_ =	swait.ge @!p0 [sflag:s0], s1  }
0x46: {  	s1 =	ssub.s32 @!p0 $0x0, s1;
	[sflag:s0] =	ssyncset.done @!p0 $0x0  }
0x47: {  	[sflag:s0] =	ssyncadd.s32 @!p0 s1  }
0x48: {  	[bflag:$0x3] =	sbarrier.arrive $0xFFFF  }
0x49: {  	_ =	shalt  }

// kernel: kernel.19.cloned.1.call-start
scs
__scs_entry_jumppad:
0x0: {  	(pc) =	sbr.rel $0x88, $3  }
0x1: {  	(tag) =	ssettag $0x0;
	lr =	simm.s32 $0x1  }
0x2: {  	[smem:$0x3F8D] =	sst lr;
	_ =	strace $0xD0000000  }
0x3: {  	_ = 	snop  }
0x4: {  	_ = 	snop  }
0x5: {  	_ = 	snop  }
0x6: {  	_ = 	snop  }
0x7: {  	_ = 	snop  }
__scs_overlays_trampoline_lowered:
0x8: {  	[smem:$0x3F9C] =	sst s0  }
0x9: {  	[smem:$0x3F9D] =	sst s1  }
0xa: {  	[smem:$0x3F9E] =	sst s2  }
0xb: {  	[smem:$0x3F9F] =	sst s3  }
0xc: {  	[smem:$0x3FA0] =	sst s4  }
0xd: {  	[smem:$0x3FA1] =	sst s5  }
0xe: {  	[smem:$0x3FA2] =	sst s6  }
0xf: {  	[smem:$0x3FA3] =	sst s7  }
0x10: {  	[smem:$0x3FA4] =	sst s8  }
0x11: {  	[smem:$0x3FA5] =	sst s9;
	s0 =	simm.s32 @!p0 $0x0  }
0x12: {  	s1 =	sld [smem:$0x3F8B];
	s0 =	simm.s32 @p0 $0x1  }
0x13: {  	[smem:$0x3FA6] =	sst s0;
	s0 =	simm.s32 @!p1 $0x0  }
0x14: {  	s2 =	sld [smem:$0x3F8A];
	s0 =	simm.s32 @p1 $0x1  }
0x15: {  	[smem:$0x3FA7] =	sst s0;
	s0 =	simm.s32 @!p2 $0x0  }
0x16: {  	s3 =	sld [smem:$0x3FDB];
	s0 =	simm.s32 @p2 $0x1  }
0x17: {  	s4 =	simm.s32 $0x1BF5;
	[smem:$0x3FA9] =	sst s0  }
0x18: {  	s0 =	sld [smem:$0x3F8C];
	_ =	swait.ge [sflag:s4], $0x0  }
0x19: {  	s7 =	sld [smem:$0x3F8D]  }
0x1a: {  	s8 =	sadd.s32 $0xFFFFE003, lr  }
0x1b: {  	s9 =	sadd.s32 $0xFFFFFEF7, lr;
	s5 =	simm.s32 $0xFFFFFFFF;
	p2 =	slt.u32 s8, $0xFFFFF086  }
0x1c: {  	p1 =	slt.u32 s9, $0xF7A;
	s5 =	simm.s32 @!p2 $0x0  }
0x1d: {  	s5 =	simm.s32 @p1 $0x1;
	p0 =	seq.s32 s7, s2  }
0x1e: {  	s7 =	smul.u32 @!p0 $0xF7A, s2;
	p2 =	seq.s32 @!p0 s5, $0x0  }
0x1f: {  	s9 =	smul.u32 $0xF7A, s1;
	s8 =	simm.s32 @!p0 $0x1BF5;
	p2 =	por !p2, p0  }
0x20: {  	[sflag:s8] =	ssyncset.s32 @!p0 $0xFFFFF086;
	s6 =	sadd.s32 @!p0 s3, s7;
	s7 =	simm.s32 @!p0 $0x108  }
0x21: {  	s3 =	sadd.s32 s3, s9;
	s6 =	sadd.s32 @!p0 $0x88, s6;
	s7 =	simm.s32 @p2 $0x1082  }
0x22: {  	[simem:s7], [sflag:s8] =	dma.local @!p0 [hbm:s6], $0xF7A  }
0x23: {  	s9 =	sor.u32 $0xD0000000, s2;
	s6 =	simm.s32 $0x108;
	_ =	swait.ge @!p0 [sflag:s8], $0x0  }
0x24: {  	s3 =	sadd.s32 $0x88, s3;
	s6 =	simm.s32 @!p1 $0x1082;
	[sflag:s4] =	ssyncset.s32 $0xFFFFF086  }
0x25: {  	[simem:s6], [sflag:s4] =	dma.local [hbm:s3], $0xF7A  }
0x26: {  	[smem:$0x3F8D] =	sst s1;
	(tag) =	ssettag s2;
	_ =	strace s9  }
0x27: {  	s1 =	sld [smem:$0x3F9D]  }
0x28: {  	s2 =	sld [smem:$0x3F9E]  }
0x29: {  	s4 =	sld [smem:$0x3FA0]  }
0x2a: {  	p0 =	seq.s32 s5, $0x0;
	s5 =	sld [smem:$0x3FA1]  }
0x2b: {  	s6 =	sld [smem:$0x3FA2]  }
0x2c: {  	s7 =	sld [smem:$0x3FA3]  }
0x2d: {  	s3 =	simm.s32 $0x108;
	s8 =	sld [smem:$0x3FA4]  }
0x2e: {  	s3 =	simm.s32 @!p0 $0x1082;
	s9 =	sld [smem:$0x3FA5]  }
0x2f: {  	lr =	sadd.s32 s0, s3;
	s0 =	sld [smem:$0x3F9C]  }
0x30: {  	s3 =	sld [smem:$0x3F9F]  }
0x31: {  	[smem:$0x3FA8] =	sst s10  }
0x32: {  	s10 =	sld [smem:$0x3FA6];
	_ =	sdelay $0x3  }
0x33: {  	p0 =	seq.s32 s10, $0x1;
	s10 =	sld [smem:$0x3FA8];
	_ =	sdelay $0x3  }
0x34: {  	[smem:$0x3FA8] =	sst s10  }
0x35: {  	s10 =	sld [smem:$0x3FA7];
	_ =	sdelay $0x3  }
0x36: {  	p1 =	seq.s32 s10, $0x1;
	s10 =	sld [smem:$0x3FA8];
	_ =	sdelay $0x3  }
0x37: {  	[smem:$0x3FA8] =	sst s10  }
0x38: {  	s10 =	sld [smem:$0x3FA9]  }
0x39: {  	_ = 	snop;
	(pc) =	sbr.ind lr, $3  }
0x3a: {  	_ = 	snop  }
0x3b: {  	_ = 	snop  }
0x3c: {  	p2 =	seq.s32 s10, $0x1;
	s10 =	sld [smem:$0x3FA8]  }
0x3d: {  	_ =	shalt  }
0x3e: {  	_ =	shalt  }
0x3f: {  	_ =	shalt  }
0x40: {  	_ =	shalt  }
0x41: {  	_ =	shalt  }
0x42: {  	_ =	shalt  }
0x43: {  	_ =	shalt  }
0x44: {  	_ =	shalt  }
0x45: {  	_ =	shalt  }
0x46: {  	_ =	shalt  }
0x47: {  	_ =	shalt  }
0x48: {  	_ =	shalt  }
0x49: {  	_ =	shalt  }
0x4a: {  	_ =	shalt  }
0x4b: {  	_ =	shalt  }
0x4c: {  	_ =	shalt  }
0x4d: {  	_ =	shalt  }
0x4e: {  	_ =	shalt  }
0x4f: {  	_ =	shalt  }
0x50: {  	_ =	shalt  }
0x51: {  	_ =	shalt  }
0x52: {  	_ =	shalt  }
0x53: {  	_ =	shalt  }
0x54: {  	_ =	shalt  }
0x55: {  	_ =	shalt  }
0x56: {  	_ =	shalt  }
0x57: {  	_ =	shalt  }
0x58: {  	_ =	shalt  }
0x59: {  	_ =	shalt  }
0x5a: {  	_ =	shalt  }
0x5b: {  	_ =	shalt  }
0x5c: {  	_ =	shalt  }
0x5d: {  	_ =	shalt  }
0x5e: {  	_ =	shalt  }
0x5f: {  	_ =	shalt  }
0x60: {  	_ =	shalt  }
0x61: {  	_ =	shalt  }
0x62: {  	_ =	shalt  }
0x63: {  	_ =	shalt  }
0x64: {  	_ =	shalt  }
0x65: {  	_ =	shalt  }
0x66: {  	_ =	shalt  }
0x67: {  	_ =	shalt  }
0x68: {  	_ =	shalt  }
0x69: {  	_ =	shalt  }
0x6a: {  	_ =	shalt  }
0x6b: {  	_ =	shalt  }
0x6c: {  	_ =	shalt  }
0x6d: {  	_ =	shalt  }
0x6e: {  	_ =	shalt  }
0x6f: {  	_ =	shalt  }
0x70: {  	_ =	shalt  }
0x71: {  	_ =	shalt  }
0x72: {  	_ =	shalt  }
0x73: {  	_ =	shalt  }
0x74: {  	_ =	shalt  }
0x75: {  	_ =	shalt  }
0x76: {  	_ =	shalt  }
0x77: {  	_ =	shalt  }
0x78: {  	_ =	shalt  }
0x79: {  	_ =	shalt  }
0x7a: {  	_ =	shalt  }
0x7b: {  	_ =	shalt  }
0x7c: {  	_ =	shalt  }
0x7d: {  	_ =	shalt  }
0x7e: {  	_ =	shalt  }
0x7f: {  	_ =	shalt  }
0x80: {  	_ =	shalt  }
0x81: {  	_ =	shalt  }
0x82: {  	_ =	shalt  }
0x83: {  	_ =	shalt  }
0x84: {  	_ =	shalt  }
0x85: {  	_ =	shalt  }
0x86: {  	_ =	shalt  }
0x87: {  	_ =	shalt  }
.Lfunc_end0:
.L_simem_size_0:
called_computation.6_lowered:
.L_overlay_start_0:
0x88: {  	s2 =	sld [smem:$0x3FD9]  }
0x89: {  	s3 =	sld [smem:$0x3FFE];
	_ =	sdelay $0x1  }
0x8a: {  	s1 =	srdreg.scid  }
0x8b: {  	s0 =	sand.u32 $0x1, s1  }
0x8c: {  	s16 =	sshll.u32 s0, $0xA;
	s2 =	sadd.s32 s3, s2  }
0x8d: {  	s2 =	sadd.s32 s2, s16  }
0x8e: {  	[smem:$0x3FB4] =	sst s2  }
0x8f: {  	_ = 	snop  }
0x90: {  	(tm) =	ssettm $0x1  }
0x91: {  	s17 =	sld [smem:$0x3FFB];
	_ =	sdelay $0x3  }
0x92: {  	_ =	strace s17  }
0x93: {  	s2 =	sld [smem:$0x3FFC];
	_ =	sdelay $0x3  }
0x94: {  	_ =	strace s2  }
0x95: {  	s2 =	sld [smem:$0x3FFD];
	_ =	sdelay $0x3  }
0x96: {  	_ =	strace s2  }
0x97: {  	_ =	strace $0x8FFFFFFF  }
0x98: {  	s18 =	sld [smem:$0x3FDB];
	_ =	sdelay $0x1  }
0x99: {  	s19 =	simm.s32 $_scs_section_size  }
0x9a: {  	s4 =	simm.s32 $_size__tile_overlayer_lowered;
	s5 =	simm.s32 $_tile_overlayer_lowered  }
0x9b: {  	s22 =	simm.s32 $0x1BFF;
	s21 =	sshll.u32 s5, $0x1;
	s2 =	sadd.s32 s19, s18  }
0x9c: {  	s6 =	simm.s32 $0x0;
	s20 =	sshll.u32 s4, $0x1;
	s4 =	sadd.s32 s21, s2  }
0x9d: {  	[timem:s6], [sflag:s22] =	dma.local [hbm:s4], s20  }
0x9e: {  	_ =	swait.ge [sflag:s22], s20  }
0x9f: {  	s3 =	ssub.s32 $0x0, s20;
	[sflag:s22] =	ssyncset.done $0x0  }
0xa0: {  	[sflag:s22] =	ssyncadd.s32 s3;
	_ =	sdelay $0x1  }
0xa1: {  	s23 =	simm.s32 $0x1B8B  }
0xa2: {  	_ =	swait.ge [sflag:s23], $0x1  }
0xa3: {  	[sflag:s23] =	ssyncset.done $0x0  }
0xa4: {  	s25 =	simm.s32 $0x1B8E;
	s24 =	sld [smem:$0x3FFE];
	[sflag:s23] =	ssyncadd.s32 $0xFFFFFFFF  }
0xa5: {  	s26 =	simm.s32 $execute0_lowered;
	[smem:$0x3FD2] =	sst s25  }
0xa6: {  	s4 =	sshll.u32 s26, $0x1;
	_ =	strace $0x80000058;
	[dreg:$0x1] =	wrdreg $0xFFFFFFFF  }
0xa7: {  	s28 =	simm.s32 $_size_execute0_lowered;
	s2 =	sadd.s32 s2, s4;
	[dreg:$0x0] =	wrdreg $0x0  }
0xa8: {  	s4 =	sshll.u32 s28, $0x1;
	[dreg:$0x2] =	wrdreg s2  }
0xa9: {  	[dreg:$0x3] =	wrdreg s4  }
0xaa: {  	[dreg:$0x4] =	wrdreg $0xC0  }
0xab: {  	_ =	task [dreg:s6], $0x5FFFF  }
0xac: {  	[dreg:$0x1] =	wrdreg $0xFFFFFFFF  }
0xad: {  	[dreg:$0x0] =	wrdreg $0x60  }
0xae: {  	[dreg:$0x2] =	wrdreg s24  }
0xaf: {  	[dreg:$0x3] =	wrdreg $0x98000  }
0xb0: {  	[dreg:$0x4] =	wrdreg $0x9  }
0xb1: {  	_ =	task.clear_ibuf [dreg:s6], $0x5FFFF;
	_ =	strace $0x90000058  }
0xb2: {  	s29 =	simm.s32 $0x9;
	_ =	strace $0x8000005A  }
0xb3: {  	_ =	swait.ge [sflag:s29], $0x1  }
0xb4: {  	[sflag:s29] =	ssyncadd.s32 $0xFFFFFFFF  }
0xb5: {  	_ =	strace $0x9000005A  }
0xb6: {  	_ =	sfence  }
0xb7: {  	s30 =	sld [smem:$0x0];
	_ =	sdelay $0x2  }
0xb8: {  	s31 =	sshll.u32 s1, $0xD;
	s1 =	sshrl.u32 s1, $0x2  }
0xb9: {  	s3 =	sand.u32 $0x4000, s31;
	s1 =	sadd.s32 s1, s30  }
0xba: {  	s0 =	sor.u32 s3, s0;
	s1 =	sshll.u32 s1, $0x11  }
0xbb: {  	s0 =	sor.u32 s1, s0  }
0xbc: {  	s0 =	sadd.s32 $0x8F2B, s0  }
0xbd: {  	[sflag:s0] =	ssyncadd.remote.s32 $0x1  }
0xbe: {  	_ =	sfence.sel $0xFFFF  }
0xbf: {  	[dreg:$0x0] =	wrdreg $0xFFFFFFFF;
	(pc) =	sbr.abs _section_cstart, $3  }
0xc0: {  	[dreg:$0x1] =	wrdreg $0xFFFFFFFF  }
0xc1: {  	_ =	task.clear_ibuf [dreg:s6], $0x2FFFF;
	_ =	strace $0x9FFFFFFF  }
0xc2: {  	(tm) =	ssettm $0x7FFFFFFF  }
0xc3: {  	_ =	shalt  }
tec
execute0_lowered:
.L_overlay_start_1:
0x0: {  	(tag) =	ssettag $0x1  }
0x1: {  	s1 =	srdreg.scid;
	s5 =	rddreg [dreg:$0x0]  }
0x2: {  	s0 =	stileid.u32;
	s2 =	rddreg [dreg:$0x1];
	s3 =	simm.s32 $0x0  }
0x3: {  	s14 =	simm.s32 $0x80;
	s15 =	simm.s32 $0x5800;
	s16 =	simm.s32 $0x1  }
0x4: {  	s17 =	simm.s32 $0x0;
	s6 =	sand.u32 $0x1, s1;
	s1 =	rddreg [dreg:$0x2]  }
0x5: {  	s30 =	sshll.u32 s0, $0x1;
	[smem:$0x7FF] =	sst s3;
	s8 =	smul.u32 $0x14000, s0  }
0x6: {  	s31 =	smul.u32 $0x50000, s0;
	s12 =	sshll.u32 s0, $0x6;
	s4 =	sor.u32 s6, s30  }
0x7: {  	_ =	strace $0x80000059;
	s9 =	smul.u32 $0x140000, s6;
	s6 =	ssub.s32 $0x2, s6  }
0x8: {  	s12 =	sor.u32 $0x1C02, s12;
	s7 =	smul.u32 $0x580, s4;
	s4 =	sadd.s32 $0x45600, s5  }
0x9: {  	s10 =	sshrl.u32 s8, $0x3;
	s11 =	sshrl.u32 s6, $0x1;
	s8 =	sadd.s32 s8, s9  }
0xa: {  	s10 =	sadd.s32 s10, s5;
	s11 =	ssub.s32 s6, s11;
	s9 =	sshrl.u32 s31, $0x2  }
0xb: {  	s7 =	sadd.s32 s7, s5;
	s8 =	sshrl.u32 s8, $0x3;
	s13 =	sadd.s32 s9, s2  }
0xc: {  	s9 =	smax.u32 s11, $0x1;
	s11 =	simm.s32 $0x2C00;
	s8 =	sadd.s32 s8, s5  }
0xd: {  	s5 =	sadd.s32 $0x12600, s7;
	s6 =	sadd.s32 $0x7600, s7;
	s7 =	sadd.s32 $0x1D600, s10  }
0xe: {  	s10 =	simm.s32 $0x2;
	s13 =	sshrl.u32 s13, $0x3;
	s8 =	sadd.s32 $0x6C800, s8  }
.LBB2_1:
0xf: {  	[tilespmem:s3], [sflag:$0x2] =	stream.linear.gather [hbm4b:s5+s3], $0x2A00, $0x38;
	[tilespmem:$0x1D800] =	vst v63  }
0x10: {  	_ =	swait.ge [sflag:s10], $0x2A00  }
0x11: {  	[sflag:s10] =	ssyncset.done $0x0  }
0x12: {  	[sflag:s10] =	ssyncadd.s32 $0xFFFFD600  }
0x13: {  	[tilespmem:s11], [sflag:$0x2] =	stream.linear.gather [hbm4b:s6+s3], $0x2A00, $0x38;
	[tilespmem:$0x1D800] =	vst v63  }
0x14: {  	_ =	swait.ge [sflag:s10], $0x2A00  }
0x15: {  	[sflag:s10] =	ssyncset.done $0x0  }
0x16: {  	[sflag:s10] =	ssyncadd.s32 $0xFFFFD600  }
0x17: {  	[spmem:s13], [sflag:s12] =	dma.local [hbm:s7], $0x2800  }
0x18: {  	_ =	swait.ge [sflag:s10], $0x2800  }
0x19: {  	[sflag:s10] =	ssyncset.done $0x0  }
0x1a: {  	[sflag:s10] =	ssyncadd.s32 $0xFFFFD800  }
0x1b: {  	s18 =	simm.s32 $0x0;
	[bflag:$0x0] =	sbarrier.arrive $0xFFFF  }
0x1c: {  	[tilespmem:s15], [sflag:$0x1] =	stream.indirect.gather [hbm4b:s4+s14], $0x80, s18, s14, $0xb8;
	[tilespmem:$0x1D800] =	vst v63  }
0x1d: {  	_ =	swait.ge [sflag:s16], $0x4000  }
0x1e: {  	[sflag:s16] =	ssyncset.done $0x0  }
0x1f: {  	s31 =	simm.s32 $0x2C00;
	[sflag:s16] =	ssyncadd.s32 $0xFFFFC000  }
0x20: {  	[spmem:s2] =	stream.indirect.scatter.add.f32 [tilespmem:s15], [sflag:$0x2], $0x80, s31, s14, $0xb8;
	[tilespmem:$0x1D800] =	vst v63  }
0x21: {  	_ =	swait.ge [sflag:s10], $0x4000  }
0x22: {  	s19 =	simm.s32 $0x400;
	s18 =	simm.s32 $0x200;
	[sflag:s10] =	ssyncset.done $0x0  }
.LBB2_2:
0x23: {  	s20 =	sshra.s32 s18, $0x2  }
0x24: {  	[sflag:s10] =	ssyncadd.s32 $0xFFFFC000;
	s18 =	smov.u32 s19;
	s21 =	sadd.s32 $0x200, s19  }
0x25: {  	[tilespmem:s15], [sflag:$0x1] =	stream.indirect.gather [hbm4b:s4+s14], $0x80, s20, s14, $0xb8;
	[tilespmem:$0x1D800] =	vst v63  }
0x26: {  	p0 =	sne.s32 s19, $0xA600;
	_ =	swait.ge [sflag:s16], $0x4000  }
.Ltmp0:
0x27: {  	[sflag:s16] =	ssyncset.done $0x0;
	(pc) =	sbr.rel @p0 .LBB2_2-.Ltmp0, $4  }
0x28: {  	s19 =	sadd.s32 $0x2C00, s20;
	[sflag:s16] =	ssyncadd.s32 $0xFFFFC000  }
0x29: {  	[spmem:s2] =	stream.indirect.scatter.add.f32 [tilespmem:s15], [sflag:$0x2], $0x80, s19, s14, $0xb8;
	[tilespmem:$0x1D800] =	vst v63  }
0x2a: {  	_ =	swait.ge [sflag:s10], $0x4000  }
0x2b: {  	s19 =	smov.u32 s21;
	[sflag:s10] =	ssyncset.done $0x0  }
0x2c: {  	s18 =	sshra.s32 s18, $0x2;
	[sflag:s10] =	ssyncadd.s32 $0xFFFFC000  }
0x2d: {  	[tilespmem:s15], [sflag:$0x1] =	stream.indirect.gather [hbm4b:s4+s14], $0x80, s18, s14, $0xb8;
	[tilespmem:$0x1D800] =	vst v63  }
0x2e: {  	_ =	swait.ge [sflag:s16], $0x4000  }
0x2f: {  	[sflag:s16] =	ssyncset.done $0x0  }
0x30: {  	s18 =	sadd.s32 $0x2C00, s18;
	[sflag:s16] =	ssyncadd.s32 $0xFFFFC000  }
0x31: {  	[spmem:s2] =	stream.indirect.scatter.add.f32 [tilespmem:s15], [sflag:$0x2], $0x80, s18, s14, $0xb8;
	[tilespmem:$0x1D800] =	vst v63  }
0x32: {  	_ =	swait.ge [sflag:s10], $0x4000  }
0x33: {  	s17 =	sadd.s32 $0x1, s17;
	[sflag:s10] =	ssyncset.done $0x0  }
0x34: {  	p0 =	sne.s32 s17, s9;
	[sflag:s10] =	ssyncadd.s32 $0xFFFFC000  }
.Ltmp1:
0x35: {  	[bflag:$0x0] =	sbarrier.arrive $0xFFFF;
	(pc) =	sbr.rel @p0 .LBB2_1-.Ltmp1, $4  }
0x36: {  	[hbm:s8], [sflag:s12] =	dma.local [spmem:s13], $0x2800  }
0x37: {  	_ =	swait.ge [sflag:s10], $0x2800  }
0x38: {  	[sflag:s10] =	ssyncset.done $0x0  }
0x39: {  	[sflag:s10] =	ssyncadd.s32 $0xFFFFD800  }
0x3a: {  	_ =	sfence.sel $0x180000  }
0x3b: {  	[bflag:$0x0] =	sbarrier.arrive $0xFFFF  }
0x3c: {  	p0 =	sne.s32 s0, $0x0;
	_ =	strace $0x90000059  }
0x3d: {  	s0 =	sadd.s32 @!p0 $0x100000, s1;
	[bflag:$0x2] =	sbarrier.arrive $0xFFFF  }
0x3e: {  	[sflag:s0] =	ssyncadd.tile.s32 @!p0 $0x1;
	_ =	shalt  }
.Lfunc_end2:
_tile_overlayer_lowered:
.L_overlay_start_2:
0x3f: {  	(tag) =	ssettag $0x2  }
0x40: {  	s0 =	rddreg [dreg:$0x0];
	s2 =	stileid.u32  }
0x41: {  	s1 =	rddreg [dreg:$0x1];
	p0 =	sne.s32 s2, $0x0  }
0x42: {  	s3 =	rddreg [dreg:$0x2];
	[bflag:$0x3] =	sbarrier.arrive $0xFFFF;
	s2 =	simm.s32 @!p0 $0x1C02  }
0x43: {  	[timem:s3], [sflag:s2] =	dma.local @!p0 [hbm:s0], s1  }
0x44: {  	s0 =	simm.s32 @!p0 $0x2  }
0x45: {  	_ =	swait.ge @!p0 [sflag:s0], s1  }
0x46: {  	s1 =	ssub.s32 @!p0 $0x0, s1;
	[sflag:s0] =	ssyncset.done @!p0 $0x0  }
0x47: {  	[sflag:s0] =	ssyncadd.s32 @!p0 s1  }
0x48: {  	[bflag:$0x3] =	sbarrier.arrive $0xFFFF  }
0x49: {  	_ =	shalt  }

// kernel: kernel.22.cloned.1.call-start
scs
__scs_entry_jumppad:
0x0: {  	(pc) =	sbr.rel $0x88, $3  }
0x1: {  	(tag) =	ssettag $0x0;
	lr =	simm.s32 $0x1  }
0x2: {  	[smem:$0x3F8D] =	sst lr;
	_ =	strace $0xD0000000  }
0x3: {  	_ = 	snop  }
0x4: {  	_ = 	snop  }
0x5: {  	_ = 	snop  }
0x6: {  	_ = 	snop  }
0x7: {  	_ = 	snop  }
__scs_overlays_trampoline_lowered:
0x8: {  	[smem:$0x3F9C] =	sst s0  }
0x9: {  	[smem:$0x3F9D] =	sst s1  }
0xa: {  	[smem:$0x3F9E] =	sst s2  }
0xb: {  	[smem:$0x3F9F] =	sst s3  }
0xc: {  	[smem:$0x3FA0] =	sst s4  }
0xd: {  	[smem:$0x3FA1] =	sst s5  }
0xe: {  	[smem:$0x3FA2] =	sst s6  }
0xf: {  	[smem:$0x3FA3] =	sst s7  }
0x10: {  	[smem:$0x3FA4] =	sst s8  }
0x11: {  	[smem:$0x3FA5] =	sst s9;
	s0 =	simm.s32 @!p0 $0x0  }
0x12: {  	s1 =	sld [smem:$0x3F8B];
	s0 =	simm.s32 @p0 $0x1  }
0x13: {  	[smem:$0x3FA6] =	sst s0;
	s0 =	simm.s32 @!p1 $0x0  }
0x14: {  	s2 =	sld [smem:$0x3F8A];
	s0 =	simm.s32 @p1 $0x1  }
0x15: {  	[smem:$0x3FA7] =	sst s0;
	s0 =	simm.s32 @!p2 $0x0  }
0x16: {  	s3 =	sld [smem:$0x3FDB];
	s0 =	simm.s32 @p2 $0x1  }
0x17: {  	s4 =	simm.s32 $0x1BF5;
	[smem:$0x3FA9] =	sst s0  }
0x18: {  	s0 =	sld [smem:$0x3F8C];
	_ =	swait.ge [sflag:s4], $0x0  }
0x19: {  	s7 =	sld [smem:$0x3F8D]  }
0x1a: {  	s8 =	sadd.s32 $0xFFFFE003, lr  }
0x1b: {  	s9 =	sadd.s32 $0xFFFFFEF7, lr;
	s5 =	simm.s32 $0xFFFFFFFF;
	p2 =	slt.u32 s8, $0xFFFFF086  }
0x1c: {  	p1 =	slt.u32 s9, $0xF7A;
	s5 =	simm.s32 @!p2 $0x0  }
0x1d: {  	s5 =	simm.s32 @p1 $0x1;
	p0 =	seq.s32 s7, s2  }
0x1e: {  	s7 =	smul.u32 @!p0 $0xF7A, s2;
	p2 =	seq.s32 @!p0 s5, $0x0  }
0x1f: {  	s9 =	smul.u32 $0xF7A, s1;
	s8 =	simm.s32 @!p0 $0x1BF5;
	p2 =	por !p2, p0  }
0x20: {  	[sflag:s8] =	ssyncset.s32 @!p0 $0xFFFFF086;
	s6 =	sadd.s32 @!p0 s3, s7;
	s7 =	simm.s32 @!p0 $0x108  }
0x21: {  	s3 =	sadd.s32 s3, s9;
	s6 =	sadd.s32 @!p0 $0x88, s6;
	s7 =	simm.s32 @p2 $0x1082  }
0x22: {  	[simem:s7], [sflag:s8] =	dma.local @!p0 [hbm:s6], $0xF7A  }
0x23: {  	s9 =	sor.u32 $0xD0000000, s2;
	s6 =	simm.s32 $0x108;
	_ =	swait.ge @!p0 [sflag:s8], $0x0  }
0x24: {  	s3 =	sadd.s32 $0x88, s3;
	s6 =	simm.s32 @!p1 $0x1082;
	[sflag:s4] =	ssyncset.s32 $0xFFFFF086  }
0x25: {  	[simem:s6], [sflag:s4] =	dma.local [hbm:s3], $0xF7A  }
0x26: {  	[smem:$0x3F8D] =	sst s1;
	(tag) =	ssettag s2;
	_ =	strace s9  }
0x27: {  	s1 =	sld [smem:$0x3F9D]  }
0x28: {  	s2 =	sld [smem:$0x3F9E]  }
0x29: {  	s4 =	sld [smem:$0x3FA0]  }
0x2a: {  	p0 =	seq.s32 s5, $0x0;
	s5 =	sld [smem:$0x3FA1]  }
0x2b: {  	s6 =	sld [smem:$0x3FA2]  }
0x2c: {  	s7 =	sld [smem:$0x3FA3]  }
0x2d: {  	s3 =	simm.s32 $0x108;
	s8 =	sld [smem:$0x3FA4]  }
0x2e: {  	s3 =	simm.s32 @!p0 $0x1082;
	s9 =	sld [smem:$0x3FA5]  }
0x2f: {  	lr =	sadd.s32 s0, s3;
	s0 =	sld [smem:$0x3F9C]  }
0x30: {  	s3 =	sld [smem:$0x3F9F]  }
0x31: {  	[smem:$0x3FA8] =	sst s10  }
0x32: {  	s10 =	sld [smem:$0x3FA6];
	_ =	sdelay $0x3  }
0x33: {  	p0 =	seq.s32 s10, $0x1;
	s10 =	sld [smem:$0x3FA8];
	_ =	sdelay $0x3  }
0x34: {  	[smem:$0x3FA8] =	sst s10  }
0x35: {  	s10 =	sld [smem:$0x3FA7];
	_ =	sdelay $0x3  }
0x36: {  	p1 =	seq.s32 s10, $0x1;
	s10 =	sld [smem:$0x3FA8];
	_ =	sdelay $0x3  }
0x37: {  	[smem:$0x3FA8] =	sst s10  }
0x38: {  	s10 =	sld [smem:$0x3FA9]  }
0x39: {  	_ = 	snop;
	(pc) =	sbr.ind lr, $3  }
0x3a: {  	_ = 	snop  }
0x3b: {  	_ = 	snop  }
0x3c: {  	p2 =	seq.s32 s10, $0x1;
	s10 =	sld [smem:$0x3FA8]  }
0x3d: {  	_ =	shalt  }
0x3e: {  	_ =	shalt  }
0x3f: {  	_ =	shalt  }
0x40: {  	_ =	shalt  }
0x41: {  	_ =	shalt  }
0x42: {  	_ =	shalt  }
0x43: {  	_ =	shalt  }
0x44: {  	_ =	shalt  }
0x45: {  	_ =	shalt  }
0x46: {  	_ =	shalt  }
0x47: {  	_ =	shalt  }
0x48: {  	_ =	shalt  }
0x49: {  	_ =	shalt  }
0x4a: {  	_ =	shalt  }
0x4b: {  	_ =	shalt  }
0x4c: {  	_ =	shalt  }
0x4d: {  	_ =	shalt  }
0x4e: {  	_ =	shalt  }
0x4f: {  	_ =	shalt  }
0x50: {  	_ =	shalt  }
0x51: {  	_ =	shalt  }
0x52: {  	_ =	shalt  }
0x53: {  	_ =	shalt  }
0x54: {  	_ =	shalt  }
0x55: {  	_ =	shalt  }
0x56: {  	_ =	shalt  }
0x57: {  	_ =	shalt  }
0x58: {  	_ =	shalt  }
0x59: {  	_ =	shalt  }
0x5a: {  	_ =	shalt  }
0x5b: {  	_ =	shalt  }
0x5c: {  	_ =	shalt  }
0x5d: {  	_ =	shalt  }
0x5e: {  	_ =	shalt  }
0x5f: {  	_ =	shalt  }
0x60: {  	_ =	shalt  }
0x61: {  	_ =	shalt  }
0x62: {  	_ =	shalt  }
0x63: {  	_ =	shalt  }
0x64: {  	_ =	shalt  }
0x65: {  	_ =	shalt  }
0x66: {  	_ =	shalt  }
0x67: {  	_ =	shalt  }
0x68: {  	_ =	shalt  }
0x69: {  	_ =	shalt  }
0x6a: {  	_ =	shalt  }
0x6b: {  	_ =	shalt  }
0x6c: {  	_ =	shalt  }
0x6d: {  	_ =	shalt  }
0x6e: {  	_ =	shalt  }
0x6f: {  	_ =	shalt  }
0x70: {  	_ =	shalt  }
0x71: {  	_ =	shalt  }
0x72: {  	_ =	shalt  }
0x73: {  	_ =	shalt  }
0x74: {  	_ =	shalt  }
0x75: {  	_ =	shalt  }
0x76: {  	_ =	shalt  }
0x77: {  	_ =	shalt  }
0x78: {  	_ =	shalt  }
0x79: {  	_ =	shalt  }
0x7a: {  	_ =	shalt  }
0x7b: {  	_ =	shalt  }
0x7c: {  	_ =	shalt  }
0x7d: {  	_ =	shalt  }
0x7e: {  	_ =	shalt  }
0x7f: {  	_ =	shalt  }
0x80: {  	_ =	shalt  }
0x81: {  	_ =	shalt  }
0x82: {  	_ =	shalt  }
0x83: {  	_ =	shalt  }
0x84: {  	_ =	shalt  }
0x85: {  	_ =	shalt  }
0x86: {  	_ =	shalt  }
0x87: {  	_ =	shalt  }
.Lfunc_end0:
.L_simem_size_0:
called_computation.7_lowered:
.L_overlay_start_0:
0x88: {  	s2 =	sld [smem:$0x3FD9]  }
0x89: {  	s3 =	sld [smem:$0x3FFE];
	_ =	sdelay $0x1  }
0x8a: {  	s1 =	srdreg.scid  }
0x8b: {  	s0 =	sand.u32 $0x1, s1  }
0x8c: {  	s16 =	sshll.u32 s0, $0xA;
	s2 =	sadd.s32 s3, s2  }
0x8d: {  	s2 =	sadd.s32 s2, s16  }
0x8e: {  	[smem:$0x3FB4] =	sst s2  }
0x8f: {  	_ = 	snop  }
0x90: {  	(tm) =	ssettm $0x1  }
0x91: {  	s17 =	sld [smem:$0x3FFB];
	_ =	sdelay $0x3  }
0x92: {  	_ =	strace s17  }
0x93: {  	s2 =	sld [smem:$0x3FFC];
	_ =	sdelay $0x3  }
0x94: {  	_ =	strace s2  }
0x95: {  	s2 =	sld [smem:$0x3FFD];
	_ =	sdelay $0x3  }
0x96: {  	_ =	strace s2  }
0x97: {  	_ =	strace $0x8FFFFFFF  }
0x98: {  	s18 =	sld [smem:$0x3FDB];
	_ =	sdelay $0x1  }
0x99: {  	s19 =	simm.s32 $_scs_section_size  }
0x9a: {  	s4 =	simm.s32 $_size__tile_overlayer_lowered;
	s5 =	simm.s32 $_tile_overlayer_lowered  }
0x9b: {  	s22 =	simm.s32 $0x1BFF;
	s21 =	sshll.u32 s5, $0x1;
	s2 =	sadd.s32 s19, s18  }
0x9c: {  	s6 =	simm.s32 $0x0;
	s20 =	sshll.u32 s4, $0x1;
	s4 =	sadd.s32 s21, s2  }
0x9d: {  	[timem:s6], [sflag:s22] =	dma.local [hbm:s4], s20  }
0x9e: {  	_ =	swait.ge [sflag:s22], s20  }
0x9f: {  	s3 =	ssub.s32 $0x0, s20;
	[sflag:s22] =	ssyncset.done $0x0  }
0xa0: {  	[sflag:s22] =	ssyncadd.s32 s3;
	_ =	sdelay $0x1  }
0xa1: {  	s23 =	simm.s32 $0x1B8B  }
0xa2: {  	_ =	swait.ge [sflag:s23], $0x1  }
0xa3: {  	[sflag:s23] =	ssyncset.done $0x0  }
0xa4: {  	s25 =	simm.s32 $0x1B8E;
	s24 =	sld [smem:$0x3FFE];
	[sflag:s23] =	ssyncadd.s32 $0xFFFFFFFF  }
0xa5: {  	s26 =	simm.s32 $execute0_lowered;
	[smem:$0x3FD2] =	sst s25  }
0xa6: {  	s4 =	sshll.u32 s26, $0x1;
	_ =	strace $0x8000005B;
	[dreg:$0x1] =	wrdreg $0xFFFFFFFF  }
0xa7: {  	s28 =	simm.s32 $_size_execute0_lowered;
	s2 =	sadd.s32 s2, s4;
	[dreg:$0x0] =	wrdreg $0x0  }
0xa8: {  	s4 =	sshll.u32 s28, $0x1;
	[dreg:$0x2] =	wrdreg s2  }
0xa9: {  	[dreg:$0x3] =	wrdreg s4  }
0xaa: {  	[dreg:$0x4] =	wrdreg $0xC0  }
0xab: {  	_ =	task [dreg:s6], $0x5FFFF  }
0xac: {  	[dreg:$0x1] =	wrdreg $0xFFFFFFFF  }
0xad: {  	[dreg:$0x0] =	wrdreg $0x60  }
0xae: {  	[dreg:$0x2] =	wrdreg s24  }
0xaf: {  	[dreg:$0x3] =	wrdreg $0x98000  }
0xb0: {  	[dreg:$0x4] =	wrdreg $0x9  }
0xb1: {  	_ =	task.clear_ibuf [dreg:s6], $0x5FFFF;
	_ =	strace $0x9000005B  }
0xb2: {  	s29 =	simm.s32 $0x9;
	_ =	strace $0x8000005D  }
0xb3: {  	_ =	swait.ge [sflag:s29], $0x1  }
0xb4: {  	[sflag:s29] =	ssyncadd.s32 $0xFFFFFFFF  }
0xb5: {  	_ =	strace $0x9000005D  }
0xb6: {  	_ =	sfence  }
0xb7: {  	s30 =	sld [smem:$0x0];
	_ =	sdelay $0x2  }
0xb8: {  	s31 =	sshll.u32 s1, $0xD;
	s1 =	sshrl.u32 s1, $0x2  }
0xb9: {  	s3 =	sand.u32 $0x4000, s31;
	s1 =	sadd.s32 s1, s30  }
0xba: {  	s0 =	sor.u32 s3, s0;
	s1 =	sshll.u32 s1, $0x11  }
0xbb: {  	s0 =	sor.u32 s1, s0  }
0xbc: {  	s0 =	sadd.s32 $0x8F2B, s0  }
0xbd: {  	[sflag:s0] =	ssyncadd.remote.s32 $0x1  }
0xbe: {  	_ =	sfence.sel $0xFFFF  }
0xbf: {  	[dreg:$0x0] =	wrdreg $0xFFFFFFFF;
	(pc) =	sbr.abs _section_cstart, $3  }
0xc0: {  	[dreg:$0x1] =	wrdreg $0xFFFFFFFF  }
0xc1: {  	_ =	task.clear_ibuf [dreg:s6], $0x2FFFF;
	_ =	strace $0x9FFFFFFF  }
0xc2: {  	(tm) =	ssettm $0x7FFFFFFF  }
0xc3: {  	_ =	shalt  }
tec
execute0_lowered:
.L_overlay_start_1:
0x0: {  	(tag) =	ssettag $0x1  }
0x1: {  	s1 =	srdreg.scid;
	s5 =	rddreg [dreg:$0x0]  }
0x2: {  	s0 =	stileid.u32;
	s2 =	rddreg [dreg:$0x1];
	s3 =	simm.s32 $0x0  }
0x3: {  	s14 =	simm.s32 $0x80;
	s15 =	simm.s32 $0x5800;
	s16 =	simm.s32 $0x1  }
0x4: {  	s17 =	simm.s32 $0x0;
	s6 =	sand.u32 $0x1, s1;
	s1 =	rddreg [dreg:$0x2]  }
0x5: {  	s30 =	sshll.u32 s0, $0x1;
	[smem:$0x7FF] =	sst s3;
	s8 =	smul.u32 $0x14000, s0  }
0x6: {  	s31 =	smul.u32 $0x50000, s0;
	s12 =	sshll.u32 s0, $0x6;
	s4 =	sor.u32 s6, s30  }
0x7: {  	_ =	strace $0x8000005C;
	s9 =	smul.u32 $0x140000, s6;
	s6 =	ssub.s32 $0x2, s6  }
0x8: {  	s12 =	sor.u32 $0x1C02, s12;
	s7 =	smul.u32 $0x580, s4;
	s4 =	sadd.s32 $0x45600, s5  }
0x9: {  	s10 =	sshrl.u32 s8, $0x3;
	s11 =	sshrl.u32 s6, $0x1;
	s8 =	sadd.s32 s8, s9  }
0xa: {  	s10 =	sadd.s32 s10, s5;
	s11 =	ssub.s32 s6, s11;
	s9 =	sshrl.u32 s31, $0x2  }
0xb: {  	s7 =	sadd.s32 s7, s5;
	s8 =	sshrl.u32 s8, $0x3;
	s13 =	sadd.s32 s9, s2  }
0xc: {  	s9 =	smax.u32 s11, $0x1;
	s11 =	simm.s32 $0x2C00;
	s8 =	sadd.s32 s8, s5  }
0xd: {  	s5 =	sadd.s32 $0x12600, s7;
	s6 =	sadd.s32 $0x7600, s7;
	s7 =	sadd.s32 $0x1D600, s10  }
0xe: {  	s10 =	simm.s32 $0x2;
	s13 =	sshrl.u32 s13, $0x3;
	s8 =	sadd.s32 $0x6C800, s8  }
.LBB2_1:
0xf: {  	[tilespmem:s3], [sflag:$0x2] =	stream.linear.gather [hbm4b:s5+s3], $0x2A00, $0x38;
	[tilespmem:$0x1D800] =	vst v63  }
0x10: {  	_ =	swait.ge [sflag:s10], $0x2A00  }
0x11: {  	[sflag:s10] =	ssyncset.done $0x0  }
0x12: {  	[sflag:s10] =	ssyncadd.s32 $0xFFFFD600  }
0x13: {  	[tilespmem:s11], [sflag:$0x2] =	stream.linear.gather [hbm4b:s6+s3], $0x2A00, $0x38;
	[tilespmem:$0x1D800] =	vst v63  }
0x14: {  	_ =	swait.ge [sflag:s10], $0x2A00  }
0x15: {  	[sflag:s10] =	ssyncset.done $0x0  }
0x16: {  	[sflag:s10] =	ssyncadd.s32 $0xFFFFD600  }
0x17: {  	[spmem:s13], [sflag:s12] =	dma.local [hbm:s7], $0x2800  }
0x18: {  	_ =	swait.ge [sflag:s10], $0x2800  }
0x19: {  	[sflag:s10] =	ssyncset.done $0x0  }
0x1a: {  	[sflag:s10] =	ssyncadd.s32 $0xFFFFD800  }
0x1b: {  	s18 =	simm.s32 $0x0;
	[bflag:$0x0] =	sbarrier.arrive $0xFFFF  }
0x1c: {  	[tilespmem:s15], [sflag:$0x1] =	stream.indirect.gather [hbm4b:s4+s14], $0x80, s18, s14, $0xb8;
	[tilespmem:$0x1D800] =	vst v63  }
0x1d: {  	_ =	swait.ge [sflag:s16], $0x4000  }
0x1e: {  	[sflag:s16] =	ssyncset.done $0x0  }
0x1f: {  	s31 =	simm.s32 $0x2C00;
	[sflag:s16] =	ssyncadd.s32 $0xFFFFC000  }
0x20: {  	[spmem:s2] =	stream.indirect.scatter.add.f32 [tilespmem:s15], [sflag:$0x2], $0x80, s31, s14, $0xb8;
	[tilespmem:$0x1D800] =	vst v63  }
0x21: {  	_ =	swait.ge [sflag:s10], $0x4000  }
0x22: {  	s19 =	simm.s32 $0x400;
	s18 =	simm.s32 $0x200;
	[sflag:s10] =	ssyncset.done $0x0  }
.LBB2_2:
0x23: {  	s20 =	sshra.s32 s18, $0x2  }
0x24: {  	[sflag:s10] =	ssyncadd.s32 $0xFFFFC000;
	s18 =	smov.u32 s19;
	s21 =	sadd.s32 $0x200, s19  }
0x25: {  	[tilespmem:s15], [sflag:$0x1] =	stream.indirect.gather [hbm4b:s4+s14], $0x80, s20, s14, $0xb8;
	[tilespmem:$0x1D800] =	vst v63  }
0x26: {  	p0 =	sne.s32 s19, $0xA600;
	_ =	swait.ge [sflag:s16], $0x4000  }
.Ltmp0:
0x27: {  	[sflag:s16] =	ssyncset.done $0x0;
	(pc) =	sbr.rel @p0 .LBB2_2-.Ltmp0, $4  }
0x28: {  	s19 =	sadd.s32 $0x2C00, s20;
	[sflag:s16] =	ssyncadd.s32 $0xFFFFC000  }
0x29: {  	[spmem:s2] =	stream.indirect.scatter.add.f32 [tilespmem:s15], [sflag:$0x2], $0x80, s19, s14, $0xb8;
	[tilespmem:$0x1D800] =	vst v63  }
0x2a: {  	_ =	swait.ge [sflag:s10], $0x4000  }
0x2b: {  	s19 =	smov.u32 s21;
	[sflag:s10] =	ssyncset.done $0x0  }
0x2c: {  	s18 =	sshra.s32 s18, $0x2;
	[sflag:s10] =	ssyncadd.s32 $0xFFFFC000  }
0x2d: {  	[tilespmem:s15], [sflag:$0x1] =	stream.indirect.gather [hbm4b:s4+s14], $0x80, s18, s14, $0xb8;
	[tilespmem:$0x1D800] =	vst v63  }
0x2e: {  	_ =	swait.ge [sflag:s16], $0x4000  }
0x2f: {  	[sflag:s16] =	ssyncset.done $0x0  }
0x30: {  	s18 =	sadd.s32 $0x2C00, s18;
	[sflag:s16] =	ssyncadd.s32 $0xFFFFC000  }
0x31: {  	[spmem:s2] =	stream.indirect.scatter.add.f32 [tilespmem:s15], [sflag:$0x2], $0x80, s18, s14, $0xb8;
	[tilespmem:$0x1D800] =	vst v63  }
0x32: {  	_ =	swait.ge [sflag:s10], $0x4000  }
0x33: {  	s17 =	sadd.s32 $0x1, s17;
	[sflag:s10] =	ssyncset.done $0x0  }
0x34: {  	p0 =	sne.s32 s17, s9;
	[sflag:s10] =	ssyncadd.s32 $0xFFFFC000  }
.Ltmp1:
0x35: {  	[bflag:$0x0] =	sbarrier.arrive $0xFFFF;
	(pc) =	sbr.rel @p0 .LBB2_1-.Ltmp1, $4  }
0x36: {  	[hbm:s8], [sflag:s12] =	dma.local [spmem:s13], $0x2800  }
0x37: {  	_ =	swait.ge [sflag:s10], $0x2800  }
0x38: {  	[sflag:s10] =	ssyncset.done $0x0  }
0x39: {  	[sflag:s10] =	ssyncadd.s32 $0xFFFFD800  }
0x3a: {  	_ =	sfence.sel $0x180000  }
0x3b: {  	[bflag:$0x0] =	sbarrier.arrive $0xFFFF  }
0x3c: {  	p0 =	sne.s32 s0, $0x0;
	_ =	strace $0x9000005C  }
0x3d: {  	s0 =	sadd.s32 @!p0 $0x100000, s1;
	[bflag:$0x2] =	sbarrier.arrive $0xFFFF  }
0x3e: {  	[sflag:s0] =	ssyncadd.tile.s32 @!p0 $0x1;
	_ =	shalt  }
.Lfunc_end2:
_tile_overlayer_lowered:
.L_overlay_start_2:
0x3f: {  	(tag) =	ssettag $0x2  }
0x40: {  	s0 =	rddreg [dreg:$0x0];
	s2 =	stileid.u32  }
0x41: {  	s1 =	rddreg [dreg:$0x1];
	p0 =	sne.s32 s2, $0x0  }
0x42: {  	s3 =	rddreg [dreg:$0x2];
	[bflag:$0x3] =	sbarrier.arrive $0xFFFF;
	s2 =	simm.s32 @!p0 $0x1C02  }
0x43: {  	[timem:s3], [sflag:s2] =	dma.local @!p0 [hbm:s0], s1  }
0x44: {  	s0 =	simm.s32 @!p0 $0x2  }
0x45: {  	_ =	swait.ge @!p0 [sflag:s0], s1  }
0x46: {  	s1 =	ssub.s32 @!p0 $0x0, s1;
	[sflag:s0] =	ssyncset.done @!p0 $0x0  }
0x47: {  	[sflag:s0] =	ssyncadd.s32 @!p0 s1  }
0x48: {  	[bflag:$0x3] =	sbarrier.arrive $0xFFFF  }
0x49: {  	_ =	shalt  }

// kernel: kernel.25.cloned.1.call-start
scs
__scs_entry_jumppad:
0x0: {  	(pc) =	sbr.rel $0x88, $3  }
0x1: {  	(tag) =	ssettag $0x0;
	lr =	simm.s32 $0x1  }
0x2: {  	[smem:$0x3F8D] =	sst lr;
	_ =	strace $0xD0000000  }
0x3: {  	_ = 	snop  }
0x4: {  	_ = 	snop  }
0x5: {  	_ = 	snop  }
0x6: {  	_ = 	snop  }
0x7: {  	_ = 	snop  }
__scs_overlays_trampoline_lowered:
0x8: {  	[smem:$0x3F9C] =	sst s0  }
0x9: {  	[smem:$0x3F9D] =	sst s1  }
0xa: {  	[smem:$0x3F9E] =	sst s2  }
0xb: {  	[smem:$0x3F9F] =	sst s3  }
0xc: {  	[smem:$0x3FA0] =	sst s4  }
0xd: {  	[smem:$0x3FA1] =	sst s5  }
0xe: {  	[smem:$0x3FA2] =	sst s6  }
0xf: {  	[smem:$0x3FA3] =	sst s7  }
0x10: {  	[smem:$0x3FA4] =	sst s8  }
0x11: {  	[smem:$0x3FA5] =	sst s9;
	s0 =	simm.s32 @!p0 $0x0  }
0x12: {  	s1 =	sld [smem:$0x3F8B];
	s0 =	simm.s32 @p0 $0x1  }
0x13: {  	[smem:$0x3FA6] =	sst s0;
	s0 =	simm.s32 @!p1 $0x0  }
0x14: {  	s2 =	sld [smem:$0x3F8A];
	s0 =	simm.s32 @p1 $0x1  }
0x15: {  	[smem:$0x3FA7] =	sst s0;
	s0 =	simm.s32 @!p2 $0x0  }
0x16: {  	s3 =	sld [smem:$0x3FDB];
	s0 =	simm.s32 @p2 $0x1  }
0x17: {  	s4 =	simm.s32 $0x1BF5;
	[smem:$0x3FA9] =	sst s0  }
0x18: {  	s0 =	sld [smem:$0x3F8C];
	_ =	swait.ge [sflag:s4], $0x0  }
0x19: {  	s7 =	sld [smem:$0x3F8D]  }
0x1a: {  	s8 =	sadd.s32 $0xFFFFE003, lr  }
0x1b: {  	s9 =	sadd.s32 $0xFFFFFEF7, lr;
	s5 =	simm.s32 $0xFFFFFFFF;
	p2 =	slt.u32 s8, $0xFFFFF086  }
0x1c: {  	p1 =	slt.u32 s9, $0xF7A;
	s5 =	simm.s32 @!p2 $0x0  }
0x1d: {  	s5 =	simm.s32 @p1 $0x1;
	p0 =	seq.s32 s7, s2  }
0x1e: {  	s7 =	smul.u32 @!p0 $0xF7A, s2;
	p2 =	seq.s32 @!p0 s5, $0x0  }
0x1f: {  	s9 =	smul.u32 $0xF7A, s1;
	s8 =	simm.s32 @!p0 $0x1BF5;
	p2 =	por !p2, p0  }
0x20: {  	[sflag:s8] =	ssyncset.s32 @!p0 $0xFFFFF086;
	s6 =	sadd.s32 @!p0 s3, s7;
	s7 =	simm.s32 @!p0 $0x108  }
0x21: {  	s3 =	sadd.s32 s3, s9;
	s6 =	sadd.s32 @!p0 $0x88, s6;
	s7 =	simm.s32 @p2 $0x1082  }
0x22: {  	[simem:s7], [sflag:s8] =	dma.local @!p0 [hbm:s6], $0xF7A  }
0x23: {  	s9 =	sor.u32 $0xD0000000, s2;
	s6 =	simm.s32 $0x108;
	_ =	swait.ge @!p0 [sflag:s8], $0x0  }
0x24: {  	s3 =	sadd.s32 $0x88, s3;
	s6 =	simm.s32 @!p1 $0x1082;
	[sflag:s4] =	ssyncset.s32 $0xFFFFF086  }
0x25: {  	[simem:s6], [sflag:s4] =	dma.local [hbm:s3], $0xF7A  }
0x26: {  	[smem:$0x3F8D] =	sst s1;
	(tag) =	ssettag s2;
	_ =	strace s9  }
0x27: {  	s1 =	sld [smem:$0x3F9D]  }
0x28: {  	s2 =	sld [smem:$0x3F9E]  }
0x29: {  	s4 =	sld [smem:$0x3FA0]  }
0x2a: {  	p0 =	seq.s32 s5, $0x0;
	s5 =	sld [smem:$0x3FA1]  }
0x2b: {  	s6 =	sld [smem:$0x3FA2]  }
0x2c: {  	s7 =	sld [smem:$0x3FA3]  }
0x2d: {  	s3 =	simm.s32 $0x108;
	s8 =	sld [smem:$0x3FA4]  }
0x2e: {  	s3 =	simm.s32 @!p0 $0x1082;
	s9 =	sld [smem:$0x3FA5]  }
0x2f: {  	lr =	sadd.s32 s0, s3;
	s0 =	sld [smem:$0x3F9C]  }
0x30: {  	s3 =	sld [smem:$0x3F9F]  }
0x31: {  	[smem:$0x3FA8] =	sst s10  }
0x32: {  	s10 =	sld [smem:$0x3FA6];
	_ =	sdelay $0x3  }
0x33: {  	p0 =	seq.s32 s10, $0x1;
	s10 =	sld [smem:$0x3FA8];
	_ =	sdelay $0x3  }
0x34: {  	[smem:$0x3FA8] =	sst s10  }
0x35: {  	s10 =	sld [smem:$0x3FA7];
	_ =	sdelay $0x3  }
0x36: {  	p1 =	seq.s32 s10, $0x1;
	s10 =	sld [smem:$0x3FA8];
	_ =	sdelay $0x3  }
0x37: {  	[smem:$0x3FA8] =	sst s10  }
0x38: {  	s10 =	sld [smem:$0x3FA9]  }
0x39: {  	_ = 	snop;
	(pc) =	sbr.ind lr, $3  }
0x3a: {  	_ = 	snop  }
0x3b: {  	_ = 	snop  }
0x3c: {  	p2 =	seq.s32 s10, $0x1;
	s10 =	sld [smem:$0x3FA8]  }
0x3d: {  	_ =	shalt  }
0x3e: {  	_ =	shalt  }
0x3f: {  	_ =	shalt  }
0x40: {  	_ =	shalt  }
0x41: {  	_ =	shalt  }
0x42: {  	_ =	shalt  }
0x43: {  	_ =	shalt  }
0x44: {  	_ =	shalt  }
0x45: {  	_ =	shalt  }
0x46: {  	_ =	shalt  }
0x47: {  	_ =	shalt  }
0x48: {  	_ =	shalt  }
0x49: {  	_ =	shalt  }
0x4a: {  	_ =	shalt  }
0x4b: {  	_ =	shalt  }
0x4c: {  	_ =	shalt  }
0x4d: {  	_ =	shalt  }
0x4e: {  	_ =	shalt  }
0x4f: {  	_ =	shalt  }
0x50: {  	_ =	shalt  }
0x51: {  	_ =	shalt  }
0x52: {  	_ =	shalt  }
0x53: {  	_ =	shalt  }
0x54: {  	_ =	shalt  }
0x55: {  	_ =	shalt  }
0x56: {  	_ =	shalt  }
0x57: {  	_ =	shalt  }
0x58: {  	_ =	shalt  }
0x59: {  	_ =	shalt  }
0x5a: {  	_ =	shalt  }
0x5b: {  	_ =	shalt  }
0x5c: {  	_ =	shalt  }
0x5d: {  	_ =	shalt  }
0x5e: {  	_ =	shalt  }
0x5f: {  	_ =	shalt  }
0x60: {  	_ =	shalt  }
0x61: {  	_ =	shalt  }
0x62: {  	_ =	shalt  }
0x63: {  	_ =	shalt  }
0x64: {  	_ =	shalt  }
0x65: {  	_ =	shalt  }
0x66: {  	_ =	shalt  }
0x67: {  	_ =	shalt  }
0x68: {  	_ =	shalt  }
0x69: {  	_ =	shalt  }
0x6a: {  	_ =	shalt  }
0x6b: {  	_ =	shalt  }
0x6c: {  	_ =	shalt  }
0x6d: {  	_ =	shalt  }
0x6e: {  	_ =	shalt  }
0x6f: {  	_ =	shalt  }
0x70: {  	_ =	shalt  }
0x71: {  	_ =	shalt  }
0x72: {  	_ =	shalt  }
0x73: {  	_ =	shalt  }
0x74: {  	_ =	shalt  }
0x75: {  	_ =	shalt  }
0x76: {  	_ =	shalt  }
0x77: {  	_ =	shalt  }
0x78: {  	_ =	shalt  }
0x79: {  	_ =	shalt  }
0x7a: {  	_ =	shalt  }
0x7b: {  	_ =	shalt  }
0x7c: {  	_ =	shalt  }
0x7d: {  	_ =	shalt  }
0x7e: {  	_ =	shalt  }
0x7f: {  	_ =	shalt  }
0x80: {  	_ =	shalt  }
0x81: {  	_ =	shalt  }
0x82: {  	_ =	shalt  }
0x83: {  	_ =	shalt  }
0x84: {  	_ =	shalt  }
0x85: {  	_ =	shalt  }
0x86: {  	_ =	shalt  }
0x87: {  	_ =	shalt  }
.Lfunc_end0:
.L_simem_size_0:
called_computation.8_lowered:
.L_overlay_start_0:
0x88: {  	s2 =	sld [smem:$0x3FD9]  }
0x89: {  	s3 =	sld [smem:$0x3FFE];
	_ =	sdelay $0x1  }
0x8a: {  	s1 =	srdreg.scid  }
0x8b: {  	s0 =	sand.u32 $0x1, s1  }
0x8c: {  	s16 =	sshll.u32 s0, $0xA;
	s2 =	sadd.s32 s3, s2  }
0x8d: {  	s2 =	sadd.s32 s2, s16  }
0x8e: {  	[smem:$0x3FB4] =	sst s2  }
0x8f: {  	_ = 	snop  }
0x90: {  	(tm) =	ssettm $0x1  }
0x91: {  	s17 =	sld [smem:$0x3FFB];
	_ =	sdelay $0x3  }
0x92: {  	_ =	strace s17  }
0x93: {  	s2 =	sld [smem:$0x3FFC];
	_ =	sdelay $0x3  }
0x94: {  	_ =	strace s2  }
0x95: {  	s2 =	sld [smem:$0x3FFD];
	_ =	sdelay $0x3  }
0x96: {  	_ =	strace s2  }
0x97: {  	_ =	strace $0x8FFFFFFF  }
0x98: {  	s18 =	sld [smem:$0x3FDB];
	_ =	sdelay $0x1  }
0x99: {  	s19 =	simm.s32 $_scs_section_size  }
0x9a: {  	s4 =	simm.s32 $_size__tile_overlayer_lowered;
	s5 =	simm.s32 $_tile_overlayer_lowered  }
0x9b: {  	s22 =	simm.s32 $0x1BFF;
	s21 =	sshll.u32 s5, $0x1;
	s2 =	sadd.s32 s19, s18  }
0x9c: {  	s6 =	simm.s32 $0x0;
	s20 =	sshll.u32 s4, $0x1;
	s4 =	sadd.s32 s21, s2  }
0x9d: {  	[timem:s6], [sflag:s22] =	dma.local [hbm:s4], s20  }
0x9e: {  	_ =	swait.ge [sflag:s22], s20  }
0x9f: {  	s3 =	ssub.s32 $0x0, s20;
	[sflag:s22] =	ssyncset.done $0x0  }
0xa0: {  	[sflag:s22] =	ssyncadd.s32 s3;
	_ =	sdelay $0x1  }
0xa1: {  	s23 =	simm.s32 $0x1B8B  }
0xa2: {  	_ =	swait.ge [sflag:s23], $0x1  }
0xa3: {  	[sflag:s23] =	ssyncset.done $0x0  }
0xa4: {  	s25 =	simm.s32 $0x1B8E;
	s24 =	sld [smem:$0x3FFE];
	[sflag:s23] =	ssyncadd.s32 $0xFFFFFFFF  }
0xa5: {  	s26 =	simm.s32 $execute0_lowered;
	[smem:$0x3FD2] =	sst s25  }
0xa6: {  	s4 =	sshll.u32 s26, $0x1;
	_ =	strace $0x8000005E;
	[dreg:$0x1] =	wrdreg $0xFFFFFFFF  }
0xa7: {  	s28 =	simm.s32 $_size_execute0_lowered;
	s2 =	sadd.s32 s2, s4;
	[dreg:$0x0] =	wrdreg $0x0  }
0xa8: {  	s4 =	sshll.u32 s28, $0x1;
	[dreg:$0x2] =	wrdreg s2  }
0xa9: {  	[dreg:$0x3] =	wrdreg s4  }
0xaa: {  	[dreg:$0x4] =	wrdreg $0xC0  }
0xab: {  	_ =	task [dreg:s6], $0x5FFFF  }
0xac: {  	[dreg:$0x1] =	wrdreg $0xFFFFFFFF  }
0xad: {  	[dreg:$0x0] =	wrdreg $0x60  }
0xae: {  	[dreg:$0x2] =	wrdreg s24  }
0xaf: {  	[dreg:$0x3] =	wrdreg $0x98000  }
0xb0: {  	[dreg:$0x4] =	wrdreg $0x9  }
0xb1: {  	_ =	task.clear_ibuf [dreg:s6], $0x5FFFF;
	_ =	strace $0x9000005E  }
0xb2: {  	s29 =	simm.s32 $0x9;
	_ =	strace $0x80000060  }
0xb3: {  	_ =	swait.ge [sflag:s29], $0x1  }
0xb4: {  	[sflag:s29] =	ssyncadd.s32 $0xFFFFFFFF  }
0xb5: {  	_ =	strace $0x90000060  }
0xb6: {  	_ =	sfence  }
0xb7: {  	s30 =	sld [smem:$0x0];
	_ =	sdelay $0x2  }
0xb8: {  	s31 =	sshll.u32 s1, $0xD;
	s1 =	sshrl.u32 s1, $0x2  }
0xb9: {  	s3 =	sand.u32 $0x4000, s31;
	s1 =	sadd.s32 s1, s30  }
0xba: {  	s0 =	sor.u32 s3, s0;
	s1 =	sshll.u32 s1, $0x11  }
0xbb: {  	s0 =	sor.u32 s1, s0  }
0xbc: {  	s0 =	sadd.s32 $0x8F2B, s0  }
0xbd: {  	[sflag:s0] =	ssyncadd.remote.s32 $0x1  }
0xbe: {  	_ =	sfence.sel $0xFFFF  }
0xbf: {  	[dreg:$0x0] =	wrdreg $0xFFFFFFFF;
	(pc) =	sbr.abs _section_cstart, $3  }
0xc0: {  	[dreg:$0x1] =	wrdreg $0xFFFFFFFF  }
0xc1: {  	_ =	task.clear_ibuf [dreg:s6], $0x2FFFF;
	_ =	strace $0x9FFFFFFF  }
0xc2: {  	(tm) =	ssettm $0x7FFFFFFF  }
0xc3: {  	_ =	shalt  }
tec
execute0_lowered:
.L_overlay_start_1:
0x0: {  	(tag) =	ssettag $0x1  }
0x1: {  	s1 =	srdreg.scid;
	s5 =	rddreg [dreg:$0x0]  }
0x2: {  	s0 =	stileid.u32;
	s2 =	rddreg [dreg:$0x1];
	s3 =	simm.s32 $0x0  }
0x3: {  	s14 =	simm.s32 $0x80;
	s15 =	simm.s32 $0x5800;
	s16 =	simm.s32 $0x1  }
0x4: {  	s17 =	simm.s32 $0x0;
	s6 =	sand.u32 $0x1, s1;
	s1 =	rddreg [dreg:$0x2]  }
0x5: {  	s30 =	sshll.u32 s0, $0x1;
	[smem:$0x7FF] =	sst s3;
	s8 =	smul.u32 $0x14000, s0  }
0x6: {  	s31 =	smul.u32 $0x50000, s0;
	s12 =	sshll.u32 s0, $0x6;
	s4 =	sor.u32 s6, s30  }
0x7: {  	_ =	strace $0x8000005F;
	s9 =	smul.u32 $0x140000, s6;
	s6 =	ssub.s32 $0x2, s6  }
0x8: {  	s12 =	sor.u32 $0x1C02, s12;
	s7 =	smul.u32 $0x580, s4;
	s4 =	sadd.s32 $0x6C800, s5  }
0x9: {  	s10 =	sshrl.u32 s8, $0x3;
	s11 =	sshrl.u32 s6, $0x1;
	s8 =	sadd.s32 s8, s9  }
0xa: {  	s10 =	sadd.s32 s10, s5;
	s11 =	ssub.s32 s6, s11;
	s9 =	sshrl.u32 s31, $0x2  }
0xb: {  	s7 =	sadd.s32 s7, s5;
	s8 =	sshrl.u32 s8, $0x3;
	s13 =	sadd.s32 s9, s2  }
0xc: {  	s9 =	smax.u32 s11, $0x1;
	s11 =	simm.s32 $0x2C00;
	s8 =	sadd.s32 s8, s5  }
0xd: {  	s5 =	sadd.s32 $0x12600, s7;
	s6 =	sadd.s32 $0x7600, s7;
	s7 =	sadd.s32 $0x1D600, s10  }
0xe: {  	s10 =	simm.s32 $0x2;
	s13 =	sshrl.u32 s13, $0x3;
	s8 =	sadd.s32 $0x93A00, s8  }
.LBB2_1:
0xf: {  	[tilespmem:s3], [sflag:$0x2] =	stream.linear.gather [hbm4b:s5+s3], $0x2A00, $0x38;
	[tilespmem:$0x1D800] =	vst v63  }
0x10: {  	_ =	swait.ge [sflag:s10], $0x2A00  }
0x11: {  	[sflag:s10] =	ssyncset.done $0x0  }
0x12: {  	[sflag:s10] =	ssyncadd.s32 $0xFFFFD600  }
0x13: {  	[tilespmem:s11], [sflag:$0x2] =	stream.linear.gather [hbm4b:s6+s3], $0x2A00, $0x38;
	[tilespmem:$0x1D800] =	vst v63  }
0x14: {  	_ =	swait.ge [sflag:s10], $0x2A00  }
0x15: {  	[sflag:s10] =	ssyncset.done $0x0  }
0x16: {  	[sflag:s10] =	ssyncadd.s32 $0xFFFFD600  }
0x17: {  	[spmem:s13], [sflag:s12] =	dma.local [hbm:s7], $0x2800  }
0x18: {  	_ =	swait.ge [sflag:s10], $0x2800  }
0x19: {  	[sflag:s10] =	ssyncset.done $0x0  }
0x1a: {  	[sflag:s10] =	ssyncadd.s32 $0xFFFFD800  }
0x1b: {  	s18 =	simm.s32 $0x0;
	[bflag:$0x0] =	sbarrier.arrive $0xFFFF  }
0x1c: {  	[tilespmem:s15], [sflag:$0x1] =	stream.indirect.gather [hbm4b:s4+s14], $0x80, s18, s14, $0xb8;
	[tilespmem:$0x1D800] =	vst v63  }
0x1d: {  	_ =	swait.ge [sflag:s16], $0x4000  }
0x1e: {  	[sflag:s16] =	ssyncset.done $0x0  }
0x1f: {  	s31 =	simm.s32 $0x2C00;
	[sflag:s16] =	ssyncadd.s32 $0xFFFFC000  }
0x20: {  	[spmem:s2] =	stream.indirect.scatter.add.f32 [tilespmem:s15], [sflag:$0x2], $0x80, s31, s14, $0xb8;
	[tilespmem:$0x1D800] =	vst v63  }
0x21: {  	_ =	swait.ge [sflag:s10], $0x4000  }
0x22: {  	s19 =	simm.s32 $0x400;
	s18 =	simm.s32 $0x200;
	[sflag:s10] =	ssyncset.done $0x0  }
.LBB2_2:
0x23: {  	s20 =	sshra.s32 s18, $0x2  }
0x24: {  	[sflag:s10] =	ssyncadd.s32 $0xFFFFC000;
	s18 =	smov.u32 s19;
	s21 =	sadd.s32 $0x200, s19  }
0x25: {  	[tilespmem:s15], [sflag:$0x1] =	stream.indirect.gather [hbm4b:s4+s14], $0x80, s20, s14, $0xb8;
	[tilespmem:$0x1D800] =	vst v63  }
0x26: {  	p0 =	sne.s32 s19, $0xA600;
	_ =	swait.ge [sflag:s16], $0x4000  }
.Ltmp0:
0x27: {  	[sflag:s16] =	ssyncset.done $0x0;
	(pc) =	sbr.rel @p0 .LBB2_2-.Ltmp0, $4  }
0x28: {  	s19 =	sadd.s32 $0x2C00, s20;
	[sflag:s16] =	ssyncadd.s32 $0xFFFFC000  }
0x29: {  	[spmem:s2] =	stream.indirect.scatter.add.f32 [tilespmem:s15], [sflag:$0x2], $0x80, s19, s14, $0xb8;
	[tilespmem:$0x1D800] =	vst v63  }
0x2a: {  	_ =	swait.ge [sflag:s10], $0x4000  }
0x2b: {  	s19 =	smov.u32 s21;
	[sflag:s10] =	ssyncset.done $0x0  }
0x2c: {  	s18 =	sshra.s32 s18, $0x2;
	[sflag:s10] =	ssyncadd.s32 $0xFFFFC000  }
0x2d: {  	[tilespmem:s15], [sflag:$0x1] =	stream.indirect.gather [hbm4b:s4+s14], $0x80, s18, s14, $0xb8;
	[tilespmem:$0x1D800] =	vst v63  }
0x2e: {  	_ =	swait.ge [sflag:s16], $0x4000  }
0x2f: {  	[sflag:s16] =	ssyncset.done $0x0  }
0x30: {  	s18 =	sadd.s32 $0x2C00, s18;
	[sflag:s16] =	ssyncadd.s32 $0xFFFFC000  }
0x31: {  	[spmem:s2] =	stream.indirect.scatter.add.f32 [tilespmem:s15], [sflag:$0x2], $0x80, s18, s14, $0xb8;
	[tilespmem:$0x1D800] =	vst v63  }
0x32: {  	_ =	swait.ge [sflag:s10], $0x4000  }
0x33: {  	s17 =	sadd.s32 $0x1, s17;
	[sflag:s10] =	ssyncset.done $0x0  }
0x34: {  	p0 =	sne.s32 s17, s9;
	[sflag:s10] =	ssyncadd.s32 $0xFFFFC000  }
.Ltmp1:
0x35: {  	[bflag:$0x0] =	sbarrier.arrive $0xFFFF;
	(pc) =	sbr.rel @p0 .LBB2_1-.Ltmp1, $4  }
0x36: {  	[hbm:s8], [sflag:s12] =	dma.local [spmem:s13], $0x2800  }
0x37: {  	_ =	swait.ge [sflag:s10], $0x2800  }
0x38: {  	[sflag:s10] =	ssyncset.done $0x0  }
0x39: {  	[sflag:s10] =	ssyncadd.s32 $0xFFFFD800  }
0x3a: {  	_ =	sfence.sel $0x180000  }
0x3b: {  	[bflag:$0x0] =	sbarrier.arrive $0xFFFF  }
0x3c: {  	p0 =	sne.s32 s0, $0x0;
	_ =	strace $0x9000005F  }
0x3d: {  	s0 =	sadd.s32 @!p0 $0x100000, s1;
	[bflag:$0x2] =	sbarrier.arrive $0xFFFF  }
0x3e: {  	[sflag:s0] =	ssyncadd.tile.s32 @!p0 $0x1;
	_ =	shalt  }
.Lfunc_end2:
_tile_overlayer_lowered:
.L_overlay_start_2:
0x3f: {  	(tag) =	ssettag $0x2  }
0x40: {  	s0 =	rddreg [dreg:$0x0];
	s2 =	stileid.u32  }
0x41: {  	s1 =	rddreg [dreg:$0x1];
	p0 =	sne.s32 s2, $0x0  }
0x42: {  	s3 =	rddreg [dreg:$0x2];
	[bflag:$0x3] =	sbarrier.arrive $0xFFFF;
	s2 =	simm.s32 @!p0 $0x1C02  }
0x43: {  	[timem:s3], [sflag:s2] =	dma.local @!p0 [hbm:s0], s1  }
0x44: {  	s0 =	simm.s32 @!p0 $0x2  }
0x45: {  	_ =	swait.ge @!p0 [sflag:s0], s1  }
0x46: {  	s1 =	ssub.s32 @!p0 $0x0, s1;
	[sflag:s0] =	ssyncset.done @!p0 $0x0  }
0x47: {  	[sflag:s0] =	ssyncadd.s32 @!p0 s1  }
0x48: {  	[bflag:$0x3] =	sbarrier.arrive $0xFFFF  }
0x49: {  	_ =	shalt  }

</sc_bundles>
